<compile_context>
chip_gen: v7x
topology: tpu7x:2x2x1
jax: 0.10.2.dev20260603
libtpu: 0.0.44.dev20260713+nightly
codegen_flags: <defaults>
</compile_context>

<pallas_src>
import functools

import jax
import jax.numpy as jnp
import numpy as np
from jax import lax
from jax.experimental import pallas as pl
from jax.experimental.pallas import tpu as pltpu
from jax.experimental.pallas import tpu_sc as plsc

N = 10000
E = 320000
D = 128
E_DIM = 16
H = 8
HEAD_DIM = 16
SCALE = HEAD_DIM ** (-0.5)

A_W = 144
KV_W = 128
OUT_W = 80

EPW = E // 16
B = 80
NCHUNK = EPW // B
N_PAD = 10240
ROWS_PER_TILE = N_PAD // 16
ZROWS = 64

LANE4 = (0, 8, 4, 12)

RB1 = 2000
RB2 = 2000


def _table_kernel(x_ref, wa_ref, ba_ref, wkv_ref, bkv_ref, a_ref, kv_ref):
    xb = x_ref[...]
    a = jnp.dot(xb, wa_ref[...], preferred_element_type=jnp.float32) + ba_ref[...]
    kv = jnp.dot(xb, wkv_ref[...], preferred_element_type=jnp.float32) + bkv_ref[...]
    a_ref[0] = a[:, 0:A_W]
    a_ref[1] = a[:, A_W:2 * A_W]
    kv_ref[0] = kv[:, 0:KV_W]
    kv_ref[1] = kv[:, KV_W:2 * KV_W]


def _finalize_kernel(p_ref, rep_ref, wot_ref, bo_ref, o_ref):
    p0 = p_ref[0]
    p1 = p_ref[1]
    num = jnp.concatenate([p0[:, 0:64], p1[:, 0:64]], axis=1)
    den = jnp.concatenate([p0[:, 64:80], p1[:, 64:80]], axis=1)
    den128 = jnp.dot(den, rep_ref[...], preferred_element_type=jnp.float32)
    recip = jnp.where(den128 > 0.0, 1.0 / den128, 0.0)
    o_ref[...] = (
        jnp.dot(num * recip, wot_ref[...], preferred_element_type=jnp.float32)
        + bo_ref[...]
    )


def _sc_edge_kernel(a_hbm, kv_hbm, src_hbm, dst_hbm, ea_hbm, zero_hbm, parts_hbm,
                    si0, si1, di0, di1, ds0, ds1, dio0, dio1, sio0, sio1,
                    ea0, ea1, ab0, ab1, kvb0, kvb1, msgb, acc,
                    sga0, sga1, sgk0, sgk1, sea0, sea1, sdx0, sdx1, ssx0, ssx1):
    cid = lax.axis_index("c")
    sid = lax.axis_index("s")
    wbase = sid * EPW
    goff = cid * N

    sib = (si0, si1)
    dib = (di0, di1)
    dscb = (ds0, ds1)
    diob = (dio0, dio1)
    siob = (sio0, sio1)
    eabb = (ea0, ea1)
    abb = (ab0, ab1)
    kvbb = (kvb0, kvb1)
    sgab = (sga0, sga1)
    sgkb = (sgk0, sgk1)
    seab = (sea0, sea1)
    sdxb = (sdx0, sdx1)
    ssxb = (ssx0, ssx1)

    def zcopy(i, _):
        pltpu.sync_copy(zero_hbm,
                        acc.at[pl.ds(sid * ROWS_PER_TILE + i * ZROWS, ZROWS)])
        return 0

    lax.fori_loop(0, ROWS_PER_TILE // ZROWS, zcopy, 0)
    plsc.subcore_barrier()

    iot = lax.broadcasted_iota(jnp.int32, (16,), 0)
    dn = lax.GatherDimensionNumbers(
        offset_dims=(), collapsed_slice_dims=(0,), start_index_map=(0,))
    perm = {sh: (iot ^ sh)[:, None] for sh in (8, 4, 2, 1)}
    m8 = iot < 8
    m4 = (iot & 4) == 0

    def _p(t, sh):
        return lax.gather(t, perm[sh], dn, (1,),
                          mode=lax.GatherScatterMode.PROMISE_IN_BOUNDS)

    def load_idx_async(c, p):
        base = wbase + c * B
        pltpu.async_copy(dst_hbm.at[pl.ds(base, B)], dib[p], sdxb[p])
        pltpu.async_copy(src_hbm.at[pl.ds(base, B)], sib[p], ssxb[p])

    def prep_and_fire(c, p):
        base = wbase + c * B
        pltpu.make_async_copy(dst_hbm.at[pl.ds(base, B)], dib[p], sdxb[p]).wait()
        pltpu.make_async_copy(src_hbm.at[pl.ds(base, B)], sib[p], ssxb[p]).wait()
        for j in range(B // 16):
            sl = pl.ds(j * 16, 16)
            dv = dib[p][sl]
            dscb[p][sl] = dv
            diob[p][sl] = dv + goff
            siob[p][sl] = sib[p][sl] + goff
        pltpu.async_copy(a_hbm.at[diob[p]], abb[p], sgab[p])
        pltpu.async_copy(kv_hbm.at[siob[p]], kvbb[p], sgkb[p])
        pltpu.async_copy(ea_hbm.at[pl.ds(base, B)], eabb[p], seab[p])

    def make_edge_body(p):
        ab = abb[p]
        kvb = kvbb[p]
        eab = eabb[p]

        def tree(e):
            eav = eab[e, :]
            ts = []
            for hl in range(4):
                q = ab[e, pl.ds(hl * 16, 16)]
                w = ab[e, pl.ds(64 + hl * 16, 16)]
                k = kvb[e, pl.ds(hl * 16, 16)]
                t = q * k + w * eav
                ts.append(t + _p(t, 8))
            m0 = jnp.where(m8, ts[0], ts[1])
            m1 = jnp.where(m8, ts[2], ts[3])
            u0 = m0 + _p(m0, 4)
            u1 = m1 + _p(m1, 4)
            n = jnp.where(m4, u0, u1)
            w_ = n + _p(n, 2)
            f = w_ + _p(w_, 1)
            return jnp.exp(f + ab[e, pl.ds(2 * 64, 16)])

        def emit(e, ev):
            msgb[e, pl.ds(64, 16)] = ev
            for hl in range(4):
                msgb[e, pl.ds(hl * 16, 16)] = (
                    kvb[e, pl.ds(64 + hl * 16, 16)] * ev[LANE4[hl]])

        def body(e4, _):
            e = e4 * 4
            evs = [tree(e + i) for i in range(4)]
            for i in range(4):
                emit(e + i, evs[i])
            return 0

        return body

    bodies = (make_edge_body(0), make_edge_body(1))

    def wait_and_compute(c, p):
        base = wbase + c * B
        pltpu.make_async_copy(a_hbm.at[diob[p]], abb[p], sgab[p]).wait()
        pltpu.make_async_copy(kv_hbm.at[siob[p]], kvbb[p], sgkb[p]).wait()
        pltpu.make_async_copy(ea_hbm.at[pl.ds(base, B)], eabb[p], seab[p]).wait()
        lax.fori_loop(0, B // 4, bodies[p], 0)
        pltpu.sync_copy(msgb, acc.at[dscb[p]], add=True)

    load_idx_async(0, 0)
    prep_and_fire(0, 0)
    load_idx_async(1, 1)

    def chunk2_body(c2, _):
        c = c2 * 2

        @pl.when(c + 1 < NCHUNK)
        def _():
            prep_and_fire(c + 1, 1)

        @pl.when(c + 2 < NCHUNK)
        def _():
            load_idx_async(c + 2, 0)

        wait_and_compute(c, 0)

        @pl.when(c + 2 < NCHUNK)
        def _():
            prep_and_fire(c + 2, 0)

        @pl.when(c + 3 < NCHUNK)
        def _():
            load_idx_async(c + 3, 1)

        @pl.when(c + 1 < NCHUNK)
        def _():
            wait_and_compute(c + 1, 1)

        return 0

    lax.fori_loop(0, (NCHUNK + 1) // 2, chunk2_body, 0)

    plsc.subcore_barrier()

    def pub(i, _):
        r0 = sid * ROWS_PER_TILE + i * ZROWS
        pltpu.sync_copy(acc.at[pl.ds(r0, ZROWS)], parts_hbm.at[cid, pl.ds(r0, ZROWS)])
        return 0

    lax.fori_loop(0, ROWS_PER_TILE // ZROWS, pub, 0)


def kernel(x, edge_index, edge_attr, Wq, bq, Wk, bk, Wv, bv, We, be, Wo, bo):
    f32 = jnp.float32
    M = jnp.zeros((D, D), f32)
    B2 = jnp.zeros((D, H), f32)
    for h in range(H):
        sl = slice(h * 16, (h + 1) * 16)
        M = M.at[sl, sl].set(We[sl, :])
        B2 = B2.at[sl, h].set(be[sl])
    WqT = Wq.T * SCALE
    bqs = bq * SCALE
    qbe_w, qbe_b = WqT @ B2, bqs @ B2
    spread = np.zeros((H, 32), np.float32)
    for g in range(2):
        for hl in range(4):
            spread[g * 4 + hl, g * 16 + LANE4[hl]] = 1.0
    spread = jnp.asarray(spread)
    qbe_cols = qbe_w @ spread
    qbe_bcols = qbe_b @ spread
    WA = jnp.concatenate([
        WqT[:, 0:64], (WqT @ M)[:, 0:64], qbe_cols[:, 0:16],
        WqT[:, 64:128], (WqT @ M)[:, 64:128], qbe_cols[:, 16:32]], axis=1)
    bA = jnp.concatenate([
        bqs[0:64], (bqs @ M)[0:64], qbe_bcols[0:16],
        bqs[64:128], (bqs @ M)[64:128], qbe_bcols[16:32]])
    WKV = jnp.concatenate([
        Wk.T[:, 0:64], Wv.T[:, 0:64],
        Wk.T[:, 64:128], Wv.T[:, 64:128]], axis=1)
    bKV = jnp.concatenate([bk[0:64], bv[0:64], bk[64:128], bv[64:128]])
    rep = np.zeros((32, D), np.float32)
    for g in range(2):
        for hl in range(4):
            h = g * 4 + hl
            rep[g * 16 + LANE4[hl], h * 16:(h + 1) * 16] = 1.0
    REP = jnp.asarray(rep)
    src = edge_index[0]
    dst = edge_index[1]
    zeros_blk = jnp.zeros((ZROWS, OUT_W), f32)

    a_tab, kv_tab = pl.pallas_call(
        _table_kernel,
        grid=(N // RB1,),
        in_specs=[
            pl.BlockSpec((RB1, D), lambda i: (i, 0)),
            pl.BlockSpec((D, 2 * A_W), lambda i: (0, 0)),
            pl.BlockSpec((2 * A_W,), lambda i: (0,)),
            pl.BlockSpec((D, 2 * KV_W), lambda i: (0, 0)),
            pl.BlockSpec((2 * KV_W,), lambda i: (0,)),
        ],
        out_specs=[
            pl.BlockSpec((2, RB1, A_W), lambda i: (0, i, 0)),
            pl.BlockSpec((2, RB1, KV_W), lambda i: (0, i, 0)),
        ],
        out_shape=[
            jax.ShapeDtypeStruct((2, N, A_W), f32),
            jax.ShapeDtypeStruct((2, N, KV_W), f32),
        ],
    )(x, WA, bA, WKV, bKV)
    a_flat = a_tab.reshape(2 * N, A_W)
    kv_flat = kv_tab.reshape(2 * N, KV_W)

    mesh = plsc.VectorSubcoreMesh(core_axis_name="c", subcore_axis_name="s")
    sc_fn = functools.partial(
        pl.kernel,
        out_type=jax.ShapeDtypeStruct((2, N_PAD, OUT_W), f32),
        mesh=mesh,
        compiler_params=pltpu.CompilerParams(use_tc_tiling_on_sc=False),
        scratch_types=[
            pltpu.VMEM((B,), jnp.int32),
            pltpu.VMEM((B,), jnp.int32),
            pltpu.VMEM((B,), jnp.int32),
            pltpu.VMEM((B,), jnp.int32),
            pltpu.VMEM((B,), jnp.int32),
            pltpu.VMEM((B,), jnp.int32),
            pltpu.VMEM((B,), jnp.int32),
            pltpu.VMEM((B,), jnp.int32),
            pltpu.VMEM((B,), jnp.int32),
            pltpu.VMEM((B,), jnp.int32),
            pltpu.VMEM((B, E_DIM), f32),
            pltpu.VMEM((B, E_DIM), f32),
            pltpu.VMEM((B, A_W), f32),
            pltpu.VMEM((B, A_W), f32),
            pltpu.VMEM((B, KV_W), f32),
            pltpu.VMEM((B, KV_W), f32),
            pltpu.VMEM((B, OUT_W), f32),
            pltpu.VMEM_SHARED((N_PAD, OUT_W), f32),
            pltpu.SemaphoreType.DMA,
            pltpu.SemaphoreType.DMA,
            pltpu.SemaphoreType.DMA,
            pltpu.SemaphoreType.DMA,
            pltpu.SemaphoreType.DMA,
            pltpu.SemaphoreType.DMA,
            pltpu.SemaphoreType.DMA,
            pltpu.SemaphoreType.DMA,
            pltpu.SemaphoreType.DMA,
            pltpu.SemaphoreType.DMA,
        ],
    )(_sc_edge_kernel)
    parts = sc_fn(a_flat, kv_flat, src, dst, edge_attr, zeros_blk)

    out = pl.pallas_call(
        _finalize_kernel,
        grid=(N // RB2,),
        in_specs=[
            pl.BlockSpec((2, RB2, OUT_W), lambda i: (0, i, 0)),
            pl.BlockSpec((32, D), lambda i: (0, 0)),
            pl.BlockSpec((D, D), lambda i: (0, 0)),
            pl.BlockSpec((D,), lambda i: (0,)),
        ],
        out_specs=pl.BlockSpec((RB2, D), lambda i: (i, 0)),
        out_shape=jax.ShapeDtypeStruct((N, D), f32),
    )(parts, REP, Wo.T, bo)
    return out

# --- scband reference (transcript-rebuilt; emitter-appended) ---
"""Pipeline reference for scband-multi-head-graph-attention-38628935860830 (READ-ONLY COPY).

The authoritative reference and input builder live on the scoring server;
editing this copy changes nothing except your own understanding.
"""

import jax, jax.numpy as jnp
import numpy as np

N_NODES = 10000
N_EDGES = 320000
D = 128
E_DIM = 16
H = 8
HEAD_DIM = D // H
SCALE = HEAD_DIM ** (-0.5)


def setup_inputs(seed: int = 0) -> dict:
    key = jax.random.key(seed)
    ks = jax.random.split(key, 16)
    x = jax.random.normal(ks[0], (N_NODES, D), dtype=jnp.float32)
    edge_index = jax.random.randint(ks[1], (2, N_EDGES), 0, N_NODES, dtype=jnp.int64 if jax.config.jax_enable_x64 else jnp.int32).astype(jnp.int32)
    edge_attr = jax.random.normal(ks[2], (N_EDGES, E_DIM), dtype=jnp.float32)
    s = 1.0 / np.sqrt(D)
    se = 1.0 / np.sqrt(E_DIM)
    Wq = jax.random.uniform(ks[3], (D, D), jnp.float32, -s, s)
    bq = jax.random.uniform(ks[4], (D,), jnp.float32, -s, s)
    Wk = jax.random.uniform(ks[5], (D, D), jnp.float32, -s, s)
    bk = jax.random.uniform(ks[6], (D,), jnp.float32, -s, s)
    Wv = jax.random.uniform(ks[7], (D, D), jnp.float32, -s, s)
    bv = jax.random.uniform(ks[8], (D,), jnp.float32, -s, s)
    We = jax.random.uniform(ks[9], (D, E_DIM), jnp.float32, -se, se)
    be = jax.random.uniform(ks[10], (D,), jnp.float32, -se, se)
    Wo = jax.random.uniform(ks[11], (D, D), jnp.float32, -s, s)
    bo = jax.random.uniform(ks[12], (D,), jnp.float32, -s, s)
    return {"x": x, "edge_index": edge_index, "edge_attr": edge_attr,
            "Wq": Wq, "bq": bq, "Wk": Wk, "bk": bk, "Wv": Wv, "bv": bv,
            "We": We, "be": be, "Wo": Wo, "bo": bo}


def reference(x, edge_index, edge_attr, Wq, bq, Wk, bk, Wv, bv, We, be, Wo, bo):
    src = edge_index[0]
    dst = edge_index[1]
    n = x.shape[0]
    q = (x @ Wq.T + bq).reshape(n, H, HEAD_DIM)
    k = (x @ Wk.T + bk).reshape(n, H, HEAD_DIM)
    v = (x @ Wv.T + bv).reshape(n, H, HEAD_DIM)
    q_dst = jnp.take(q, dst, axis=0)
    k_src = jnp.take(k, src, axis=0)
    logits = (q_dst * k_src).sum(-1) * SCALE
    e = (edge_attr @ We.T + be).reshape(-1, H, HEAD_DIM)
    logits = logits + (q_dst * e).sum(-1) * SCALE
    # scatter softmax over dst
    seg_max = jax.ops.segment_max(logits, dst, num_segments=n)
    seg_max = jnp.where(jnp.isfinite(seg_max), seg_max, 0.0)
    ex = jnp.exp(logits - jnp.take(seg_max, dst, axis=0))
    denom = jax.ops.segment_sum(ex, dst, num_segments=n)
    attn = ex / jnp.take(denom, dst, axis=0)
    messages = attn[..., None] * jnp.take(v, src, axis=0)
    out = jax.ops.segment_sum(messages, dst, num_segments=n)
    out = out.reshape(n, -1)
    return out @ Wo.T + bo

if __name__ == "__main__":
    import jax
    _d = setup_inputs()
    print(jax.jit(kernel)(*tuple(_d.values())))

</pallas_src>

<mosaic_0001>
#map = affine_map<(d0, d1) -> (0, 0)>
#map1 = affine_map<(d0, d1) -> (0)>
#map2 = affine_map<(d0, d1) -> (0, 0, 0)>
module attributes {stable_mosaic.version = 14 : i64} {
  func.func @_sc_edge_kernel(%arg0: i32, %arg1: i32, %arg2: memref<20000x144xf32, #tpu.memory_space<hbm>>, %arg3: memref<20000x128xf32, #tpu.memory_space<hbm>>, %arg4: memref<320000xi32, #tpu.memory_space<hbm>>, %arg5: memref<320000xi32, #tpu.memory_space<hbm>>, %arg6: memref<320000x16xf32, #tpu.memory_space<hbm>>, %arg7: memref<64x80xf32, #tpu.memory_space<hbm>>, %arg8: memref<2x10240x80xf32, #tpu.memory_space<hbm>>, %arg9: memref<80xi32, #tpu.memory_space<vmem>>, %arg10: memref<80xi32, #tpu.memory_space<vmem>>, %arg11: memref<80xi32, #tpu.memory_space<vmem>>, %arg12: memref<80xi32, #tpu.memory_space<vmem>>, %arg13: memref<80xi32, #tpu.memory_space<vmem>>, %arg14: memref<80xi32, #tpu.memory_space<vmem>>, %arg15: memref<80xi32, #tpu.memory_space<vmem>>, %arg16: memref<80xi32, #tpu.memory_space<vmem>>, %arg17: memref<80xi32, #tpu.memory_space<vmem>>, %arg18: memref<80xi32, #tpu.memory_space<vmem>>, %arg19: memref<80x16xf32, #tpu.memory_space<vmem>>, %arg20: memref<80x16xf32, #tpu.memory_space<vmem>>, %arg21: memref<80x144xf32, #tpu.memory_space<vmem>>, %arg22: memref<80x144xf32, #tpu.memory_space<vmem>>, %arg23: memref<80x128xf32, #tpu.memory_space<vmem>>, %arg24: memref<80x128xf32, #tpu.memory_space<vmem>>, %arg25: memref<80x80xf32, #tpu.memory_space<vmem>>, %arg26: memref<10240x80xf32, #tpu.memory_space<vmem_shared>>, %arg27: memref<!tpu.dma_semaphore, #tpu.memory_space<semaphore_mem>>, %arg28: memref<!tpu.dma_semaphore, #tpu.memory_space<semaphore_mem>>, %arg29: memref<!tpu.dma_semaphore, #tpu.memory_space<semaphore_mem>>, %arg30: memref<!tpu.dma_semaphore, #tpu.memory_space<semaphore_mem>>, %arg31: memref<!tpu.dma_semaphore, #tpu.memory_space<semaphore_mem>>, %arg32: memref<!tpu.dma_semaphore, #tpu.memory_space<semaphore_mem>>, %arg33: memref<!tpu.dma_semaphore, #tpu.memory_space<semaphore_mem>>, %arg34: memref<!tpu.dma_semaphore, #tpu.memory_space<semaphore_mem>>, %arg35: memref<!tpu.dma_semaphore, #tpu.memory_space<semaphore_mem>>, %arg36: memref<!tpu.dma_semaphore, #tpu.memory_space<semaphore_mem>>) attributes {dimension_semantics = [#tpu.dimension_semantics<core_parallel>, #tpu.dimension_semantics<subcore_parallel>], iteration_bounds = array<i64: 2, 16>, scalar_prefetch = 0 : i64, scratch_operands = 28 : i64, tpu.core_type = #tpu.core_type<sc_vector_subcore>, window_params = [{transform_indices = #map}, {transform_indices = #map}, {transform_indices = #map1}, {transform_indices = #map1}, {transform_indices = #map}, {transform_indices = #map}, {transform_indices = #map2}]} {
    %mul3A = arith.constant 20000 : i32
    %mul3A_0 = arith.muli %arg1, %mul3A : i32
    %mul3A_1 = arith.constant 10000 : i32
    %mul3A_2 = arith.muli %arg0, %mul3A_1 : i32
    %scan3A = arith.constant 0 : i32
    %scan3A_3 = arith.constant 0 : i32
    %scan3A_4 = arith.constant 10 : i32
    %scan3A_5 = arith.addi %scan3A_3, %scan3A_4 : i32
    %scan3A_6 = arith.constant 1 : i32
    %scan3A_7 = scf.for %scan3A_177 = %scan3A_3 to %scan3A_5 step %scan3A_6 iter_args(%scan3A_178 = %scan3A) -> (i32)  : i32 {
      %mul3A_179 = arith.constant 640 : i32
      %mul3A_180 = arith.muli %arg1, %mul3A_179 : i32
      %mul3A_181 = arith.constant 64 : i32
      %mul3A_182 = arith.muli %scan3A_177, %mul3A_181 : i32
      %add3A_183 = arith.addi %mul3A_180, %mul3A_182 : i32
      "tpu.region"() ({
        %run_scoped3A = tpu.sem_alloc : memref<!tpu.dma_semaphore, #tpu.memory_space<semaphore_mem>>
        %dma_start3A_185 = arith.constant 0 : i32
        %dma_start3A_186 = tpu.memref_slice %arg26[%add3A_183, %dma_start3A_185] : memref<10240x80xf32, #tpu.memory_space<vmem_shared>> -> memref<64x80xf32, #tpu.memory_space<vmem_shared>>
        tpu.enqueue_dma source(%arg7 : memref<64x80xf32, #tpu.memory_space<hbm>>) target(%dma_start3A_186 : memref<64x80xf32, #tpu.memory_space<vmem_shared>>) target_semaphore(%run_scoped3A : memref<!tpu.dma_semaphore, #tpu.memory_space<semaphore_mem>>)
        %dma_wait3A_187 = arith.constant 0 : i32
        %dma_wait3A_188 = tpu.memref_slice %arg26[%add3A_183, %dma_wait3A_187] : memref<10240x80xf32, #tpu.memory_space<vmem_shared>> -> memref<64x80xf32, #tpu.memory_space<vmem_shared>>
        tpu.wait_dma2 semaphore(%run_scoped3A : memref<!tpu.dma_semaphore, #tpu.memory_space<semaphore_mem>>) src(%arg7 : memref<64x80xf32, #tpu.memory_space<hbm>>) dst(%dma_wait3A_188 : memref<64x80xf32, #tpu.memory_space<vmem_shared>>)
        tpu.yield
      }) : () -> ()
      %scan3A_184 = arith.constant 0 : i32
      scf.yield %scan3A_184 : i32
    }
    %scan3A_8 = arith.constant 10 : i32
    %barrier3A = arith.constant 0 : index
    tpu.barrier barrier_id(%barrier3A)
    %iota3A = tpu.iota {dimensions = array<i32: 0>} : vector<16xi32>
    %xor3A = arith.constant 8 : i32
    %xor3A_9 = vector.broadcast %xor3A : i32 to vector<16xi32>
    %xor3A_10 = arith.xori %iota3A, %xor3A_9 : vector<16xi32>
    %broadcast_in_dim3A = vector.shape_cast %xor3A_10 : vector<16xi32> to vector<16x1xi32>
    %xor3A_11 = arith.constant 4 : i32
    %xor3A_12 = vector.broadcast %xor3A_11 : i32 to vector<16xi32>
    %xor3A_13 = arith.xori %iota3A, %xor3A_12 : vector<16xi32>
    %broadcast_in_dim3A_14 = vector.shape_cast %xor3A_13 : vector<16xi32> to vector<16x1xi32>
    %xor3A_15 = arith.constant 2 : i32
    %xor3A_16 = vector.broadcast %xor3A_15 : i32 to vector<16xi32>
    %xor3A_17 = arith.xori %iota3A, %xor3A_16 : vector<16xi32>
    %broadcast_in_dim3A_18 = vector.shape_cast %xor3A_17 : vector<16xi32> to vector<16x1xi32>
    %xor3A_19 = arith.constant 1 : i32
    %xor3A_20 = vector.broadcast %xor3A_19 : i32 to vector<16xi32>
    %xor3A_21 = arith.xori %iota3A, %xor3A_20 : vector<16xi32>
    %broadcast_in_dim3A_22 = vector.shape_cast %xor3A_21 : vector<16xi32> to vector<16x1xi32>
    %lt3A = arith.constant 8 : i32
    %lt3A_23 = vector.broadcast %lt3A : i32 to vector<16xi32>
    %lt3A_24 = arith.cmpi slt, %iota3A, %lt3A_23 : vector<16xi32>
    %and3A = arith.constant 4 : i32
    %and3A_25 = vector.broadcast %and3A : i32 to vector<16xi32>
    %and3A_26 = arith.andi %iota3A, %and3A_25 : vector<16xi32>
    %eq3A = arith.constant 0 : i32
    %eq3A_27 = vector.broadcast %eq3A : i32 to vector<16xi32>
    %eq3A_28 = arith.cmpi eq, %and3A_26, %eq3A_27 : vector<16xi32>
    %add3A = arith.constant 0 : i32
    %add3A_29 = arith.addi %mul3A_0, %add3A : i32
    %dma_start3A = tpu.memref_slice %arg5[%add3A_29] : memref<320000xi32, #tpu.memory_space<hbm>> -> memref<80xi32, #tpu.memory_space<hbm>>
    %dma_start3A_30 = tpu.memref_slice %arg5[%add3A_29] : memref<320000xi32, #tpu.memory_space<hbm>> -> memref<80xi32, #tpu.memory_space<hbm>>
    tpu.enqueue_dma source(%dma_start3A_30 : memref<80xi32, #tpu.memory_space<hbm>>) target(%arg11 : memref<80xi32, #tpu.memory_space<vmem>>) target_semaphore(%arg33 : memref<!tpu.dma_semaphore, #tpu.memory_space<semaphore_mem>>)
    %dma_start3A_31 = tpu.memref_slice %arg4[%add3A_29] : memref<320000xi32, #tpu.memory_space<hbm>> -> memref<80xi32, #tpu.memory_space<hbm>>
    %dma_start3A_32 = tpu.memref_slice %arg4[%add3A_29] : memref<320000xi32, #tpu.memory_space<hbm>> -> memref<80xi32, #tpu.memory_space<hbm>>
    tpu.enqueue_dma source(%dma_start3A_32 : memref<80xi32, #tpu.memory_space<hbm>>) target(%arg9 : memref<80xi32, #tpu.memory_space<vmem>>) target_semaphore(%arg35 : memref<!tpu.dma_semaphore, #tpu.memory_space<semaphore_mem>>)
    %add3A_33 = arith.constant 0 : i32
    %add3A_34 = arith.addi %mul3A_0, %add3A_33 : i32
    %dma_wait3A = tpu.memref_slice %arg5[%add3A_34] : memref<320000xi32, #tpu.memory_space<hbm>> -> memref<80xi32, #tpu.memory_space<hbm>>
    %dma_wait3A_35 = tpu.memref_slice %arg5[%add3A_34] : memref<320000xi32, #tpu.memory_space<hbm>> -> memref<80xi32, #tpu.memory_space<hbm>>
    tpu.wait_dma2 semaphore(%arg33 : memref<!tpu.dma_semaphore, #tpu.memory_space<semaphore_mem>>) src(%dma_wait3A_35 : memref<80xi32, #tpu.memory_space<hbm>>) dst(%arg11 : memref<80xi32, #tpu.memory_space<vmem>>)
    %dma_wait3A_36 = tpu.memref_slice %arg4[%add3A_34] : memref<320000xi32, #tpu.memory_space<hbm>> -> memref<80xi32, #tpu.memory_space<hbm>>
    %dma_wait3A_37 = tpu.memref_slice %arg4[%add3A_34] : memref<320000xi32, #tpu.memory_space<hbm>> -> memref<80xi32, #tpu.memory_space<hbm>>
    tpu.wait_dma2 semaphore(%arg35 : memref<!tpu.dma_semaphore, #tpu.memory_space<semaphore_mem>>) src(%dma_wait3A_37 : memref<80xi32, #tpu.memory_space<hbm>>) dst(%arg9 : memref<80xi32, #tpu.memory_space<vmem>>)
    %get3A = arith.constant 0 : index
    %get3A_38 = tpu.vector_load %arg11[%get3A] {strides = array<i32>} : memref<80xi32, #tpu.memory_space<vmem>>, vector<16xi32>,
    %get3A_39 = vector.shape_cast %get3A_38 : vector<16xi32> to vector<16xi32>
    %swap3A = arith.constant 0 : index
    %swap3A_40 = tpu.vector_load %arg13[%swap3A] {strides = array<i32>} : memref<80xi32, #tpu.memory_space<vmem>>, vector<16xi32>,
    %swap3A_41 = vector.shape_cast %swap3A_40 : vector<16xi32> to vector<16xi32>
    %swap3A_42 = vector.shape_cast %get3A_39 : vector<16xi32> to vector<16xi32>
    tpu.vector_store %arg13[%swap3A], %swap3A_42 {strides = array<i32>} : memref<80xi32, #tpu.memory_space<vmem>>, vector<16xi32>,
    %add3A_43 = vector.broadcast %mul3A_2 : i32 to vector<16xi32>
    %add3A_44 = arith.addi %get3A_39, %add3A_43 : vector<16xi32>
    %swap3A_45 = arith.constant 0 : index
    %swap3A_46 = tpu.vector_load %arg15[%swap3A_45] {strides = array<i32>} : memref<80xi32, #tpu.memory_space<vmem>>, vector<16xi32>,
    %swap3A_47 = vector.shape_cast %swap3A_46 : vector<16xi32> to vector<16xi32>
    %swap3A_48 = vector.shape_cast %add3A_44 : vector<16xi32> to vector<16xi32>
    tpu.vector_store %arg15[%swap3A_45], %swap3A_48 {strides = array<i32>} : memref<80xi32, #tpu.memory_space<vmem>>, vector<16xi32>,
    %get3A_49 = arith.constant 0 : index
    %get3A_50 = tpu.vector_load %arg9[%get3A_49] {strides = array<i32>} : memref<80xi32, #tpu.memory_space<vmem>>, vector<16xi32>,
    %get3A_51 = vector.shape_cast %get3A_50 : vector<16xi32> to vector<16xi32>
    %add3A_52 = vector.broadcast %mul3A_2 : i32 to vector<16xi32>
    %add3A_53 = arith.addi %get3A_51, %add3A_52 : vector<16xi32>
    %swap3A_54 = arith.constant 0 : index
    %swap3A_55 = tpu.vector_load %arg17[%swap3A_54] {strides = array<i32>} : memref<80xi32, #tpu.memory_space<vmem>>, vector<16xi32>,
    %swap3A_56 = vector.shape_cast %swap3A_55 : vector<16xi32> to vector<16xi32>
    %swap3A_57 = vector.shape_cast %add3A_53 : vector<16xi32> to vector<16xi32>
    tpu.vector_store %arg17[%swap3A_54], %swap3A_57 {strides = array<i32>} : memref<80xi32, #tpu.memory_space<vmem>>, vector<16xi32>,
    %get3A_58 = arith.constant 16 : index
    %get3A_59 = tpu.vector_load %arg11[%get3A_58] {strides = array<i32>} : memref<80xi32, #tpu.memory_space<vmem>>, vector<16xi32>,
    %get3A_60 = vector.shape_cast %get3A_59 : vector<16xi32> to vector<16xi32>
    %swap3A_61 = arith.constant 16 : index
    %swap3A_62 = tpu.vector_load %arg13[%swap3A_61] {strides = array<i32>} : memref<80xi32, #tpu.memory_space<vmem>>, vector<16xi32>,
    %swap3A_63 = vector.shape_cast %swap3A_62 : vector<16xi32> to vector<16xi32>
    %swap3A_64 = vector.shape_cast %get3A_60 : vector<16xi32> to vector<16xi32>
    tpu.vector_store %arg13[%swap3A_61], %swap3A_64 {strides = array<i32>} : memref<80xi32, #tpu.memory_space<vmem>>, vector<16xi32>,
    %add3A_65 = vector.broadcast %mul3A_2 : i32 to vector<16xi32>
    %add3A_66 = arith.addi %get3A_60, %add3A_65 : vector<16xi32>
    %swap3A_67 = arith.constant 16 : index
    %swap3A_68 = tpu.vector_load %arg15[%swap3A_67] {strides = array<i32>} : memref<80xi32, #tpu.memory_space<vmem>>, vector<16xi32>,
    %swap3A_69 = vector.shape_cast %swap3A_68 : vector<16xi32> to vector<16xi32>
    %swap3A_70 = vector.shape_cast %add3A_66 : vector<16xi32> to vector<16xi32>
    tpu.vector_store %arg15[%swap3A_67], %swap3A_70 {strides = array<i32>} : memref<80xi32, #tpu.memory_space<vmem>>, vector<16xi32>,
    %get3A_71 = arith.constant 16 : index
    %get3A_72 = tpu.vector_load %arg9[%get3A_71] {strides = array<i32>} : memref<80xi32, #tpu.memory_space<vmem>>, vector<16xi32>,
    %get3A_73 = vector.shape_cast %get3A_72 : vector<16xi32> to vector<16xi32>
    %add3A_74 = vector.broadcast %mul3A_2 : i32 to vector<16xi32>
    %add3A_75 = arith.addi %get3A_73, %add3A_74 : vector<16xi32>
    %swap3A_76 = arith.constant 16 : index
    %swap3A_77 = tpu.vector_load %arg17[%swap3A_76] {strides = array<i32>} : memref<80xi32, #tpu.memory_space<vmem>>, vector<16xi32>,
    %swap3A_78 = vector.shape_cast %swap3A_77 : vector<16xi32> to vector<16xi32>
    %swap3A_79 = vector.shape_cast %add3A_75 : vector<16xi32> to vector<16xi32>
    tpu.vector_store %arg17[%swap3A_76], %swap3A_79 {strides = array<i32>} : memref<80xi32, #tpu.memory_space<vmem>>, vector<16xi32>,
    %get3A_80 = arith.constant 32 : index
    %get3A_81 = tpu.vector_load %arg11[%get3A_80] {strides = array<i32>} : memref<80xi32, #tpu.memory_space<vmem>>, vector<16xi32>,
    %get3A_82 = vector.shape_cast %get3A_81 : vector<16xi32> to vector<16xi32>
    %swap3A_83 = arith.constant 32 : index
    %swap3A_84 = tpu.vector_load %arg13[%swap3A_83] {strides = array<i32>} : memref<80xi32, #tpu.memory_space<vmem>>, vector<16xi32>,
    %swap3A_85 = vector.shape_cast %swap3A_84 : vector<16xi32> to vector<16xi32>
    %swap3A_86 = vector.shape_cast %get3A_82 : vector<16xi32> to vector<16xi32>
    tpu.vector_store %arg13[%swap3A_83], %swap3A_86 {strides = array<i32>} : memref<80xi32, #tpu.memory_space<vmem>>, vector<16xi32>,
    %add3A_87 = vector.broadcast %mul3A_2 : i32 to vector<16xi32>
    %add3A_88 = arith.addi %get3A_82, %add3A_87 : vector<16xi32>
    %swap3A_89 = arith.constant 32 : index
    %swap3A_90 = tpu.vector_load %arg15[%swap3A_89] {strides = array<i32>} : memref<80xi32, #tpu.memory_space<vmem>>, vector<16xi32>,
    %swap3A_91 = vector.shape_cast %swap3A_90 : vector<16xi32> to vector<16xi32>
    %swap3A_92 = vector.shape_cast %add3A_88 : vector<16xi32> to vector<16xi32>
    tpu.vector_store %arg15[%swap3A_89], %swap3A_92 {strides = array<i32>} : memref<80xi32, #tpu.memory_space<vmem>>, vector<16xi32>,
    %get3A_93 = arith.constant 32 : index
    %get3A_94 = tpu.vector_load %arg9[%get3A_93] {strides = array<i32>} : memref<80xi32, #tpu.memory_space<vmem>>, vector<16xi32>,
    %get3A_95 = vector.shape_cast %get3A_94 : vector<16xi32> to vector<16xi32>
    %add3A_96 = vector.broadcast %mul3A_2 : i32 to vector<16xi32>
    %add3A_97 = arith.addi %get3A_95, %add3A_96 : vector<16xi32>
    %swap3A_98 = arith.constant 32 : index
    %swap3A_99 = tpu.vector_load %arg17[%swap3A_98] {strides = array<i32>} : memref<80xi32, #tpu.memory_space<vmem>>, vector<16xi32>,
    %swap3A_100 = vector.shape_cast %swap3A_99 : vector<16xi32> to vector<16xi32>
    %swap3A_101 = vector.shape_cast %add3A_97 : vector<16xi32> to vector<16xi32>
    tpu.vector_store %arg17[%swap3A_98], %swap3A_101 {strides = array<i32>} : memref<80xi32, #tpu.memory_space<vmem>>, vector<16xi32>,
    %get3A_102 = arith.constant 48 : index
    %get3A_103 = tpu.vector_load %arg11[%get3A_102] {strides = array<i32>} : memref<80xi32, #tpu.memory_space<vmem>>, vector<16xi32>,
    %get3A_104 = vector.shape_cast %get3A_103 : vector<16xi32> to vector<16xi32>
    %swap3A_105 = arith.constant 48 : index
    %swap3A_106 = tpu.vector_load %arg13[%swap3A_105] {strides = array<i32>} : memref<80xi32, #tpu.memory_space<vmem>>, vector<16xi32>,
    %swap3A_107 = vector.shape_cast %swap3A_106 : vector<16xi32> to vector<16xi32>
    %swap3A_108 = vector.shape_cast %get3A_104 : vector<16xi32> to vector<16xi32>
    tpu.vector_store %arg13[%swap3A_105], %swap3A_108 {strides = array<i32>} : memref<80xi32, #tpu.memory_space<vmem>>, vector<16xi32>,
    %add3A_109 = vector.broadcast %mul3A_2 : i32 to vector<16xi32>
    %add3A_110 = arith.addi %get3A_104, %add3A_109 : vector<16xi32>
    %swap3A_111 = arith.constant 48 : index
    %swap3A_112 = tpu.vector_load %arg15[%swap3A_111] {strides = array<i32>} : memref<80xi32, #tpu.memory_space<vmem>>, vector<16xi32>,
    %swap3A_113 = vector.shape_cast %swap3A_112 : vector<16xi32> to vector<16xi32>
    %swap3A_114 = vector.shape_cast %add3A_110 : vector<16xi32> to vector<16xi32>
    tpu.vector_store %arg15[%swap3A_111], %swap3A_114 {strides = array<i32>} : memref<80xi32, #tpu.memory_space<vmem>>, vector<16xi32>,
    %get3A_115 = arith.constant 48 : index
    %get3A_116 = tpu.vector_load %arg9[%get3A_115] {strides = array<i32>} : memref<80xi32, #tpu.memory_space<vmem>>, vector<16xi32>,
    %get3A_117 = vector.shape_cast %get3A_116 : vector<16xi32> to vector<16xi32>
    %add3A_118 = vector.broadcast %mul3A_2 : i32 to vector<16xi32>
    %add3A_119 = arith.addi %get3A_117, %add3A_118 : vector<16xi32>
    %swap3A_120 = arith.constant 48 : index
    %swap3A_121 = tpu.vector_load %arg17[%swap3A_120] {strides = array<i32>} : memref<80xi32, #tpu.memory_space<vmem>>, vector<16xi32>,
    %swap3A_122 = vector.shape_cast %swap3A_121 : vector<16xi32> to vector<16xi32>
    %swap3A_123 = vector.shape_cast %add3A_119 : vector<16xi32> to vector<16xi32>
    tpu.vector_store %arg17[%swap3A_120], %swap3A_123 {strides = array<i32>} : memref<80xi32, #tpu.memory_space<vmem>>, vector<16xi32>,
    %get3A_124 = arith.constant 64 : index
    %get3A_125 = tpu.vector_load %arg11[%get3A_124] {strides = array<i32>} : memref<80xi32, #tpu.memory_space<vmem>>, vector<16xi32>,
    %get3A_126 = vector.shape_cast %get3A_125 : vector<16xi32> to vector<16xi32>
    %swap3A_127 = arith.constant 64 : index
    %swap3A_128 = tpu.vector_load %arg13[%swap3A_127] {strides = array<i32>} : memref<80xi32, #tpu.memory_space<vmem>>, vector<16xi32>,
    %swap3A_129 = vector.shape_cast %swap3A_128 : vector<16xi32> to vector<16xi32>
    %swap3A_130 = vector.shape_cast %get3A_126 : vector<16xi32> to vector<16xi32>
    tpu.vector_store %arg13[%swap3A_127], %swap3A_130 {strides = array<i32>} : memref<80xi32, #tpu.memory_space<vmem>>, vector<16xi32>,
    %add3A_131 = vector.broadcast %mul3A_2 : i32 to vector<16xi32>
    %add3A_132 = arith.addi %get3A_126, %add3A_131 : vector<16xi32>
    %swap3A_133 = arith.constant 64 : index
    %swap3A_134 = tpu.vector_load %arg15[%swap3A_133] {strides = array<i32>} : memref<80xi32, #tpu.memory_space<vmem>>, vector<16xi32>,
    %swap3A_135 = vector.shape_cast %swap3A_134 : vector<16xi32> to vector<16xi32>
    %swap3A_136 = vector.shape_cast %add3A_132 : vector<16xi32> to vector<16xi32>
    tpu.vector_store %arg15[%swap3A_133], %swap3A_136 {strides = array<i32>} : memref<80xi32, #tpu.memory_space<vmem>>, vector<16xi32>,
    %get3A_137 = arith.constant 64 : index
    %get3A_138 = tpu.vector_load %arg9[%get3A_137] {strides = array<i32>} : memref<80xi32, #tpu.memory_space<vmem>>, vector<16xi32>,
    %get3A_139 = vector.shape_cast %get3A_138 : vector<16xi32> to vector<16xi32>
    %add3A_140 = vector.broadcast %mul3A_2 : i32 to vector<16xi32>
    %add3A_141 = arith.addi %get3A_139, %add3A_140 : vector<16xi32>
    %swap3A_142 = arith.constant 64 : index
    %swap3A_143 = tpu.vector_load %arg17[%swap3A_142] {strides = array<i32>} : memref<80xi32, #tpu.memory_space<vmem>>, vector<16xi32>,
    %swap3A_144 = vector.shape_cast %swap3A_143 : vector<16xi32> to vector<16xi32>
    %swap3A_145 = vector.shape_cast %add3A_141 : vector<16xi32> to vector<16xi32>
    tpu.vector_store %arg17[%swap3A_142], %swap3A_145 {strides = array<i32>} : memref<80xi32, #tpu.memory_space<vmem>>, vector<16xi32>,
    %dma_start3A_146 = arith.constant 0 : i32
    %dma_start3A_147 = arith.constant 0 : i32
    %dma_start3A_148 = tpu.memref_slice %arg2[%dma_start3A_146, %dma_start3A_147] : memref<20000x144xf32, #tpu.memory_space<hbm>> -> memref<20000x144xf32, #tpu.memory_space<hbm>>
    tpu.enqueue_indirect_dma source(%dma_start3A_148 : memref<20000x144xf32, #tpu.memory_space<hbm>>) target(%arg21 : memref<80x144xf32, #tpu.memory_space<vmem>>) offsets(%arg15 : memref<80xi32, #tpu.memory_space<vmem>>) semaphore(%arg27 : memref<!tpu.dma_semaphore, #tpu.memory_space<semaphore_mem>>)
    %dma_start3A_149 = arith.constant 0 : i32
    %dma_start3A_150 = arith.constant 0 : i32
    %dma_start3A_151 = tpu.memref_slice %arg3[%dma_start3A_149, %dma_start3A_150] : memref<20000x128xf32, #tpu.memory_space<hbm>> -> memref<20000x128xf32, #tpu.memory_space<hbm>>
    tpu.enqueue_indirect_dma source(%dma_start3A_151 : memref<20000x128xf32, #tpu.memory_space<hbm>>) target(%arg23 : memref<80x128xf32, #tpu.memory_space<vmem>>) offsets(%arg17 : memref<80xi32, #tpu.memory_space<vmem>>) semaphore(%arg29 : memref<!tpu.dma_semaphore, #tpu.memory_space<semaphore_mem>>)
    %dma_start3A_152 = arith.constant 0 : i32
    %dma_start3A_153 = tpu.memref_slice %arg6[%add3A_34, %dma_start3A_152] : memref<320000x16xf32, #tpu.memory_space<hbm>> -> memref<80x16xf32, #tpu.memory_space<hbm>>
    %dma_start3A_154 = arith.constant 0 : i32
    %dma_start3A_155 = tpu.memref_slice %arg6[%add3A_34, %dma_start3A_154] : memref<320000x16xf32, #tpu.memory_space<hbm>> -> memref<80x16xf32, #tpu.memory_space<hbm>>
    tpu.enqueue_dma source(%dma_start3A_155 : memref<80x16xf32, #tpu.memory_space<hbm>>) target(%arg19 : memref<80x16xf32, #tpu.memory_space<vmem>>) target_semaphore(%arg31 : memref<!tpu.dma_semaphore, #tpu.memory_space<semaphore_mem>>)
    %add3A_156 = arith.constant 80 : i32
    %add3A_157 = arith.addi %mul3A_0, %add3A_156 : i32
    %dma_start3A_158 = tpu.memref_slice %arg5[%add3A_157] : memref<320000xi32, #tpu.memory_space<hbm>> -> memref<80xi32, #tpu.memory_space<hbm>>
    %dma_start3A_159 = tpu.memref_slice %arg5[%add3A_157] : memref<320000xi32, #tpu.memory_space<hbm>> -> memref<80xi32, #tpu.memory_space<hbm>>
    tpu.enqueue_dma source(%dma_start3A_159 : memref<80xi32, #tpu.memory_space<hbm>>) target(%arg12 : memref<80xi32, #tpu.memory_space<vmem>>) target_semaphore(%arg34 : memref<!tpu.dma_semaphore, #tpu.memory_space<semaphore_mem>>)
    %dma_start3A_160 = tpu.memref_slice %arg4[%add3A_157] : memref<320000xi32, #tpu.memory_space<hbm>> -> memref<80xi32, #tpu.memory_space<hbm>>
    %dma_start3A_161 = tpu.memref_slice %arg4[%add3A_157] : memref<320000xi32, #tpu.memory_space<hbm>> -> memref<80xi32, #tpu.memory_space<hbm>>
    tpu.enqueue_dma source(%dma_start3A_161 : memref<80xi32, #tpu.memory_space<hbm>>) target(%arg10 : memref<80xi32, #tpu.memory_space<vmem>>) target_semaphore(%arg36 : memref<!tpu.dma_semaphore, #tpu.memory_space<semaphore_mem>>)
    %scan3A_162 = arith.constant 0 : i32
    %scan3A_163 = arith.constant 0 : i32
    %scan3A_164 = arith.constant 125 : i32
    %scan3A_165 = arith.addi %scan3A_163, %scan3A_164 : i32
    %scan3A_166 = arith.constant 1 : i32
    %scan3A_167 = scf.for %scan3A_177 = %scan3A_163 to %scan3A_165 step %scan3A_166 iter_args(%scan3A_178 = %scan3A_162) -> (i32)  : i32 {
      %mul3A_179 = arith.constant 2 : i32
      %mul3A_180 = arith.muli %scan3A_177, %mul3A_179 : i32
      %add3A_181 = arith.constant 1 : i32
      %add3A_182 = arith.addi %mul3A_180, %add3A_181 : i32
      %lt3A_183 = arith.constant 250 : i32
      %lt3A_184 = arith.cmpi slt, %add3A_182, %lt3A_183 : i32
      %convert_element_type3A = arith.extui %lt3A_184 : i1 to i32
      %cond3A = arith.constant 0 : i32
      %cond3A_185 = arith.cmpi ne, %convert_element_type3A, %cond3A : i32
      scf.if %cond3A_185 {
        %add3A_235 = arith.constant 1 : i32
        %add3A_236 = arith.addi %mul3A_180, %add3A_235 : i32
        %mul3A_237 = arith.constant 80 : i32
        %mul3A_238 = arith.muli %add3A_236, %mul3A_237 : i32
        %add3A_239 = arith.addi %mul3A_0, %mul3A_238 : i32
        %dma_wait3A_240 = tpu.memref_slice %arg5[%add3A_239] : memref<320000xi32, #tpu.memory_space<hbm>> -> memref<80xi32, #tpu.memory_space<hbm>>
        %dma_wait3A_241 = tpu.memref_slice %arg5[%add3A_239] : memref<320000xi32, #tpu.memory_space<hbm>> -> memref<80xi32, #tpu.memory_space<hbm>>
        tpu.wait_dma2 semaphore(%arg34 : memref<!tpu.dma_semaphore, #tpu.memory_space<semaphore_mem>>) src(%dma_wait3A_241 : memref<80xi32, #tpu.memory_space<hbm>>) dst(%arg12 : memref<80xi32, #tpu.memory_space<vmem>>)
        %dma_wait3A_242 = tpu.memref_slice %arg4[%add3A_239] : memref<320000xi32, #tpu.memory_space<hbm>> -> memref<80xi32, #tpu.memory_space<hbm>>
        %dma_wait3A_243 = tpu.memref_slice %arg4[%add3A_239] : memref<320000xi32, #tpu.memory_space<hbm>> -> memref<80xi32, #tpu.memory_space<hbm>>
        tpu.wait_dma2 semaphore(%arg36 : memref<!tpu.dma_semaphore, #tpu.memory_space<semaphore_mem>>) src(%dma_wait3A_243 : memref<80xi32, #tpu.memory_space<hbm>>) dst(%arg10 : memref<80xi32, #tpu.memory_space<vmem>>)
        %get3A_244 = arith.constant 0 : index
        %get3A_245 = tpu.vector_load %arg12[%get3A_244] {strides = array<i32>} : memref<80xi32, #tpu.memory_space<vmem>>, vector<16xi32>,
        %get3A_246 = vector.shape_cast %get3A_245 : vector<16xi32> to vector<16xi32>
        %swap3A_247 = arith.constant 0 : index
        %swap3A_248 = tpu.vector_load %arg14[%swap3A_247] {strides = array<i32>} : memref<80xi32, #tpu.memory_space<vmem>>, vector<16xi32>,
        %swap3A_249 = vector.shape_cast %swap3A_248 : vector<16xi32> to vector<16xi32>
        %swap3A_250 = vector.shape_cast %get3A_246 : vector<16xi32> to vector<16xi32>
        tpu.vector_store %arg14[%swap3A_247], %swap3A_250 {strides = array<i32>} : memref<80xi32, #tpu.memory_space<vmem>>, vector<16xi32>,
        %add3A_251 = vector.broadcast %mul3A_2 : i32 to vector<16xi32>
        %add3A_252 = arith.addi %get3A_246, %add3A_251 : vector<16xi32>
        %swap3A_253 = arith.constant 0 : index
        %swap3A_254 = tpu.vector_load %arg16[%swap3A_253] {strides = array<i32>} : memref<80xi32, #tpu.memory_space<vmem>>, vector<16xi32>,
        %swap3A_255 = vector.shape_cast %swap3A_254 : vector<16xi32> to vector<16xi32>
        %swap3A_256 = vector.shape_cast %add3A_252 : vector<16xi32> to vector<16xi32>
        tpu.vector_store %arg16[%swap3A_253], %swap3A_256 {strides = array<i32>} : memref<80xi32, #tpu.memory_space<vmem>>, vector<16xi32>,
        %get3A_257 = arith.constant 0 : index
        %get3A_258 = tpu.vector_load %arg10[%get3A_257] {strides = array<i32>} : memref<80xi32, #tpu.memory_space<vmem>>, vector<16xi32>,
        %get3A_259 = vector.shape_cast %get3A_258 : vector<16xi32> to vector<16xi32>
        %add3A_260 = vector.broadcast %mul3A_2 : i32 to vector<16xi32>
        %add3A_261 = arith.addi %get3A_259, %add3A_260 : vector<16xi32>
        %swap3A_262 = arith.constant 0 : index
        %swap3A_263 = tpu.vector_load %arg18[%swap3A_262] {strides = array<i32>} : memref<80xi32, #tpu.memory_space<vmem>>, vector<16xi32>,
        %swap3A_264 = vector.shape_cast %swap3A_263 : vector<16xi32> to vector<16xi32>
        %swap3A_265 = vector.shape_cast %add3A_261 : vector<16xi32> to vector<16xi32>
        tpu.vector_store %arg18[%swap3A_262], %swap3A_265 {strides = array<i32>} : memref<80xi32, #tpu.memory_space<vmem>>, vector<16xi32>,
        %get3A_266 = arith.constant 16 : index
        %get3A_267 = tpu.vector_load %arg12[%get3A_266] {strides = array<i32>} : memref<80xi32, #tpu.memory_space<vmem>>, vector<16xi32>,
        %get3A_268 = vector.shape_cast %get3A_267 : vector<16xi32> to vector<16xi32>
        %swap3A_269 = arith.constant 16 : index
        %swap3A_270 = tpu.vector_load %arg14[%swap3A_269] {strides = array<i32>} : memref<80xi32, #tpu.memory_space<vmem>>, vector<16xi32>,
        %swap3A_271 = vector.shape_cast %swap3A_270 : vector<16xi32> to vector<16xi32>
        %swap3A_272 = vector.shape_cast %get3A_268 : vector<16xi32> to vector<16xi32>
        tpu.vector_store %arg14[%swap3A_269], %swap3A_272 {strides = array<i32>} : memref<80xi32, #tpu.memory_space<vmem>>, vector<16xi32>,
        %add3A_273 = vector.broadcast %mul3A_2 : i32 to vector<16xi32>
        %add3A_274 = arith.addi %get3A_268, %add3A_273 : vector<16xi32>
        %swap3A_275 = arith.constant 16 : index
        %swap3A_276 = tpu.vector_load %arg16[%swap3A_275] {strides = array<i32>} : memref<80xi32, #tpu.memory_space<vmem>>, vector<16xi32>,
        %swap3A_277 = vector.shape_cast %swap3A_276 : vector<16xi32> to vector<16xi32>
        %swap3A_278 = vector.shape_cast %add3A_274 : vector<16xi32> to vector<16xi32>
        tpu.vector_store %arg16[%swap3A_275], %swap3A_278 {strides = array<i32>} : memref<80xi32, #tpu.memory_space<vmem>>, vector<16xi32>,
        %get3A_279 = arith.constant 16 : index
        %get3A_280 = tpu.vector_load %arg10[%get3A_279] {strides = array<i32>} : memref<80xi32, #tpu.memory_space<vmem>>, vector<16xi32>,
        %get3A_281 = vector.shape_cast %get3A_280 : vector<16xi32> to vector<16xi32>
        %add3A_282 = vector.broadcast %mul3A_2 : i32 to vector<16xi32>
        %add3A_283 = arith.addi %get3A_281, %add3A_282 : vector<16xi32>
        %swap3A_284 = arith.constant 16 : index
        %swap3A_285 = tpu.vector_load %arg18[%swap3A_284] {strides = array<i32>} : memref<80xi32, #tpu.memory_space<vmem>>, vector<16xi32>,
        %swap3A_286 = vector.shape_cast %swap3A_285 : vector<16xi32> to vector<16xi32>
        %swap3A_287 = vector.shape_cast %add3A_283 : vector<16xi32> to vector<16xi32>
        tpu.vector_store %arg18[%swap3A_284], %swap3A_287 {strides = array<i32>} : memref<80xi32, #tpu.memory_space<vmem>>, vector<16xi32>,
        %get3A_288 = arith.constant 32 : index
        %get3A_289 = tpu.vector_load %arg12[%get3A_288] {strides = array<i32>} : memref<80xi32, #tpu.memory_space<vmem>>, vector<16xi32>,
        %get3A_290 = vector.shape_cast %get3A_289 : vector<16xi32> to vector<16xi32>
        %swap3A_291 = arith.constant 32 : index
        %swap3A_292 = tpu.vector_load %arg14[%swap3A_291] {strides = array<i32>} : memref<80xi32, #tpu.memory_space<vmem>>, vector<16xi32>,
        %swap3A_293 = vector.shape_cast %swap3A_292 : vector<16xi32> to vector<16xi32>
        %swap3A_294 = vector.shape_cast %get3A_290 : vector<16xi32> to vector<16xi32>
        tpu.vector_store %arg14[%swap3A_291], %swap3A_294 {strides = array<i32>} : memref<80xi32, #tpu.memory_space<vmem>>, vector<16xi32>,
        %add3A_295 = vector.broadcast %mul3A_2 : i32 to vector<16xi32>
        %add3A_296 = arith.addi %get3A_290, %add3A_295 : vector<16xi32>
        %swap3A_297 = arith.constant 32 : index
        %swap3A_298 = tpu.vector_load %arg16[%swap3A_297] {strides = array<i32>} : memref<80xi32, #tpu.memory_space<vmem>>, vector<16xi32>,
        %swap3A_299 = vector.shape_cast %swap3A_298 : vector<16xi32> to vector<16xi32>
        %swap3A_300 = vector.shape_cast %add3A_296 : vector<16xi32> to vector<16xi32>
        tpu.vector_store %arg16[%swap3A_297], %swap3A_300 {strides = array<i32>} : memref<80xi32, #tpu.memory_space<vmem>>, vector<16xi32>,
        %get3A_301 = arith.constant 32 : index
        %get3A_302 = tpu.vector_load %arg10[%get3A_301] {strides = array<i32>} : memref<80xi32, #tpu.memory_space<vmem>>, vector<16xi32>,
        %get3A_303 = vector.shape_cast %get3A_302 : vector<16xi32> to vector<16xi32>
        %add3A_304 = vector.broadcast %mul3A_2 : i32 to vector<16xi32>
        %add3A_305 = arith.addi %get3A_303, %add3A_304 : vector<16xi32>
        %swap3A_306 = arith.constant 32 : index
        %swap3A_307 = tpu.vector_load %arg18[%swap3A_306] {strides = array<i32>} : memref<80xi32, #tpu.memory_space<vmem>>, vector<16xi32>,
        %swap3A_308 = vector.shape_cast %swap3A_307 : vector<16xi32> to vector<16xi32>
        %swap3A_309 = vector.shape_cast %add3A_305 : vector<16xi32> to vector<16xi32>
        tpu.vector_store %arg18[%swap3A_306], %swap3A_309 {strides = array<i32>} : memref<80xi32, #tpu.memory_space<vmem>>, vector<16xi32>,
        %get3A_310 = arith.constant 48 : index
        %get3A_311 = tpu.vector_load %arg12[%get3A_310] {strides = array<i32>} : memref<80xi32, #tpu.memory_space<vmem>>, vector<16xi32>,
        %get3A_312 = vector.shape_cast %get3A_311 : vector<16xi32> to vector<16xi32>
        %swap3A_313 = arith.constant 48 : index
        %swap3A_314 = tpu.vector_load %arg14[%swap3A_313] {strides = array<i32>} : memref<80xi32, #tpu.memory_space<vmem>>, vector<16xi32>,
        %swap3A_315 = vector.shape_cast %swap3A_314 : vector<16xi32> to vector<16xi32>
        %swap3A_316 = vector.shape_cast %get3A_312 : vector<16xi32> to vector<16xi32>
        tpu.vector_store %arg14[%swap3A_313], %swap3A_316 {strides = array<i32>} : memref<80xi32, #tpu.memory_space<vmem>>, vector<16xi32>,
        %add3A_317 = vector.broadcast %mul3A_2 : i32 to vector<16xi32>
        %add3A_318 = arith.addi %get3A_312, %add3A_317 : vector<16xi32>
        %swap3A_319 = arith.constant 48 : index
        %swap3A_320 = tpu.vector_load %arg16[%swap3A_319] {strides = array<i32>} : memref<80xi32, #tpu.memory_space<vmem>>, vector<16xi32>,
        %swap3A_321 = vector.shape_cast %swap3A_320 : vector<16xi32> to vector<16xi32>
        %swap3A_322 = vector.shape_cast %add3A_318 : vector<16xi32> to vector<16xi32>
        tpu.vector_store %arg16[%swap3A_319], %swap3A_322 {strides = array<i32>} : memref<80xi32, #tpu.memory_space<vmem>>, vector<16xi32>,
        %get3A_323 = arith.constant 48 : index
        %get3A_324 = tpu.vector_load %arg10[%get3A_323] {strides = array<i32>} : memref<80xi32, #tpu.memory_space<vmem>>, vector<16xi32>,
        %get3A_325 = vector.shape_cast %get3A_324 : vector<16xi32> to vector<16xi32>
        %add3A_326 = vector.broadcast %mul3A_2 : i32 to vector<16xi32>
        %add3A_327 = arith.addi %get3A_325, %add3A_326 : vector<16xi32>
        %swap3A_328 = arith.constant 48 : index
        %swap3A_329 = tpu.vector_load %arg18[%swap3A_328] {strides = array<i32>} : memref<80xi32, #tpu.memory_space<vmem>>, vector<16xi32>,
        %swap3A_330 = vector.shape_cast %swap3A_329 : vector<16xi32> to vector<16xi32>
        %swap3A_331 = vector.shape_cast %add3A_327 : vector<16xi32> to vector<16xi32>
        tpu.vector_store %arg18[%swap3A_328], %swap3A_331 {strides = array<i32>} : memref<80xi32, #tpu.memory_space<vmem>>, vector<16xi32>,
        %get3A_332 = arith.constant 64 : index
        %get3A_333 = tpu.vector_load %arg12[%get3A_332] {strides = array<i32>} : memref<80xi32, #tpu.memory_space<vmem>>, vector<16xi32>,
        %get3A_334 = vector.shape_cast %get3A_333 : vector<16xi32> to vector<16xi32>
        %swap3A_335 = arith.constant 64 : index
        %swap3A_336 = tpu.vector_load %arg14[%swap3A_335] {strides = array<i32>} : memref<80xi32, #tpu.memory_space<vmem>>, vector<16xi32>,
        %swap3A_337 = vector.shape_cast %swap3A_336 : vector<16xi32> to vector<16xi32>
        %swap3A_338 = vector.shape_cast %get3A_334 : vector<16xi32> to vector<16xi32>
        tpu.vector_store %arg14[%swap3A_335], %swap3A_338 {strides = array<i32>} : memref<80xi32, #tpu.memory_space<vmem>>, vector<16xi32>,
        %add3A_339 = vector.broadcast %mul3A_2 : i32 to vector<16xi32>
        %add3A_340 = arith.addi %get3A_334, %add3A_339 : vector<16xi32>
        %swap3A_341 = arith.constant 64 : index
        %swap3A_342 = tpu.vector_load %arg16[%swap3A_341] {strides = array<i32>} : memref<80xi32, #tpu.memory_space<vmem>>, vector<16xi32>,
        %swap3A_343 = vector.shape_cast %swap3A_342 : vector<16xi32> to vector<16xi32>
        %swap3A_344 = vector.shape_cast %add3A_340 : vector<16xi32> to vector<16xi32>
        tpu.vector_store %arg16[%swap3A_341], %swap3A_344 {strides = array<i32>} : memref<80xi32, #tpu.memory_space<vmem>>, vector<16xi32>,
        %get3A_345 = arith.constant 64 : index
        %get3A_346 = tpu.vector_load %arg10[%get3A_345] {strides = array<i32>} : memref<80xi32, #tpu.memory_space<vmem>>, vector<16xi32>,
        %get3A_347 = vector.shape_cast %get3A_346 : vector<16xi32> to vector<16xi32>
        %add3A_348 = vector.broadcast %mul3A_2 : i32 to vector<16xi32>
        %add3A_349 = arith.addi %get3A_347, %add3A_348 : vector<16xi32>
        %swap3A_350 = arith.constant 64 : index
        %swap3A_351 = tpu.vector_load %arg18[%swap3A_350] {strides = array<i32>} : memref<80xi32, #tpu.memory_space<vmem>>, vector<16xi32>,
        %swap3A_352 = vector.shape_cast %swap3A_351 : vector<16xi32> to vector<16xi32>
        %swap3A_353 = vector.shape_cast %add3A_349 : vector<16xi32> to vector<16xi32>
        tpu.vector_store %arg18[%swap3A_350], %swap3A_353 {strides = array<i32>} : memref<80xi32, #tpu.memory_space<vmem>>, vector<16xi32>,
        %dma_start3A_354 = arith.constant 0 : i32
        %dma_start3A_355 = arith.constant 0 : i32
        %dma_start3A_356 = tpu.memref_slice %arg2[%dma_start3A_354, %dma_start3A_355] : memref<20000x144xf32, #tpu.memory_space<hbm>> -> memref<20000x144xf32, #tpu.memory_space<hbm>>
        tpu.enqueue_indirect_dma source(%dma_start3A_356 : memref<20000x144xf32, #tpu.memory_space<hbm>>) target(%arg22 : memref<80x144xf32, #tpu.memory_space<vmem>>) offsets(%arg16 : memref<80xi32, #tpu.memory_space<vmem>>) semaphore(%arg28 : memref<!tpu.dma_semaphore, #tpu.memory_space<semaphore_mem>>)
        %dma_start3A_357 = arith.constant 0 : i32
        %dma_start3A_358 = arith.constant 0 : i32
        %dma_start3A_359 = tpu.memref_slice %arg3[%dma_start3A_357, %dma_start3A_358] : memref<20000x128xf32, #tpu.memory_space<hbm>> -> memref<20000x128xf32, #tpu.memory_space<hbm>>
        tpu.enqueue_indirect_dma source(%dma_start3A_359 : memref<20000x128xf32, #tpu.memory_space<hbm>>) target(%arg24 : memref<80x128xf32, #tpu.memory_space<vmem>>) offsets(%arg18 : memref<80xi32, #tpu.memory_space<vmem>>) semaphore(%arg30 : memref<!tpu.dma_semaphore, #tpu.memory_space<semaphore_mem>>)
        %dma_start3A_360 = arith.constant 0 : i32
        %dma_start3A_361 = tpu.memref_slice %arg6[%add3A_239, %dma_start3A_360] : memref<320000x16xf32, #tpu.memory_space<hbm>> -> memref<80x16xf32, #tpu.memory_space<hbm>>
        %dma_start3A_362 = arith.constant 0 : i32
        %dma_start3A_363 = tpu.memref_slice %arg6[%add3A_239, %dma_start3A_362] : memref<320000x16xf32, #tpu.memory_space<hbm>> -> memref<80x16xf32, #tpu.memory_space<hbm>>
        tpu.enqueue_dma source(%dma_start3A_363 : memref<80x16xf32, #tpu.memory_space<hbm>>) target(%arg20 : memref<80x16xf32, #tpu.memory_space<vmem>>) target_semaphore(%arg32 : memref<!tpu.dma_semaphore, #tpu.memory_space<semaphore_mem>>)
      } else {
      }
      %add3A_186 = arith.constant 2 : i32
      %add3A_187 = arith.addi %mul3A_180, %add3A_186 : i32
      %lt3A_188 = arith.constant 250 : i32
      %lt3A_189 = arith.cmpi slt, %add3A_187, %lt3A_188 : i32
      %convert_element_type3A_190 = arith.extui %lt3A_189 : i1 to i32
      %cond3A_191 = arith.constant 0 : i32
      %cond3A_192 = arith.cmpi ne, %convert_element_type3A_190, %cond3A_191 : i32
      scf.if %cond3A_192 {
        %add3A_235 = arith.constant 2 : i32
        %add3A_236 = arith.addi %mul3A_180, %add3A_235 : i32
        %mul3A_237 = arith.constant 80 : i32
        %mul3A_238 = arith.muli %add3A_236, %mul3A_237 : i32
        %add3A_239 = arith.addi %mul3A_0, %mul3A_238 : i32
        %dma_start3A_240 = tpu.memref_slice %arg5[%add3A_239] : memref<320000xi32, #tpu.memory_space<hbm>> -> memref<80xi32, #tpu.memory_space<hbm>>
        %dma_start3A_241 = tpu.memref_slice %arg5[%add3A_239] : memref<320000xi32, #tpu.memory_space<hbm>> -> memref<80xi32, #tpu.memory_space<hbm>>
        tpu.enqueue_dma source(%dma_start3A_241 : memref<80xi32, #tpu.memory_space<hbm>>) target(%arg11 : memref<80xi32, #tpu.memory_space<vmem>>) target_semaphore(%arg33 : memref<!tpu.dma_semaphore, #tpu.memory_space<semaphore_mem>>)
        %dma_start3A_242 = tpu.memref_slice %arg4[%add3A_239] : memref<320000xi32, #tpu.memory_space<hbm>> -> memref<80xi32, #tpu.memory_space<hbm>>
        %dma_start3A_243 = tpu.memref_slice %arg4[%add3A_239] : memref<320000xi32, #tpu.memory_space<hbm>> -> memref<80xi32, #tpu.memory_space<hbm>>
        tpu.enqueue_dma source(%dma_start3A_243 : memref<80xi32, #tpu.memory_space<hbm>>) target(%arg9 : memref<80xi32, #tpu.memory_space<vmem>>) target_semaphore(%arg35 : memref<!tpu.dma_semaphore, #tpu.memory_space<semaphore_mem>>)
      } else {
      }
      %mul3A_193 = arith.constant 80 : i32
      %mul3A_194 = arith.muli %mul3A_180, %mul3A_193 : i32
      %add3A_195 = arith.addi %mul3A_0, %mul3A_194 : i32
      %dma_wait3A_196 = arith.constant 0 : i32
      %dma_wait3A_197 = arith.constant 0 : i32
      %dma_wait3A_198 = tpu.memref_slice %arg2[%dma_wait3A_196, %dma_wait3A_197] : memref<20000x144xf32, #tpu.memory_space<hbm>> -> memref<20000x144xf32, #tpu.memory_space<hbm>>
      tpu.wait_indirect_dma semaphore(%arg27 : memref<!tpu.dma_semaphore, #tpu.memory_space<semaphore_mem>>) src(%dma_wait3A_198 : memref<20000x144xf32, #tpu.memory_space<hbm>>) dst(%arg21 : memref<80x144xf32, #tpu.memory_space<vmem>>)
      %dma_wait3A_199 = arith.constant 0 : i32
      %dma_wait3A_200 = arith.constant 0 : i32
      %dma_wait3A_201 = tpu.memref_slice %arg3[%dma_wait3A_199, %dma_wait3A_200] : memref<20000x128xf32, #tpu.memory_space<hbm>> -> memref<20000x128xf32, #tpu.memory_space<hbm>>
      tpu.wait_indirect_dma semaphore(%arg29 : memref<!tpu.dma_semaphore, #tpu.memory_space<semaphore_mem>>) src(%dma_wait3A_201 : memref<20000x128xf32, #tpu.memory_space<hbm>>) dst(%arg23 : memref<80x128xf32, #tpu.memory_space<vmem>>)
      %dma_wait3A_202 = arith.constant 0 : i32
      %dma_wait3A_203 = tpu.memref_slice %arg6[%add3A_195, %dma_wait3A_202] : memref<320000x16xf32, #tpu.memory_space<hbm>> -> memref<80x16xf32, #tpu.memory_space<hbm>>
      %dma_wait3A_204 = arith.constant 0 : i32
      %dma_wait3A_205 = tpu.memref_slice %arg6[%add3A_195, %dma_wait3A_204] : memref<320000x16xf32, #tpu.memory_space<hbm>> -> memref<80x16xf32, #tpu.memory_space<hbm>>
      tpu.wait_dma2 semaphore(%arg31 : memref<!tpu.dma_semaphore, #tpu.memory_space<semaphore_mem>>) src(%dma_wait3A_205 : memref<80x16xf32, #tpu.memory_space<hbm>>) dst(%arg19 : memref<80x16xf32, #tpu.memory_space<vmem>>)
      %scan3A_206 = arith.constant 0 : i32
      %scan3A_207 = arith.constant 0 : i32
      %scan3A_208 = arith.constant 20 : i32
      %scan3A_209 = arith.addi %scan3A_207, %scan3A_208 : i32
      %scan3A_210 = arith.constant 1 : i32
      %scan3A_211 = scf.for %scan3A_235 = %scan3A_207 to %scan3A_209 step %scan3A_210 iter_args(%scan3A_236 = %scan3A_206) -> (i32)  : i32 {
        %mul3A_237 = arith.constant 4 : i32
        %mul3A_238 = arith.muli %scan3A_235, %mul3A_237 : i32
        %add3A_239 = arith.constant 0 : i32
        %add3A_240 = arith.addi %mul3A_238, %add3A_239 : i32
        %get3A_241 = arith.index_cast %add3A_240 : i32 to index
        %get3A_242 = arith.constant 0 : index
        %get3A_243 = tpu.vector_load %arg19[%get3A_241, %get3A_242] {strides = array<i32>} : memref<80x16xf32, #tpu.memory_space<vmem>>, vector<1x16xf32>,
        %get3A_244 = vector.shape_cast %get3A_243 : vector<1x16xf32> to vector<16xf32>
        %get3A_245 = arith.index_cast %add3A_240 : i32 to index
        %get3A_246 = arith.constant 0 : index
        %get3A_247 = tpu.vector_load %arg21[%get3A_245, %get3A_246] {strides = array<i32>} : memref<80x144xf32, #tpu.memory_space<vmem>>, vector<1x16xf32>,
        %get3A_248 = vector.shape_cast %get3A_247 : vector<1x16xf32> to vector<16xf32>
        %get3A_249 = arith.index_cast %add3A_240 : i32 to index
        %get3A_250 = arith.constant 64 : index
        %get3A_251 = tpu.vector_load %arg21[%get3A_249, %get3A_250] {strides = array<i32>} : memref<80x144xf32, #tpu.memory_space<vmem>>, vector<1x16xf32>,
        %get3A_252 = vector.shape_cast %get3A_251 : vector<1x16xf32> to vector<16xf32>
        %get3A_253 = arith.index_cast %add3A_240 : i32 to index
        %get3A_254 = arith.constant 0 : index
        %get3A_255 = tpu.vector_load %arg23[%get3A_253, %get3A_254] {strides = array<i32>} : memref<80x128xf32, #tpu.memory_space<vmem>>, vector<1x16xf32>,
        %get3A_256 = vector.shape_cast %get3A_255 : vector<1x16xf32> to vector<16xf32>
        %mul3A_257 = arith.mulf %get3A_248, %get3A_256 : vector<16xf32>
        %mul3A_258 = arith.mulf %get3A_252, %get3A_244 : vector<16xf32>
        %add3A_259 = arith.addf %mul3A_257, %mul3A_258 : vector<16xf32>
        %gather3A = vector.shape_cast %broadcast_in_dim3A : vector<16x1xi32> to vector<16xi32>
        %gather3A_260 = tpu.dynamic_gather %add3A_259[%gather3A] in [0] : vector<16xf32>, vector<16xi32> -> vector<16xf32>
        %add3A_261 = arith.addf %add3A_259, %gather3A_260 : vector<16xf32>
        %get3A_262 = arith.index_cast %add3A_240 : i32 to index
        %get3A_263 = arith.constant 16 : index
        %get3A_264 = tpu.vector_load %arg21[%get3A_262, %get3A_263] {strides = array<i32>} : memref<80x144xf32, #tpu.memory_space<vmem>>, vector<1x16xf32>,
        %get3A_265 = vector.shape_cast %get3A_264 : vector<1x16xf32> to vector<16xf32>
        %get3A_266 = arith.index_cast %add3A_240 : i32 to index
        %get3A_267 = arith.constant 80 : index
        %get3A_268 = tpu.vector_load %arg21[%get3A_266, %get3A_267] {strides = array<i32>} : memref<80x144xf32, #tpu.memory_space<vmem>>, vector<1x16xf32>,
        %get3A_269 = vector.shape_cast %get3A_268 : vector<1x16xf32> to vector<16xf32>
        %get3A_270 = arith.index_cast %add3A_240 : i32 to index
        %get3A_271 = arith.constant 16 : index
        %get3A_272 = tpu.vector_load %arg23[%get3A_270, %get3A_271] {strides = array<i32>} : memref<80x128xf32, #tpu.memory_space<vmem>>, vector<1x16xf32>,
        %get3A_273 = vector.shape_cast %get3A_272 : vector<1x16xf32> to vector<16xf32>
        %mul3A_274 = arith.mulf %get3A_265, %get3A_273 : vector<16xf32>
        %mul3A_275 = arith.mulf %get3A_269, %get3A_244 : vector<16xf32>
        %add3A_276 = arith.addf %mul3A_274, %mul3A_275 : vector<16xf32>
        %gather3A_277 = vector.shape_cast %broadcast_in_dim3A : vector<16x1xi32> to vector<16xi32>
        %gather3A_278 = tpu.dynamic_gather %add3A_276[%gather3A_277] in [0] : vector<16xf32>, vector<16xi32> -> vector<16xf32>
        %add3A_279 = arith.addf %add3A_276, %gather3A_278 : vector<16xf32>
        %get3A_280 = arith.index_cast %add3A_240 : i32 to index
        %get3A_281 = arith.constant 32 : index
        %get3A_282 = tpu.vector_load %arg21[%get3A_280, %get3A_281] {strides = array<i32>} : memref<80x144xf32, #tpu.memory_space<vmem>>, vector<1x16xf32>,
        %get3A_283 = vector.shape_cast %get3A_282 : vector<1x16xf32> to vector<16xf32>
        %get3A_284 = arith.index_cast %add3A_240 : i32 to index
        %get3A_285 = arith.constant 96 : index
        %get3A_286 = tpu.vector_load %arg21[%get3A_284, %get3A_285] {strides = array<i32>} : memref<80x144xf32, #tpu.memory_space<vmem>>, vector<1x16xf32>,
        %get3A_287 = vector.shape_cast %get3A_286 : vector<1x16xf32> to vector<16xf32>
        %get3A_288 = arith.index_cast %add3A_240 : i32 to index
        %get3A_289 = arith.constant 32 : index
        %get3A_290 = tpu.vector_load %arg23[%get3A_288, %get3A_289] {strides = array<i32>} : memref<80x128xf32, #tpu.memory_space<vmem>>, vector<1x16xf32>,
        %get3A_291 = vector.shape_cast %get3A_290 : vector<1x16xf32> to vector<16xf32>
        %mul3A_292 = arith.mulf %get3A_283, %get3A_291 : vector<16xf32>
        %mul3A_293 = arith.mulf %get3A_287, %get3A_244 : vector<16xf32>
        %add3A_294 = arith.addf %mul3A_292, %mul3A_293 : vector<16xf32>
        %gather3A_295 = vector.shape_cast %broadcast_in_dim3A : vector<16x1xi32> to vector<16xi32>
        %gather3A_296 = tpu.dynamic_gather %add3A_294[%gather3A_295] in [0] : vector<16xf32>, vector<16xi32> -> vector<16xf32>
        %add3A_297 = arith.addf %add3A_294, %gather3A_296 : vector<16xf32>
        %get3A_298 = arith.index_cast %add3A_240 : i32 to index
        %get3A_299 = arith.constant 48 : index
        %get3A_300 = tpu.vector_load %arg21[%get3A_298, %get3A_299] {strides = array<i32>} : memref<80x144xf32, #tpu.memory_space<vmem>>, vector<1x16xf32>,
        %get3A_301 = vector.shape_cast %get3A_300 : vector<1x16xf32> to vector<16xf32>
        %get3A_302 = arith.index_cast %add3A_240 : i32 to index
        %get3A_303 = arith.constant 112 : index
        %get3A_304 = tpu.vector_load %arg21[%get3A_302, %get3A_303] {strides = array<i32>} : memref<80x144xf32, #tpu.memory_space<vmem>>, vector<1x16xf32>,
        %get3A_305 = vector.shape_cast %get3A_304 : vector<1x16xf32> to vector<16xf32>
        %get3A_306 = arith.index_cast %add3A_240 : i32 to index
        %get3A_307 = arith.constant 48 : index
        %get3A_308 = tpu.vector_load %arg23[%get3A_306, %get3A_307] {strides = array<i32>} : memref<80x128xf32, #tpu.memory_space<vmem>>, vector<1x16xf32>,
        %get3A_309 = vector.shape_cast %get3A_308 : vector<1x16xf32> to vector<16xf32>
        %mul3A_310 = arith.mulf %get3A_301, %get3A_309 : vector<16xf32>
        %mul3A_311 = arith.mulf %get3A_305, %get3A_244 : vector<16xf32>
        %add3A_312 = arith.addf %mul3A_310, %mul3A_311 : vector<16xf32>
        %gather3A_313 = vector.shape_cast %broadcast_in_dim3A : vector<16x1xi32> to vector<16xi32>
        %gather3A_314 = tpu.dynamic_gather %add3A_312[%gather3A_313] in [0] : vector<16xf32>, vector<16xi32> -> vector<16xf32>
        %add3A_315 = arith.addf %add3A_312, %gather3A_314 : vector<16xf32>
        %select_n3A = arith.select %lt3A_24, %add3A_261, %add3A_279 : vector<16xi1>, vector<16xf32>
        %select_n3A_316 = arith.select %lt3A_24, %add3A_297, %add3A_315 : vector<16xi1>, vector<16xf32>
        %gather3A_317 = vector.shape_cast %broadcast_in_dim3A_14 : vector<16x1xi32> to vector<16xi32>
        %gather3A_318 = tpu.dynamic_gather %select_n3A[%gather3A_317] in [0] : vector<16xf32>, vector<16xi32> -> vector<16xf32>
        %add3A_319 = arith.addf %select_n3A, %gather3A_318 : vector<16xf32>
        %gather3A_320 = vector.shape_cast %broadcast_in_dim3A_14 : vector<16x1xi32> to vector<16xi32>
        %gather3A_321 = tpu.dynamic_gather %select_n3A_316[%gather3A_320] in [0] : vector<16xf32>, vector<16xi32> -> vector<16xf32>
        %add3A_322 = arith.addf %select_n3A_316, %gather3A_321 : vector<16xf32>
        %select_n3A_323 = arith.select %eq3A_28, %add3A_319, %add3A_322 : vector<16xi1>, vector<16xf32>
        %gather3A_324 = vector.shape_cast %broadcast_in_dim3A_18 : vector<16x1xi32> to vector<16xi32>
        %gather3A_325 = tpu.dynamic_gather %select_n3A_323[%gather3A_324] in [0] : vector<16xf32>, vector<16xi32> -> vector<16xf32>
        %add3A_326 = arith.addf %select_n3A_323, %gather3A_325 : vector<16xf32>
        %gather3A_327 = vector.shape_cast %broadcast_in_dim3A_22 : vector<16x1xi32> to vector<16xi32>
        %gather3A_328 = tpu.dynamic_gather %add3A_326[%gather3A_327] in [0] : vector<16xf32>, vector<16xi32> -> vector<16xf32>
        %add3A_329 = arith.addf %add3A_326, %gather3A_328 : vector<16xf32>
        %get3A_330 = arith.index_cast %add3A_240 : i32 to index
        %get3A_331 = arith.constant 128 : index
        %get3A_332 = tpu.vector_load %arg21[%get3A_330, %get3A_331] {strides = array<i32>} : memref<80x144xf32, #tpu.memory_space<vmem>>, vector<1x16xf32>,
        %get3A_333 = vector.shape_cast %get3A_332 : vector<1x16xf32> to vector<16xf32>
        %add3A_334 = arith.addf %add3A_329, %get3A_333 : vector<16xf32>
        %exp3A = math.exp %add3A_334 : vector<16xf32>
        %add3A_335 = arith.constant 1 : i32
        %add3A_336 = arith.addi %mul3A_238, %add3A_335 : i32
        %get3A_337 = arith.index_cast %add3A_336 : i32 to index
        %get3A_338 = arith.constant 0 : index
        %get3A_339 = tpu.vector_load %arg19[%get3A_337, %get3A_338] {strides = array<i32>} : memref<80x16xf32, #tpu.memory_space<vmem>>, vector<1x16xf32>,
        %get3A_340 = vector.shape_cast %get3A_339 : vector<1x16xf32> to vector<16xf32>
        %get3A_341 = arith.index_cast %add3A_336 : i32 to index
        %get3A_342 = arith.constant 0 : index
        %get3A_343 = tpu.vector_load %arg21[%get3A_341, %get3A_342] {strides = array<i32>} : memref<80x144xf32, #tpu.memory_space<vmem>>, vector<1x16xf32>,
        %get3A_344 = vector.shape_cast %get3A_343 : vector<1x16xf32> to vector<16xf32>
        %get3A_345 = arith.index_cast %add3A_336 : i32 to index
        %get3A_346 = arith.constant 64 : index
        %get3A_347 = tpu.vector_load %arg21[%get3A_345, %get3A_346] {strides = array<i32>} : memref<80x144xf32, #tpu.memory_space<vmem>>, vector<1x16xf32>,
        %get3A_348 = vector.shape_cast %get3A_347 : vector<1x16xf32> to vector<16xf32>
        %get3A_349 = arith.index_cast %add3A_336 : i32 to index
        %get3A_350 = arith.constant 0 : index
        %get3A_351 = tpu.vector_load %arg23[%get3A_349, %get3A_350] {strides = array<i32>} : memref<80x128xf32, #tpu.memory_space<vmem>>, vector<1x16xf32>,
        %get3A_352 = vector.shape_cast %get3A_351 : vector<1x16xf32> to vector<16xf32>
        %mul3A_353 = arith.mulf %get3A_344, %get3A_352 : vector<16xf32>
        %mul3A_354 = arith.mulf %get3A_348, %get3A_340 : vector<16xf32>
        %add3A_355 = arith.addf %mul3A_353, %mul3A_354 : vector<16xf32>
        %gather3A_356 = vector.shape_cast %broadcast_in_dim3A : vector<16x1xi32> to vector<16xi32>
        %gather3A_357 = tpu.dynamic_gather %add3A_355[%gather3A_356] in [0] : vector<16xf32>, vector<16xi32> -> vector<16xf32>
        %add3A_358 = arith.addf %add3A_355, %gather3A_357 : vector<16xf32>
        %get3A_359 = arith.index_cast %add3A_336 : i32 to index
        %get3A_360 = arith.constant 16 : index
        %get3A_361 = tpu.vector_load %arg21[%get3A_359, %get3A_360] {strides = array<i32>} : memref<80x144xf32, #tpu.memory_space<vmem>>, vector<1x16xf32>,
        %get3A_362 = vector.shape_cast %get3A_361 : vector<1x16xf32> to vector<16xf32>
        %get3A_363 = arith.index_cast %add3A_336 : i32 to index
        %get3A_364 = arith.constant 80 : index
        %get3A_365 = tpu.vector_load %arg21[%get3A_363, %get3A_364] {strides = array<i32>} : memref<80x144xf32, #tpu.memory_space<vmem>>, vector<1x16xf32>,
        %get3A_366 = vector.shape_cast %get3A_365 : vector<1x16xf32> to vector<16xf32>
        %get3A_367 = arith.index_cast %add3A_336 : i32 to index
        %get3A_368 = arith.constant 16 : index
        %get3A_369 = tpu.vector_load %arg23[%get3A_367, %get3A_368] {strides = array<i32>} : memref<80x128xf32, #tpu.memory_space<vmem>>, vector<1x16xf32>,
        %get3A_370 = vector.shape_cast %get3A_369 : vector<1x16xf32> to vector<16xf32>
        %mul3A_371 = arith.mulf %get3A_362, %get3A_370 : vector<16xf32>
        %mul3A_372 = arith.mulf %get3A_366, %get3A_340 : vector<16xf32>
        %add3A_373 = arith.addf %mul3A_371, %mul3A_372 : vector<16xf32>
        %gather3A_374 = vector.shape_cast %broadcast_in_dim3A : vector<16x1xi32> to vector<16xi32>
        %gather3A_375 = tpu.dynamic_gather %add3A_373[%gather3A_374] in [0] : vector<16xf32>, vector<16xi32> -> vector<16xf32>
        %add3A_376 = arith.addf %add3A_373, %gather3A_375 : vector<16xf32>
        %get3A_377 = arith.index_cast %add3A_336 : i32 to index
        %get3A_378 = arith.constant 32 : index
        %get3A_379 = tpu.vector_load %arg21[%get3A_377, %get3A_378] {strides = array<i32>} : memref<80x144xf32, #tpu.memory_space<vmem>>, vector<1x16xf32>,
        %get3A_380 = vector.shape_cast %get3A_379 : vector<1x16xf32> to vector<16xf32>
        %get3A_381 = arith.index_cast %add3A_336 : i32 to index
        %get3A_382 = arith.constant 96 : index
        %get3A_383 = tpu.vector_load %arg21[%get3A_381, %get3A_382] {strides = array<i32>} : memref<80x144xf32, #tpu.memory_space<vmem>>, vector<1x16xf32>,
        %get3A_384 = vector.shape_cast %get3A_383 : vector<1x16xf32> to vector<16xf32>
        %get3A_385 = arith.index_cast %add3A_336 : i32 to index
        %get3A_386 = arith.constant 32 : index
        %get3A_387 = tpu.vector_load %arg23[%get3A_385, %get3A_386] {strides = array<i32>} : memref<80x128xf32, #tpu.memory_space<vmem>>, vector<1x16xf32>,
        %get3A_388 = vector.shape_cast %get3A_387 : vector<1x16xf32> to vector<16xf32>
        %mul3A_389 = arith.mulf %get3A_380, %get3A_388 : vector<16xf32>
        %mul3A_390 = arith.mulf %get3A_384, %get3A_340 : vector<16xf32>
        %add3A_391 = arith.addf %mul3A_389, %mul3A_390 : vector<16xf32>
        %gather3A_392 = vector.shape_cast %broadcast_in_dim3A : vector<16x1xi32> to vector<16xi32>
        %gather3A_393 = tpu.dynamic_gather %add3A_391[%gather3A_392] in [0] : vector<16xf32>, vector<16xi32> -> vector<16xf32>
        %add3A_394 = arith.addf %add3A_391, %gather3A_393 : vector<16xf32>
        %get3A_395 = arith.index_cast %add3A_336 : i32 to index
        %get3A_396 = arith.constant 48 : index
        %get3A_397 = tpu.vector_load %arg21[%get3A_395, %get3A_396] {strides = array<i32>} : memref<80x144xf32, #tpu.memory_space<vmem>>, vector<1x16xf32>,
        %get3A_398 = vector.shape_cast %get3A_397 : vector<1x16xf32> to vector<16xf32>
        %get3A_399 = arith.index_cast %add3A_336 : i32 to index
        %get3A_400 = arith.constant 112 : index
        %get3A_401 = tpu.vector_load %arg21[%get3A_399, %get3A_400] {strides = array<i32>} : memref<80x144xf32, #tpu.memory_space<vmem>>, vector<1x16xf32>,
        %get3A_402 = vector.shape_cast %get3A_401 : vector<1x16xf32> to vector<16xf32>
        %get3A_403 = arith.index_cast %add3A_336 : i32 to index
        %get3A_404 = arith.constant 48 : index
        %get3A_405 = tpu.vector_load %arg23[%get3A_403, %get3A_404] {strides = array<i32>} : memref<80x128xf32, #tpu.memory_space<vmem>>, vector<1x16xf32>,
        %get3A_406 = vector.shape_cast %get3A_405 : vector<1x16xf32> to vector<16xf32>
        %mul3A_407 = arith.mulf %get3A_398, %get3A_406 : vector<16xf32>
        %mul3A_408 = arith.mulf %get3A_402, %get3A_340 : vector<16xf32>
        %add3A_409 = arith.addf %mul3A_407, %mul3A_408 : vector<16xf32>
        %gather3A_410 = vector.shape_cast %broadcast_in_dim3A : vector<16x1xi32> to vector<16xi32>
        %gather3A_411 = tpu.dynamic_gather %add3A_409[%gather3A_410] in [0] : vector<16xf32>, vector<16xi32> -> vector<16xf32>
        %add3A_412 = arith.addf %add3A_409, %gather3A_411 : vector<16xf32>
        %select_n3A_413 = arith.select %lt3A_24, %add3A_358, %add3A_376 : vector<16xi1>, vector<16xf32>
        %select_n3A_414 = arith.select %lt3A_24, %add3A_394, %add3A_412 : vector<16xi1>, vector<16xf32>
        %gather3A_415 = vector.shape_cast %broadcast_in_dim3A_14 : vector<16x1xi32> to vector<16xi32>
        %gather3A_416 = tpu.dynamic_gather %select_n3A_413[%gather3A_415] in [0] : vector<16xf32>, vector<16xi32> -> vector<16xf32>
        %add3A_417 = arith.addf %select_n3A_413, %gather3A_416 : vector<16xf32>
        %gather3A_418 = vector.shape_cast %broadcast_in_dim3A_14 : vector<16x1xi32> to vector<16xi32>
        %gather3A_419 = tpu.dynamic_gather %select_n3A_414[%gather3A_418] in [0] : vector<16xf32>, vector<16xi32> -> vector<16xf32>
        %add3A_420 = arith.addf %select_n3A_414, %gather3A_419 : vector<16xf32>
        %select_n3A_421 = arith.select %eq3A_28, %add3A_417, %add3A_420 : vector<16xi1>, vector<16xf32>
        %gather3A_422 = vector.shape_cast %broadcast_in_dim3A_18 : vector<16x1xi32> to vector<16xi32>
        %gather3A_423 = tpu.dynamic_gather %select_n3A_421[%gather3A_422] in [0] : vector<16xf32>, vector<16xi32> -> vector<16xf32>
        %add3A_424 = arith.addf %select_n3A_421, %gather3A_423 : vector<16xf32>
        %gather3A_425 = vector.shape_cast %broadcast_in_dim3A_22 : vector<16x1xi32> to vector<16xi32>
        %gather3A_426 = tpu.dynamic_gather %add3A_424[%gather3A_425] in [0] : vector<16xf32>, vector<16xi32> -> vector<16xf32>
        %add3A_427 = arith.addf %add3A_424, %gather3A_426 : vector<16xf32>
        %get3A_428 = arith.index_cast %add3A_336 : i32 to index
        %get3A_429 = arith.constant 128 : index
        %get3A_430 = tpu.vector_load %arg21[%get3A_428, %get3A_429] {strides = array<i32>} : memref<80x144xf32, #tpu.memory_space<vmem>>, vector<1x16xf32>,
        %get3A_431 = vector.shape_cast %get3A_430 : vector<1x16xf32> to vector<16xf32>
        %add3A_432 = arith.addf %add3A_427, %get3A_431 : vector<16xf32>
        %exp3A_433 = math.exp %add3A_432 : vector<16xf32>
        %add3A_434 = arith.constant 2 : i32
        %add3A_435 = arith.addi %mul3A_238, %add3A_434 : i32
        %get3A_436 = arith.index_cast %add3A_435 : i32 to index
        %get3A_437 = arith.constant 0 : index
        %get3A_438 = tpu.vector_load %arg19[%get3A_436, %get3A_437] {strides = array<i32>} : memref<80x16xf32, #tpu.memory_space<vmem>>, vector<1x16xf32>,
        %get3A_439 = vector.shape_cast %get3A_438 : vector<1x16xf32> to vector<16xf32>
        %get3A_440 = arith.index_cast %add3A_435 : i32 to index
        %get3A_441 = arith.constant 0 : index
        %get3A_442 = tpu.vector_load %arg21[%get3A_440, %get3A_441] {strides = array<i32>} : memref<80x144xf32, #tpu.memory_space<vmem>>, vector<1x16xf32>,
        %get3A_443 = vector.shape_cast %get3A_442 : vector<1x16xf32> to vector<16xf32>
        %get3A_444 = arith.index_cast %add3A_435 : i32 to index
        %get3A_445 = arith.constant 64 : index
        %get3A_446 = tpu.vector_load %arg21[%get3A_444, %get3A_445] {strides = array<i32>} : memref<80x144xf32, #tpu.memory_space<vmem>>, vector<1x16xf32>,
        %get3A_447 = vector.shape_cast %get3A_446 : vector<1x16xf32> to vector<16xf32>
        %get3A_448 = arith.index_cast %add3A_435 : i32 to index
        %get3A_449 = arith.constant 0 : index
        %get3A_450 = tpu.vector_load %arg23[%get3A_448, %get3A_449] {strides = array<i32>} : memref<80x128xf32, #tpu.memory_space<vmem>>, vector<1x16xf32>,
        %get3A_451 = vector.shape_cast %get3A_450 : vector<1x16xf32> to vector<16xf32>
        %mul3A_452 = arith.mulf %get3A_443, %get3A_451 : vector<16xf32>
        %mul3A_453 = arith.mulf %get3A_447, %get3A_439 : vector<16xf32>
        %add3A_454 = arith.addf %mul3A_452, %mul3A_453 : vector<16xf32>
        %gather3A_455 = vector.shape_cast %broadcast_in_dim3A : vector<16x1xi32> to vector<16xi32>
        %gather3A_456 = tpu.dynamic_gather %add3A_454[%gather3A_455] in [0] : vector<16xf32>, vector<16xi32> -> vector<16xf32>
        %add3A_457 = arith.addf %add3A_454, %gather3A_456 : vector<16xf32>
        %get3A_458 = arith.index_cast %add3A_435 : i32 to index
        %get3A_459 = arith.constant 16 : index
        %get3A_460 = tpu.vector_load %arg21[%get3A_458, %get3A_459] {strides = array<i32>} : memref<80x144xf32, #tpu.memory_space<vmem>>, vector<1x16xf32>,
        %get3A_461 = vector.shape_cast %get3A_460 : vector<1x16xf32> to vector<16xf32>
        %get3A_462 = arith.index_cast %add3A_435 : i32 to index
        %get3A_463 = arith.constant 80 : index
        %get3A_464 = tpu.vector_load %arg21[%get3A_462, %get3A_463] {strides = array<i32>} : memref<80x144xf32, #tpu.memory_space<vmem>>, vector<1x16xf32>,
        %get3A_465 = vector.shape_cast %get3A_464 : vector<1x16xf32> to vector<16xf32>
        %get3A_466 = arith.index_cast %add3A_435 : i32 to index
        %get3A_467 = arith.constant 16 : index
        %get3A_468 = tpu.vector_load %arg23[%get3A_466, %get3A_467] {strides = array<i32>} : memref<80x128xf32, #tpu.memory_space<vmem>>, vector<1x16xf32>,
        %get3A_469 = vector.shape_cast %get3A_468 : vector<1x16xf32> to vector<16xf32>
        %mul3A_470 = arith.mulf %get3A_461, %get3A_469 : vector<16xf32>
        %mul3A_471 = arith.mulf %get3A_465, %get3A_439 : vector<16xf32>
        %add3A_472 = arith.addf %mul3A_470, %mul3A_471 : vector<16xf32>
        %gather3A_473 = vector.shape_cast %broadcast_in_dim3A : vector<16x1xi32> to vector<16xi32>
        %gather3A_474 = tpu.dynamic_gather %add3A_472[%gather3A_473] in [0] : vector<16xf32>, vector<16xi32> -> vector<16xf32>
        %add3A_475 = arith.addf %add3A_472, %gather3A_474 : vector<16xf32>
        %get3A_476 = arith.index_cast %add3A_435 : i32 to index
        %get3A_477 = arith.constant 32 : index
        %get3A_478 = tpu.vector_load %arg21[%get3A_476, %get3A_477] {strides = array<i32>} : memref<80x144xf32, #tpu.memory_space<vmem>>, vector<1x16xf32>,
        %get3A_479 = vector.shape_cast %get3A_478 : vector<1x16xf32> to vector<16xf32>
        %get3A_480 = arith.index_cast %add3A_435 : i32 to index
        %get3A_481 = arith.constant 96 : index
        %get3A_482 = tpu.vector_load %arg21[%get3A_480, %get3A_481] {strides = array<i32>} : memref<80x144xf32, #tpu.memory_space<vmem>>, vector<1x16xf32>,
        %get3A_483 = vector.shape_cast %get3A_482 : vector<1x16xf32> to vector<16xf32>
        %get3A_484 = arith.index_cast %add3A_435 : i32 to index
        %get3A_485 = arith.constant 32 : index
        %get3A_486 = tpu.vector_load %arg23[%get3A_484, %get3A_485] {strides = array<i32>} : memref<80x128xf32, #tpu.memory_space<vmem>>, vector<1x16xf32>,
        %get3A_487 = vector.shape_cast %get3A_486 : vector<1x16xf32> to vector<16xf32>
        %mul3A_488 = arith.mulf %get3A_479, %get3A_487 : vector<16xf32>
        %mul3A_489 = arith.mulf %get3A_483, %get3A_439 : vector<16xf32>
        %add3A_490 = arith.addf %mul3A_488, %mul3A_489 : vector<16xf32>
        %gather3A_491 = vector.shape_cast %broadcast_in_dim3A : vector<16x1xi32> to vector<16xi32>
        %gather3A_492 = tpu.dynamic_gather %add3A_490[%gather3A_491] in [0] : vector<16xf32>, vector<16xi32> -> vector<16xf32>
        %add3A_493 = arith.addf %add3A_490, %gather3A_492 : vector<16xf32>
        %get3A_494 = arith.index_cast %add3A_435 : i32 to index
        %get3A_495 = arith.constant 48 : index
        %get3A_496 = tpu.vector_load %arg21[%get3A_494, %get3A_495] {strides = array<i32>} : memref<80x144xf32, #tpu.memory_space<vmem>>, vector<1x16xf32>,
        %get3A_497 = vector.shape_cast %get3A_496 : vector<1x16xf32> to vector<16xf32>
        %get3A_498 = arith.index_cast %add3A_435 : i32 to index
        %get3A_499 = arith.constant 112 : index
        %get3A_500 = tpu.vector_load %arg21[%get3A_498, %get3A_499] {strides = array<i32>} : memref<80x144xf32, #tpu.memory_space<vmem>>, vector<1x16xf32>,
        %get3A_501 = vector.shape_cast %get3A_500 : vector<1x16xf32> to vector<16xf32>
        %get3A_502 = arith.index_cast %add3A_435 : i32 to index
        %get3A_503 = arith.constant 48 : index
        %get3A_504 = tpu.vector_load %arg23[%get3A_502, %get3A_503] {strides = array<i32>} : memref<80x128xf32, #tpu.memory_space<vmem>>, vector<1x16xf32>,
        %get3A_505 = vector.shape_cast %get3A_504 : vector<1x16xf32> to vector<16xf32>
        %mul3A_506 = arith.mulf %get3A_497, %get3A_505 : vector<16xf32>
        %mul3A_507 = arith.mulf %get3A_501, %get3A_439 : vector<16xf32>
        %add3A_508 = arith.addf %mul3A_506, %mul3A_507 : vector<16xf32>
        %gather3A_509 = vector.shape_cast %broadcast_in_dim3A : vector<16x1xi32> to vector<16xi32>
        %gather3A_510 = tpu.dynamic_gather %add3A_508[%gather3A_509] in [0] : vector<16xf32>, vector<16xi32> -> vector<16xf32>
        %add3A_511 = arith.addf %add3A_508, %gather3A_510 : vector<16xf32>
        %select_n3A_512 = arith.select %lt3A_24, %add3A_457, %add3A_475 : vector<16xi1>, vector<16xf32>
        %select_n3A_513 = arith.select %lt3A_24, %add3A_493, %add3A_511 : vector<16xi1>, vector<16xf32>
        %gather3A_514 = vector.shape_cast %broadcast_in_dim3A_14 : vector<16x1xi32> to vector<16xi32>
        %gather3A_515 = tpu.dynamic_gather %select_n3A_512[%gather3A_514] in [0] : vector<16xf32>, vector<16xi32> -> vector<16xf32>
        %add3A_516 = arith.addf %select_n3A_512, %gather3A_515 : vector<16xf32>
        %gather3A_517 = vector.shape_cast %broadcast_in_dim3A_14 : vector<16x1xi32> to vector<16xi32>
        %gather3A_518 = tpu.dynamic_gather %select_n3A_513[%gather3A_517] in [0] : vector<16xf32>, vector<16xi32> -> vector<16xf32>
        %add3A_519 = arith.addf %select_n3A_513, %gather3A_518 : vector<16xf32>
        %select_n3A_520 = arith.select %eq3A_28, %add3A_516, %add3A_519 : vector<16xi1>, vector<16xf32>
        %gather3A_521 = vector.shape_cast %broadcast_in_dim3A_18 : vector<16x1xi32> to vector<16xi32>
        %gather3A_522 = tpu.dynamic_gather %select_n3A_520[%gather3A_521] in [0] : vector<16xf32>, vector<16xi32> -> vector<16xf32>
        %add3A_523 = arith.addf %select_n3A_520, %gather3A_522 : vector<16xf32>
        %gather3A_524 = vector.shape_cast %broadcast_in_dim3A_22 : vector<16x1xi32> to vector<16xi32>
        %gather3A_525 = tpu.dynamic_gather %add3A_523[%gather3A_524] in [0] : vector<16xf32>, vector<16xi32> -> vector<16xf32>
        %add3A_526 = arith.addf %add3A_523, %gather3A_525 : vector<16xf32>
        %get3A_527 = arith.index_cast %add3A_435 : i32 to index
        %get3A_528 = arith.constant 128 : index
        %get3A_529 = tpu.vector_load %arg21[%get3A_527, %get3A_528] {strides = array<i32>} : memref<80x144xf32, #tpu.memory_space<vmem>>, vector<1x16xf32>,
        %get3A_530 = vector.shape_cast %get3A_529 : vector<1x16xf32> to vector<16xf32>
        %add3A_531 = arith.addf %add3A_526, %get3A_530 : vector<16xf32>
        %exp3A_532 = math.exp %add3A_531 : vector<16xf32>
        %add3A_533 = arith.constant 3 : i32
        %add3A_534 = arith.addi %mul3A_238, %add3A_533 : i32
        %get3A_535 = arith.index_cast %add3A_534 : i32 to index
        %get3A_536 = arith.constant 0 : index
        %get3A_537 = tpu.vector_load %arg19[%get3A_535, %get3A_536] {strides = array<i32>} : memref<80x16xf32, #tpu.memory_space<vmem>>, vector<1x16xf32>,
        %get3A_538 = vector.shape_cast %get3A_537 : vector<1x16xf32> to vector<16xf32>
        %get3A_539 = arith.index_cast %add3A_534 : i32 to index
        %get3A_540 = arith.constant 0 : index
        %get3A_541 = tpu.vector_load %arg21[%get3A_539, %get3A_540] {strides = array<i32>} : memref<80x144xf32, #tpu.memory_space<vmem>>, vector<1x16xf32>,
        %get3A_542 = vector.shape_cast %get3A_541 : vector<1x16xf32> to vector<16xf32>
        %get3A_543 = arith.index_cast %add3A_534 : i32 to index
        %get3A_544 = arith.constant 64 : index
        %get3A_545 = tpu.vector_load %arg21[%get3A_543, %get3A_544] {strides = array<i32>} : memref<80x144xf32, #tpu.memory_space<vmem>>, vector<1x16xf32>,
        %get3A_546 = vector.shape_cast %get3A_545 : vector<1x16xf32> to vector<16xf32>
        %get3A_547 = arith.index_cast %add3A_534 : i32 to index
        %get3A_548 = arith.constant 0 : index
        %get3A_549 = tpu.vector_load %arg23[%get3A_547, %get3A_548] {strides = array<i32>} : memref<80x128xf32, #tpu.memory_space<vmem>>, vector<1x16xf32>,
        %get3A_550 = vector.shape_cast %get3A_549 : vector<1x16xf32> to vector<16xf32>
        %mul3A_551 = arith.mulf %get3A_542, %get3A_550 : vector<16xf32>
        %mul3A_552 = arith.mulf %get3A_546, %get3A_538 : vector<16xf32>
        %add3A_553 = arith.addf %mul3A_551, %mul3A_552 : vector<16xf32>
        %gather3A_554 = vector.shape_cast %broadcast_in_dim3A : vector<16x1xi32> to vector<16xi32>
        %gather3A_555 = tpu.dynamic_gather %add3A_553[%gather3A_554] in [0] : vector<16xf32>, vector<16xi32> -> vector<16xf32>
        %add3A_556 = arith.addf %add3A_553, %gather3A_555 : vector<16xf32>
        %get3A_557 = arith.index_cast %add3A_534 : i32 to index
        %get3A_558 = arith.constant 16 : index
        %get3A_559 = tpu.vector_load %arg21[%get3A_557, %get3A_558] {strides = array<i32>} : memref<80x144xf32, #tpu.memory_space<vmem>>, vector<1x16xf32>,
        %get3A_560 = vector.shape_cast %get3A_559 : vector<1x16xf32> to vector<16xf32>
        %get3A_561 = arith.index_cast %add3A_534 : i32 to index
        %get3A_562 = arith.constant 80 : index
        %get3A_563 = tpu.vector_load %arg21[%get3A_561, %get3A_562] {strides = array<i32>} : memref<80x144xf32, #tpu.memory_space<vmem>>, vector<1x16xf32>,
        %get3A_564 = vector.shape_cast %get3A_563 : vector<1x16xf32> to vector<16xf32>
        %get3A_565 = arith.index_cast %add3A_534 : i32 to index
        %get3A_566 = arith.constant 16 : index
        %get3A_567 = tpu.vector_load %arg23[%get3A_565, %get3A_566] {strides = array<i32>} : memref<80x128xf32, #tpu.memory_space<vmem>>, vector<1x16xf32>,
        %get3A_568 = vector.shape_cast %get3A_567 : vector<1x16xf32> to vector<16xf32>
        %mul3A_569 = arith.mulf %get3A_560, %get3A_568 : vector<16xf32>
        %mul3A_570 = arith.mulf %get3A_564, %get3A_538 : vector<16xf32>
        %add3A_571 = arith.addf %mul3A_569, %mul3A_570 : vector<16xf32>
        %gather3A_572 = vector.shape_cast %broadcast_in_dim3A : vector<16x1xi32> to vector<16xi32>
        %gather3A_573 = tpu.dynamic_gather %add3A_571[%gather3A_572] in [0] : vector<16xf32>, vector<16xi32> -> vector<16xf32>
        %add3A_574 = arith.addf %add3A_571, %gather3A_573 : vector<16xf32>
        %get3A_575 = arith.index_cast %add3A_534 : i32 to index
        %get3A_576 = arith.constant 32 : index
        %get3A_577 = tpu.vector_load %arg21[%get3A_575, %get3A_576] {strides = array<i32>} : memref<80x144xf32, #tpu.memory_space<vmem>>, vector<1x16xf32>,
        %get3A_578 = vector.shape_cast %get3A_577 : vector<1x16xf32> to vector<16xf32>
        %get3A_579 = arith.index_cast %add3A_534 : i32 to index
        %get3A_580 = arith.constant 96 : index
        %get3A_581 = tpu.vector_load %arg21[%get3A_579, %get3A_580] {strides = array<i32>} : memref<80x144xf32, #tpu.memory_space<vmem>>, vector<1x16xf32>,
        %get3A_582 = vector.shape_cast %get3A_581 : vector<1x16xf32> to vector<16xf32>
        %get3A_583 = arith.index_cast %add3A_534 : i32 to index
        %get3A_584 = arith.constant 32 : index
        %get3A_585 = tpu.vector_load %arg23[%get3A_583, %get3A_584] {strides = array<i32>} : memref<80x128xf32, #tpu.memory_space<vmem>>, vector<1x16xf32>,
        %get3A_586 = vector.shape_cast %get3A_585 : vector<1x16xf32> to vector<16xf32>
        %mul3A_587 = arith.mulf %get3A_578, %get3A_586 : vector<16xf32>
        %mul3A_588 = arith.mulf %get3A_582, %get3A_538 : vector<16xf32>
        %add3A_589 = arith.addf %mul3A_587, %mul3A_588 : vector<16xf32>
        %gather3A_590 = vector.shape_cast %broadcast_in_dim3A : vector<16x1xi32> to vector<16xi32>
        %gather3A_591 = tpu.dynamic_gather %add3A_589[%gather3A_590] in [0] : vector<16xf32>, vector<16xi32> -> vector<16xf32>
        %add3A_592 = arith.addf %add3A_589, %gather3A_591 : vector<16xf32>
        %get3A_593 = arith.index_cast %add3A_534 : i32 to index
        %get3A_594 = arith.constant 48 : index
        %get3A_595 = tpu.vector_load %arg21[%get3A_593, %get3A_594] {strides = array<i32>} : memref<80x144xf32, #tpu.memory_space<vmem>>, vector<1x16xf32>,
        %get3A_596 = vector.shape_cast %get3A_595 : vector<1x16xf32> to vector<16xf32>
        %get3A_597 = arith.index_cast %add3A_534 : i32 to index
        %get3A_598 = arith.constant 112 : index
        %get3A_599 = tpu.vector_load %arg21[%get3A_597, %get3A_598] {strides = array<i32>} : memref<80x144xf32, #tpu.memory_space<vmem>>, vector<1x16xf32>,
        %get3A_600 = vector.shape_cast %get3A_599 : vector<1x16xf32> to vector<16xf32>
        %get3A_601 = arith.index_cast %add3A_534 : i32 to index
        %get3A_602 = arith.constant 48 : index
        %get3A_603 = tpu.vector_load %arg23[%get3A_601, %get3A_602] {strides = array<i32>} : memref<80x128xf32, #tpu.memory_space<vmem>>, vector<1x16xf32>,
        %get3A_604 = vector.shape_cast %get3A_603 : vector<1x16xf32> to vector<16xf32>
        %mul3A_605 = arith.mulf %get3A_596, %get3A_604 : vector<16xf32>
        %mul3A_606 = arith.mulf %get3A_600, %get3A_538 : vector<16xf32>
        %add3A_607 = arith.addf %mul3A_605, %mul3A_606 : vector<16xf32>
        %gather3A_608 = vector.shape_cast %broadcast_in_dim3A : vector<16x1xi32> to vector<16xi32>
        %gather3A_609 = tpu.dynamic_gather %add3A_607[%gather3A_608] in [0] : vector<16xf32>, vector<16xi32> -> vector<16xf32>
        %add3A_610 = arith.addf %add3A_607, %gather3A_609 : vector<16xf32>
        %select_n3A_611 = arith.select %lt3A_24, %add3A_556, %add3A_574 : vector<16xi1>, vector<16xf32>
        %select_n3A_612 = arith.select %lt3A_24, %add3A_592, %add3A_610 : vector<16xi1>, vector<16xf32>
        %gather3A_613 = vector.shape_cast %broadcast_in_dim3A_14 : vector<16x1xi32> to vector<16xi32>
        %gather3A_614 = tpu.dynamic_gather %select_n3A_611[%gather3A_613] in [0] : vector<16xf32>, vector<16xi32> -> vector<16xf32>
        %add3A_615 = arith.addf %select_n3A_611, %gather3A_614 : vector<16xf32>
        %gather3A_616 = vector.shape_cast %broadcast_in_dim3A_14 : vector<16x1xi32> to vector<16xi32>
        %gather3A_617 = tpu.dynamic_gather %select_n3A_612[%gather3A_616] in [0] : vector<16xf32>, vector<16xi32> -> vector<16xf32>
        %add3A_618 = arith.addf %select_n3A_612, %gather3A_617 : vector<16xf32>
        %select_n3A_619 = arith.select %eq3A_28, %add3A_615, %add3A_618 : vector<16xi1>, vector<16xf32>
        %gather3A_620 = vector.shape_cast %broadcast_in_dim3A_18 : vector<16x1xi32> to vector<16xi32>
        %gather3A_621 = tpu.dynamic_gather %select_n3A_619[%gather3A_620] in [0] : vector<16xf32>, vector<16xi32> -> vector<16xf32>
        %add3A_622 = arith.addf %select_n3A_619, %gather3A_621 : vector<16xf32>
        %gather3A_623 = vector.shape_cast %broadcast_in_dim3A_22 : vector<16x1xi32> to vector<16xi32>
        %gather3A_624 = tpu.dynamic_gather %add3A_622[%gather3A_623] in [0] : vector<16xf32>, vector<16xi32> -> vector<16xf32>
        %add3A_625 = arith.addf %add3A_622, %gather3A_624 : vector<16xf32>
        %get3A_626 = arith.index_cast %add3A_534 : i32 to index
        %get3A_627 = arith.constant 128 : index
        %get3A_628 = tpu.vector_load %arg21[%get3A_626, %get3A_627] {strides = array<i32>} : memref<80x144xf32, #tpu.memory_space<vmem>>, vector<1x16xf32>,
        %get3A_629 = vector.shape_cast %get3A_628 : vector<1x16xf32> to vector<16xf32>
        %add3A_630 = arith.addf %add3A_625, %get3A_629 : vector<16xf32>
        %exp3A_631 = math.exp %add3A_630 : vector<16xf32>
        %add3A_632 = arith.constant 0 : i32
        %add3A_633 = arith.addi %mul3A_238, %add3A_632 : i32
        %swap3A_634 = arith.index_cast %add3A_633 : i32 to index
        %swap3A_635 = arith.constant 64 : index
        %swap3A_636 = tpu.vector_load %arg25[%swap3A_634, %swap3A_635] {strides = array<i32>} : memref<80x80xf32, #tpu.memory_space<vmem>>, vector<1x16xf32>,
        %swap3A_637 = vector.shape_cast %swap3A_636 : vector<1x16xf32> to vector<16xf32>
        %swap3A_638 = vector.shape_cast %exp3A : vector<16xf32> to vector<1x16xf32>
        tpu.vector_store %arg25[%swap3A_634, %swap3A_635], %swap3A_638 {strides = array<i32>} : memref<80x80xf32, #tpu.memory_space<vmem>>, vector<1x16xf32>,
        %get3A_639 = arith.index_cast %add3A_633 : i32 to index
        %get3A_640 = arith.constant 64 : index
        %get3A_641 = tpu.vector_load %arg23[%get3A_639, %get3A_640] {strides = array<i32>} : memref<80x128xf32, #tpu.memory_space<vmem>>, vector<1x16xf32>,
        %get3A_642 = vector.shape_cast %get3A_641 : vector<1x16xf32> to vector<16xf32>
        %slice3A = vector.extract_strided_slice %exp3A {offsets = [0], sizes = [1], strides = [1]} : vector<16xf32> to vector<1xf32>
        %squeeze3A = vector.extract %slice3A[0] : f32 from vector<1xf32>
        %mul3A_643 = vector.broadcast %squeeze3A : f32 to vector<16xf32>
        %mul3A_644 = arith.mulf %get3A_642, %mul3A_643 : vector<16xf32>
        %swap3A_645 = arith.index_cast %add3A_633 : i32 to index
        %swap3A_646 = arith.constant 0 : index
        %swap3A_647 = tpu.vector_load %arg25[%swap3A_645, %swap3A_646] {strides = array<i32>} : memref<80x80xf32, #tpu.memory_space<vmem>>, vector<1x16xf32>,
        %swap3A_648 = vector.shape_cast %swap3A_647 : vector<1x16xf32> to vector<16xf32>
        %swap3A_649 = vector.shape_cast %mul3A_644 : vector<16xf32> to vector<1x16xf32>
        tpu.vector_store %arg25[%swap3A_645, %swap3A_646], %swap3A_649 {strides = array<i32>} : memref<80x80xf32, #tpu.memory_space<vmem>>, vector<1x16xf32>,
        %get3A_650 = arith.index_cast %add3A_633 : i32 to index
        %get3A_651 = arith.constant 80 : index
        %get3A_652 = tpu.vector_load %arg23[%get3A_650, %get3A_651] {strides = array<i32>} : memref<80x128xf32, #tpu.memory_space<vmem>>, vector<1x16xf32>,
        %get3A_653 = vector.shape_cast %get3A_652 : vector<1x16xf32> to vector<16xf32>
        %slice3A_654 = vector.extract_strided_slice %exp3A {offsets = [8], sizes = [1], strides = [1]} : vector<16xf32> to vector<1xf32>
        %squeeze3A_655 = vector.extract %slice3A_654[0] : f32 from vector<1xf32>
        %mul3A_656 = vector.broadcast %squeeze3A_655 : f32 to vector<16xf32>
        %mul3A_657 = arith.mulf %get3A_653, %mul3A_656 : vector<16xf32>
        %swap3A_658 = arith.index_cast %add3A_633 : i32 to index
        %swap3A_659 = arith.constant 16 : index
        %swap3A_660 = tpu.vector_load %arg25[%swap3A_658, %swap3A_659] {strides = array<i32>} : memref<80x80xf32, #tpu.memory_space<vmem>>, vector<1x16xf32>,
        %swap3A_661 = vector.shape_cast %swap3A_660 : vector<1x16xf32> to vector<16xf32>
        %swap3A_662 = vector.shape_cast %mul3A_657 : vector<16xf32> to vector<1x16xf32>
        tpu.vector_store %arg25[%swap3A_658, %swap3A_659], %swap3A_662 {strides = array<i32>} : memref<80x80xf32, #tpu.memory_space<vmem>>, vector<1x16xf32>,
        %get3A_663 = arith.index_cast %add3A_633 : i32 to index
        %get3A_664 = arith.constant 96 : index
        %get3A_665 = tpu.vector_load %arg23[%get3A_663, %get3A_664] {strides = array<i32>} : memref<80x128xf32, #tpu.memory_space<vmem>>, vector<1x16xf32>,
        %get3A_666 = vector.shape_cast %get3A_665 : vector<1x16xf32> to vector<16xf32>
        %slice3A_667 = vector.extract_strided_slice %exp3A {offsets = [4], sizes = [1], strides = [1]} : vector<16xf32> to vector<1xf32>
        %squeeze3A_668 = vector.extract %slice3A_667[0] : f32 from vector<1xf32>
        %mul3A_669 = vector.broadcast %squeeze3A_668 : f32 to vector<16xf32>
        %mul3A_670 = arith.mulf %get3A_666, %mul3A_669 : vector<16xf32>
        %swap3A_671 = arith.index_cast %add3A_633 : i32 to index
        %swap3A_672 = arith.constant 32 : index
        %swap3A_673 = tpu.vector_load %arg25[%swap3A_671, %swap3A_672] {strides = array<i32>} : memref<80x80xf32, #tpu.memory_space<vmem>>, vector<1x16xf32>,
        %swap3A_674 = vector.shape_cast %swap3A_673 : vector<1x16xf32> to vector<16xf32>
        %swap3A_675 = vector.shape_cast %mul3A_670 : vector<16xf32> to vector<1x16xf32>
        tpu.vector_store %arg25[%swap3A_671, %swap3A_672], %swap3A_675 {strides = array<i32>} : memref<80x80xf32, #tpu.memory_space<vmem>>, vector<1x16xf32>,
        %get3A_676 = arith.index_cast %add3A_633 : i32 to index
        %get3A_677 = arith.constant 112 : index
        %get3A_678 = tpu.vector_load %arg23[%get3A_676, %get3A_677] {strides = array<i32>} : memref<80x128xf32, #tpu.memory_space<vmem>>, vector<1x16xf32>,
        %get3A_679 = vector.shape_cast %get3A_678 : vector<1x16xf32> to vector<16xf32>
        %slice3A_680 = vector.extract_strided_slice %exp3A {offsets = [12], sizes = [1], strides = [1]} : vector<16xf32> to vector<1xf32>
        %squeeze3A_681 = vector.extract %slice3A_680[0] : f32 from vector<1xf32>
        %mul3A_682 = vector.broadcast %squeeze3A_681 : f32 to vector<16xf32>
        %mul3A_683 = arith.mulf %get3A_679, %mul3A_682 : vector<16xf32>
        %swap3A_684 = arith.index_cast %add3A_633 : i32 to index
        %swap3A_685 = arith.constant 48 : index
        %swap3A_686 = tpu.vector_load %arg25[%swap3A_684, %swap3A_685] {strides = array<i32>} : memref<80x80xf32, #tpu.memory_space<vmem>>, vector<1x16xf32>,
        %swap3A_687 = vector.shape_cast %swap3A_686 : vector<1x16xf32> to vector<16xf32>
        %swap3A_688 = vector.shape_cast %mul3A_683 : vector<16xf32> to vector<1x16xf32>
        tpu.vector_store %arg25[%swap3A_684, %swap3A_685], %swap3A_688 {strides = array<i32>} : memref<80x80xf32, #tpu.memory_space<vmem>>, vector<1x16xf32>,
        %add3A_689 = arith.constant 1 : i32
        %add3A_690 = arith.addi %mul3A_238, %add3A_689 : i32
        %swap3A_691 = arith.index_cast %add3A_690 : i32 to index
        %swap3A_692 = arith.constant 64 : index
        %swap3A_693 = tpu.vector_load %arg25[%swap3A_691, %swap3A_692] {strides = array<i32>} : memref<80x80xf32, #tpu.memory_space<vmem>>, vector<1x16xf32>,
        %swap3A_694 = vector.shape_cast %swap3A_693 : vector<1x16xf32> to vector<16xf32>
        %swap3A_695 = vector.shape_cast %exp3A_433 : vector<16xf32> to vector<1x16xf32>
        tpu.vector_store %arg25[%swap3A_691, %swap3A_692], %swap3A_695 {strides = array<i32>} : memref<80x80xf32, #tpu.memory_space<vmem>>, vector<1x16xf32>,
        %get3A_696 = arith.index_cast %add3A_690 : i32 to index
        %get3A_697 = arith.constant 64 : index
        %get3A_698 = tpu.vector_load %arg23[%get3A_696, %get3A_697] {strides = array<i32>} : memref<80x128xf32, #tpu.memory_space<vmem>>, vector<1x16xf32>,
        %get3A_699 = vector.shape_cast %get3A_698 : vector<1x16xf32> to vector<16xf32>
        %slice3A_700 = vector.extract_strided_slice %exp3A_433 {offsets = [0], sizes = [1], strides = [1]} : vector<16xf32> to vector<1xf32>
        %squeeze3A_701 = vector.extract %slice3A_700[0] : f32 from vector<1xf32>
        %mul3A_702 = vector.broadcast %squeeze3A_701 : f32 to vector<16xf32>
        %mul3A_703 = arith.mulf %get3A_699, %mul3A_702 : vector<16xf32>
        %swap3A_704 = arith.index_cast %add3A_690 : i32 to index
        %swap3A_705 = arith.constant 0 : index
        %swap3A_706 = tpu.vector_load %arg25[%swap3A_704, %swap3A_705] {strides = array<i32>} : memref<80x80xf32, #tpu.memory_space<vmem>>, vector<1x16xf32>,
        %swap3A_707 = vector.shape_cast %swap3A_706 : vector<1x16xf32> to vector<16xf32>
        %swap3A_708 = vector.shape_cast %mul3A_703 : vector<16xf32> to vector<1x16xf32>
        tpu.vector_store %arg25[%swap3A_704, %swap3A_705], %swap3A_708 {strides = array<i32>} : memref<80x80xf32, #tpu.memory_space<vmem>>, vector<1x16xf32>,
        %get3A_709 = arith.index_cast %add3A_690 : i32 to index
        %get3A_710 = arith.constant 80 : index
        %get3A_711 = tpu.vector_load %arg23[%get3A_709, %get3A_710] {strides = array<i32>} : memref<80x128xf32, #tpu.memory_space<vmem>>, vector<1x16xf32>,
        %get3A_712 = vector.shape_cast %get3A_711 : vector<1x16xf32> to vector<16xf32>
        %slice3A_713 = vector.extract_strided_slice %exp3A_433 {offsets = [8], sizes = [1], strides = [1]} : vector<16xf32> to vector<1xf32>
        %squeeze3A_714 = vector.extract %slice3A_713[0] : f32 from vector<1xf32>
        %mul3A_715 = vector.broadcast %squeeze3A_714 : f32 to vector<16xf32>
        %mul3A_716 = arith.mulf %get3A_712, %mul3A_715 : vector<16xf32>
        %swap3A_717 = arith.index_cast %add3A_690 : i32 to index
        %swap3A_718 = arith.constant 16 : index
        %swap3A_719 = tpu.vector_load %arg25[%swap3A_717, %swap3A_718] {strides = array<i32>} : memref<80x80xf32, #tpu.memory_space<vmem>>, vector<1x16xf32>,
        %swap3A_720 = vector.shape_cast %swap3A_719 : vector<1x16xf32> to vector<16xf32>
        %swap3A_721 = vector.shape_cast %mul3A_716 : vector<16xf32> to vector<1x16xf32>
        tpu.vector_store %arg25[%swap3A_717, %swap3A_718], %swap3A_721 {strides = array<i32>} : memref<80x80xf32, #tpu.memory_space<vmem>>, vector<1x16xf32>,
        %get3A_722 = arith.index_cast %add3A_690 : i32 to index
        %get3A_723 = arith.constant 96 : index
        %get3A_724 = tpu.vector_load %arg23[%get3A_722, %get3A_723] {strides = array<i32>} : memref<80x128xf32, #tpu.memory_space<vmem>>, vector<1x16xf32>,
        %get3A_725 = vector.shape_cast %get3A_724 : vector<1x16xf32> to vector<16xf32>
        %slice3A_726 = vector.extract_strided_slice %exp3A_433 {offsets = [4], sizes = [1], strides = [1]} : vector<16xf32> to vector<1xf32>
        %squeeze3A_727 = vector.extract %slice3A_726[0] : f32 from vector<1xf32>
        %mul3A_728 = vector.broadcast %squeeze3A_727 : f32 to vector<16xf32>
        %mul3A_729 = arith.mulf %get3A_725, %mul3A_728 : vector<16xf32>
        %swap3A_730 = arith.index_cast %add3A_690 : i32 to index
        %swap3A_731 = arith.constant 32 : index
        %swap3A_732 = tpu.vector_load %arg25[%swap3A_730, %swap3A_731] {strides = array<i32>} : memref<80x80xf32, #tpu.memory_space<vmem>>, vector<1x16xf32>,
        %swap3A_733 = vector.shape_cast %swap3A_732 : vector<1x16xf32> to vector<16xf32>
        %swap3A_734 = vector.shape_cast %mul3A_729 : vector<16xf32> to vector<1x16xf32>
        tpu.vector_store %arg25[%swap3A_730, %swap3A_731], %swap3A_734 {strides = array<i32>} : memref<80x80xf32, #tpu.memory_space<vmem>>, vector<1x16xf32>,
        %get3A_735 = arith.index_cast %add3A_690 : i32 to index
        %get3A_736 = arith.constant 112 : index
        %get3A_737 = tpu.vector_load %arg23[%get3A_735, %get3A_736] {strides = array<i32>} : memref<80x128xf32, #tpu.memory_space<vmem>>, vector<1x16xf32>,
        %get3A_738 = vector.shape_cast %get3A_737 : vector<1x16xf32> to vector<16xf32>
        %slice3A_739 = vector.extract_strided_slice %exp3A_433 {offsets = [12], sizes = [1], strides = [1]} : vector<16xf32> to vector<1xf32>
        %squeeze3A_740 = vector.extract %slice3A_739[0] : f32 from vector<1xf32>
        %mul3A_741 = vector.broadcast %squeeze3A_740 : f32 to vector<16xf32>
        %mul3A_742 = arith.mulf %get3A_738, %mul3A_741 : vector<16xf32>
        %swap3A_743 = arith.index_cast %add3A_690 : i32 to index
        %swap3A_744 = arith.constant 48 : index
        %swap3A_745 = tpu.vector_load %arg25[%swap3A_743, %swap3A_744] {strides = array<i32>} : memref<80x80xf32, #tpu.memory_space<vmem>>, vector<1x16xf32>,
        %swap3A_746 = vector.shape_cast %swap3A_745 : vector<1x16xf32> to vector<16xf32>
        %swap3A_747 = vector.shape_cast %mul3A_742 : vector<16xf32> to vector<1x16xf32>
        tpu.vector_store %arg25[%swap3A_743, %swap3A_744], %swap3A_747 {strides = array<i32>} : memref<80x80xf32, #tpu.memory_space<vmem>>, vector<1x16xf32>,
        %add3A_748 = arith.constant 2 : i32
        %add3A_749 = arith.addi %mul3A_238, %add3A_748 : i32
        %swap3A_750 = arith.index_cast %add3A_749 : i32 to index
        %swap3A_751 = arith.constant 64 : index
        %swap3A_752 = tpu.vector_load %arg25[%swap3A_750, %swap3A_751] {strides = array<i32>} : memref<80x80xf32, #tpu.memory_space<vmem>>, vector<1x16xf32>,
        %swap3A_753 = vector.shape_cast %swap3A_752 : vector<1x16xf32> to vector<16xf32>
        %swap3A_754 = vector.shape_cast %exp3A_532 : vector<16xf32> to vector<1x16xf32>
        tpu.vector_store %arg25[%swap3A_750, %swap3A_751], %swap3A_754 {strides = array<i32>} : memref<80x80xf32, #tpu.memory_space<vmem>>, vector<1x16xf32>,
        %get3A_755 = arith.index_cast %add3A_749 : i32 to index
        %get3A_756 = arith.constant 64 : index
        %get3A_757 = tpu.vector_load %arg23[%get3A_755, %get3A_756] {strides = array<i32>} : memref<80x128xf32, #tpu.memory_space<vmem>>, vector<1x16xf32>,
        %get3A_758 = vector.shape_cast %get3A_757 : vector<1x16xf32> to vector<16xf32>
        %slice3A_759 = vector.extract_strided_slice %exp3A_532 {offsets = [0], sizes = [1], strides = [1]} : vector<16xf32> to vector<1xf32>
        %squeeze3A_760 = vector.extract %slice3A_759[0] : f32 from vector<1xf32>
        %mul3A_761 = vector.broadcast %squeeze3A_760 : f32 to vector<16xf32>
        %mul3A_762 = arith.mulf %get3A_758, %mul3A_761 : vector<16xf32>
        %swap3A_763 = arith.index_cast %add3A_749 : i32 to index
        %swap3A_764 = arith.constant 0 : index
        %swap3A_765 = tpu.vector_load %arg25[%swap3A_763, %swap3A_764] {strides = array<i32>} : memref<80x80xf32, #tpu.memory_space<vmem>>, vector<1x16xf32>,
        %swap3A_766 = vector.shape_cast %swap3A_765 : vector<1x16xf32> to vector<16xf32>
        %swap3A_767 = vector.shape_cast %mul3A_762 : vector<16xf32> to vector<1x16xf32>
        tpu.vector_store %arg25[%swap3A_763, %swap3A_764], %swap3A_767 {strides = array<i32>} : memref<80x80xf32, #tpu.memory_space<vmem>>, vector<1x16xf32>,
        %get3A_768 = arith.index_cast %add3A_749 : i32 to index
        %get3A_769 = arith.constant 80 : index
        %get3A_770 = tpu.vector_load %arg23[%get3A_768, %get3A_769] {strides = array<i32>} : memref<80x128xf32, #tpu.memory_space<vmem>>, vector<1x16xf32>,
        %get3A_771 = vector.shape_cast %get3A_770 : vector<1x16xf32> to vector<16xf32>
        %slice3A_772 = vector.extract_strided_slice %exp3A_532 {offsets = [8], sizes = [1], strides = [1]} : vector<16xf32> to vector<1xf32>
        %squeeze3A_773 = vector.extract %slice3A_772[0] : f32 from vector<1xf32>
        %mul3A_774 = vector.broadcast %squeeze3A_773 : f32 to vector<16xf32>
        %mul3A_775 = arith.mulf %get3A_771, %mul3A_774 : vector<16xf32>
        %swap3A_776 = arith.index_cast %add3A_749 : i32 to index
        %swap3A_777 = arith.constant 16 : index
        %swap3A_778 = tpu.vector_load %arg25[%swap3A_776, %swap3A_777] {strides = array<i32>} : memref<80x80xf32, #tpu.memory_space<vmem>>, vector<1x16xf32>,
        %swap3A_779 = vector.shape_cast %swap3A_778 : vector<1x16xf32> to vector<16xf32>
        %swap3A_780 = vector.shape_cast %mul3A_775 : vector<16xf32> to vector<1x16xf32>
        tpu.vector_store %arg25[%swap3A_776, %swap3A_777], %swap3A_780 {strides = array<i32>} : memref<80x80xf32, #tpu.memory_space<vmem>>, vector<1x16xf32>,
        %get3A_781 = arith.index_cast %add3A_749 : i32 to index
        %get3A_782 = arith.constant 96 : index
        %get3A_783 = tpu.vector_load %arg23[%get3A_781, %get3A_782] {strides = array<i32>} : memref<80x128xf32, #tpu.memory_space<vmem>>, vector<1x16xf32>,
        %get3A_784 = vector.shape_cast %get3A_783 : vector<1x16xf32> to vector<16xf32>
        %slice3A_785 = vector.extract_strided_slice %exp3A_532 {offsets = [4], sizes = [1], strides = [1]} : vector<16xf32> to vector<1xf32>
        %squeeze3A_786 = vector.extract %slice3A_785[0] : f32 from vector<1xf32>
        %mul3A_787 = vector.broadcast %squeeze3A_786 : f32 to vector<16xf32>
        %mul3A_788 = arith.mulf %get3A_784, %mul3A_787 : vector<16xf32>
        %swap3A_789 = arith.index_cast %add3A_749 : i32 to index
        %swap3A_790 = arith.constant 32 : index
        %swap3A_791 = tpu.vector_load %arg25[%swap3A_789, %swap3A_790] {strides = array<i32>} : memref<80x80xf32, #tpu.memory_space<vmem>>, vector<1x16xf32>,
        %swap3A_792 = vector.shape_cast %swap3A_791 : vector<1x16xf32> to vector<16xf32>
        %swap3A_793 = vector.shape_cast %mul3A_788 : vector<16xf32> to vector<1x16xf32>
        tpu.vector_store %arg25[%swap3A_789, %swap3A_790], %swap3A_793 {strides = array<i32>} : memref<80x80xf32, #tpu.memory_space<vmem>>, vector<1x16xf32>,
        %get3A_794 = arith.index_cast %add3A_749 : i32 to index
        %get3A_795 = arith.constant 112 : index
        %get3A_796 = tpu.vector_load %arg23[%get3A_794, %get3A_795] {strides = array<i32>} : memref<80x128xf32, #tpu.memory_space<vmem>>, vector<1x16xf32>,
        %get3A_797 = vector.shape_cast %get3A_796 : vector<1x16xf32> to vector<16xf32>
        %slice3A_798 = vector.extract_strided_slice %exp3A_532 {offsets = [12], sizes = [1], strides = [1]} : vector<16xf32> to vector<1xf32>
        %squeeze3A_799 = vector.extract %slice3A_798[0] : f32 from vector<1xf32>
        %mul3A_800 = vector.broadcast %squeeze3A_799 : f32 to vector<16xf32>
        %mul3A_801 = arith.mulf %get3A_797, %mul3A_800 : vector<16xf32>
        %swap3A_802 = arith.index_cast %add3A_749 : i32 to index
        %swap3A_803 = arith.constant 48 : index
        %swap3A_804 = tpu.vector_load %arg25[%swap3A_802, %swap3A_803] {strides = array<i32>} : memref<80x80xf32, #tpu.memory_space<vmem>>, vector<1x16xf32>,
        %swap3A_805 = vector.shape_cast %swap3A_804 : vector<1x16xf32> to vector<16xf32>
        %swap3A_806 = vector.shape_cast %mul3A_801 : vector<16xf32> to vector<1x16xf32>
        tpu.vector_store %arg25[%swap3A_802, %swap3A_803], %swap3A_806 {strides = array<i32>} : memref<80x80xf32, #tpu.memory_space<vmem>>, vector<1x16xf32>,
        %add3A_807 = arith.constant 3 : i32
        %add3A_808 = arith.addi %mul3A_238, %add3A_807 : i32
        %swap3A_809 = arith.index_cast %add3A_808 : i32 to index
        %swap3A_810 = arith.constant 64 : index
        %swap3A_811 = tpu.vector_load %arg25[%swap3A_809, %swap3A_810] {strides = array<i32>} : memref<80x80xf32, #tpu.memory_space<vmem>>, vector<1x16xf32>,
        %swap3A_812 = vector.shape_cast %swap3A_811 : vector<1x16xf32> to vector<16xf32>
        %swap3A_813 = vector.shape_cast %exp3A_631 : vector<16xf32> to vector<1x16xf32>
        tpu.vector_store %arg25[%swap3A_809, %swap3A_810], %swap3A_813 {strides = array<i32>} : memref<80x80xf32, #tpu.memory_space<vmem>>, vector<1x16xf32>,
        %get3A_814 = arith.index_cast %add3A_808 : i32 to index
        %get3A_815 = arith.constant 64 : index
        %get3A_816 = tpu.vector_load %arg23[%get3A_814, %get3A_815] {strides = array<i32>} : memref<80x128xf32, #tpu.memory_space<vmem>>, vector<1x16xf32>,
        %get3A_817 = vector.shape_cast %get3A_816 : vector<1x16xf32> to vector<16xf32>
        %slice3A_818 = vector.extract_strided_slice %exp3A_631 {offsets = [0], sizes = [1], strides = [1]} : vector<16xf32> to vector<1xf32>
        %squeeze3A_819 = vector.extract %slice3A_818[0] : f32 from vector<1xf32>
        %mul3A_820 = vector.broadcast %squeeze3A_819 : f32 to vector<16xf32>
        %mul3A_821 = arith.mulf %get3A_817, %mul3A_820 : vector<16xf32>
        %swap3A_822 = arith.index_cast %add3A_808 : i32 to index
        %swap3A_823 = arith.constant 0 : index
        %swap3A_824 = tpu.vector_load %arg25[%swap3A_822, %swap3A_823] {strides = array<i32>} : memref<80x80xf32, #tpu.memory_space<vmem>>, vector<1x16xf32>,
        %swap3A_825 = vector.shape_cast %swap3A_824 : vector<1x16xf32> to vector<16xf32>
        %swap3A_826 = vector.shape_cast %mul3A_821 : vector<16xf32> to vector<1x16xf32>
        tpu.vector_store %arg25[%swap3A_822, %swap3A_823], %swap3A_826 {strides = array<i32>} : memref<80x80xf32, #tpu.memory_space<vmem>>, vector<1x16xf32>,
        %get3A_827 = arith.index_cast %add3A_808 : i32 to index
        %get3A_828 = arith.constant 80 : index
        %get3A_829 = tpu.vector_load %arg23[%get3A_827, %get3A_828] {strides = array<i32>} : memref<80x128xf32, #tpu.memory_space<vmem>>, vector<1x16xf32>,
        %get3A_830 = vector.shape_cast %get3A_829 : vector<1x16xf32> to vector<16xf32>
        %slice3A_831 = vector.extract_strided_slice %exp3A_631 {offsets = [8], sizes = [1], strides = [1]} : vector<16xf32> to vector<1xf32>
        %squeeze3A_832 = vector.extract %slice3A_831[0] : f32 from vector<1xf32>
        %mul3A_833 = vector.broadcast %squeeze3A_832 : f32 to vector<16xf32>
        %mul3A_834 = arith.mulf %get3A_830, %mul3A_833 : vector<16xf32>
        %swap3A_835 = arith.index_cast %add3A_808 : i32 to index
        %swap3A_836 = arith.constant 16 : index
        %swap3A_837 = tpu.vector_load %arg25[%swap3A_835, %swap3A_836] {strides = array<i32>} : memref<80x80xf32, #tpu.memory_space<vmem>>, vector<1x16xf32>,
        %swap3A_838 = vector.shape_cast %swap3A_837 : vector<1x16xf32> to vector<16xf32>
        %swap3A_839 = vector.shape_cast %mul3A_834 : vector<16xf32> to vector<1x16xf32>
        tpu.vector_store %arg25[%swap3A_835, %swap3A_836], %swap3A_839 {strides = array<i32>} : memref<80x80xf32, #tpu.memory_space<vmem>>, vector<1x16xf32>,
        %get3A_840 = arith.index_cast %add3A_808 : i32 to index
        %get3A_841 = arith.constant 96 : index
        %get3A_842 = tpu.vector_load %arg23[%get3A_840, %get3A_841] {strides = array<i32>} : memref<80x128xf32, #tpu.memory_space<vmem>>, vector<1x16xf32>,
        %get3A_843 = vector.shape_cast %get3A_842 : vector<1x16xf32> to vector<16xf32>
        %slice3A_844 = vector.extract_strided_slice %exp3A_631 {offsets = [4], sizes = [1], strides = [1]} : vector<16xf32> to vector<1xf32>
        %squeeze3A_845 = vector.extract %slice3A_844[0] : f32 from vector<1xf32>
        %mul3A_846 = vector.broadcast %squeeze3A_845 : f32 to vector<16xf32>
        %mul3A_847 = arith.mulf %get3A_843, %mul3A_846 : vector<16xf32>
        %swap3A_848 = arith.index_cast %add3A_808 : i32 to index
        %swap3A_849 = arith.constant 32 : index
        %swap3A_850 = tpu.vector_load %arg25[%swap3A_848, %swap3A_849] {strides = array<i32>} : memref<80x80xf32, #tpu.memory_space<vmem>>, vector<1x16xf32>,
        %swap3A_851 = vector.shape_cast %swap3A_850 : vector<1x16xf32> to vector<16xf32>
        %swap3A_852 = vector.shape_cast %mul3A_847 : vector<16xf32> to vector<1x16xf32>
        tpu.vector_store %arg25[%swap3A_848, %swap3A_849], %swap3A_852 {strides = array<i32>} : memref<80x80xf32, #tpu.memory_space<vmem>>, vector<1x16xf32>,
        %get3A_853 = arith.index_cast %add3A_808 : i32 to index
        %get3A_854 = arith.constant 112 : index
        %get3A_855 = tpu.vector_load %arg23[%get3A_853, %get3A_854] {strides = array<i32>} : memref<80x128xf32, #tpu.memory_space<vmem>>, vector<1x16xf32>,
        %get3A_856 = vector.shape_cast %get3A_855 : vector<1x16xf32> to vector<16xf32>
        %slice3A_857 = vector.extract_strided_slice %exp3A_631 {offsets = [12], sizes = [1], strides = [1]} : vector<16xf32> to vector<1xf32>
        %squeeze3A_858 = vector.extract %slice3A_857[0] : f32 from vector<1xf32>
        %mul3A_859 = vector.broadcast %squeeze3A_858 : f32 to vector<16xf32>
        %mul3A_860 = arith.mulf %get3A_856, %mul3A_859 : vector<16xf32>
        %swap3A_861 = arith.index_cast %add3A_808 : i32 to index
        %swap3A_862 = arith.constant 48 : index
        %swap3A_863 = tpu.vector_load %arg25[%swap3A_861, %swap3A_862] {strides = array<i32>} : memref<80x80xf32, #tpu.memory_space<vmem>>, vector<1x16xf32>,
        %swap3A_864 = vector.shape_cast %swap3A_863 : vector<1x16xf32> to vector<16xf32>
        %swap3A_865 = vector.shape_cast %mul3A_860 : vector<16xf32> to vector<1x16xf32>
        tpu.vector_store %arg25[%swap3A_861, %swap3A_862], %swap3A_865 {strides = array<i32>} : memref<80x80xf32, #tpu.memory_space<vmem>>, vector<1x16xf32>,
        %scan3A_866 = arith.constant 0 : i32
        scf.yield %scan3A_866 : i32
      }
      %scan3A_212 = arith.constant 20 : i32
      "tpu.region"() ({
        %run_scoped3A = tpu.sem_alloc : memref<!tpu.dma_semaphore, #tpu.memory_space<semaphore_mem>>
        %dma_start3A_235 = arith.constant 0 : i32
        %dma_start3A_236 = arith.constant 0 : i32
        %dma_start3A_237 = tpu.memref_slice %arg26[%dma_start3A_235, %dma_start3A_236] : memref<10240x80xf32, #tpu.memory_space<vmem_shared>> -> memref<10240x80xf32, #tpu.memory_space<vmem_shared>>
        tpu.enqueue_indirect_dma source(%arg25 : memref<80x80xf32, #tpu.memory_space<vmem>>) target(%dma_start3A_237 : memref<10240x80xf32, #tpu.memory_space<vmem_shared>>) offsets(%arg13 : memref<80xi32, #tpu.memory_space<vmem>>) semaphore(%run_scoped3A : memref<!tpu.dma_semaphore, #tpu.memory_space<semaphore_mem>>) {add = true}
        %dma_wait3A_238 = arith.constant 0 : i32
        %dma_wait3A_239 = arith.constant 0 : i32
        %dma_wait3A_240 = tpu.memref_slice %arg26[%dma_wait3A_238, %dma_wait3A_239] : memref<10240x80xf32, #tpu.memory_space<vmem_shared>> -> memref<10240x80xf32, #tpu.memory_space<vmem_shared>>
        tpu.wait_indirect_dma semaphore(%run_scoped3A : memref<!tpu.dma_semaphore, #tpu.memory_space<semaphore_mem>>) src(%arg25 : memref<80x80xf32, #tpu.memory_space<vmem>>) dst(%dma_wait3A_240 : memref<10240x80xf32, #tpu.memory_space<vmem_shared>>)
        tpu.yield
      }) : () -> ()
      %add3A_213 = arith.constant 2 : i32
      %add3A_214 = arith.addi %mul3A_180, %add3A_213 : i32
      %lt3A_215 = arith.constant 250 : i32
      %lt3A_216 = arith.cmpi slt, %add3A_214, %lt3A_215 : i32
      %convert_element_type3A_217 = arith.extui %lt3A_216 : i1 to i32
      %cond3A_218 = arith.constant 0 : i32
      %cond3A_219 = arith.cmpi ne, %convert_element_type3A_217, %cond3A_218 : i32
      scf.if %cond3A_219 {
        %add3A_235 = arith.constant 2 : i32
        %add3A_236 = arith.addi %mul3A_180, %add3A_235 : i32
        %mul3A_237 = arith.constant 80 : i32
        %mul3A_238 = arith.muli %add3A_236, %mul3A_237 : i32
        %add3A_239 = arith.addi %mul3A_0, %mul3A_238 : i32
        %dma_wait3A_240 = tpu.memref_slice %arg5[%add3A_239] : memref<320000xi32, #tpu.memory_space<hbm>> -> memref<80xi32, #tpu.memory_space<hbm>>
        %dma_wait3A_241 = tpu.memref_slice %arg5[%add3A_239] : memref<320000xi32, #tpu.memory_space<hbm>> -> memref<80xi32, #tpu.memory_space<hbm>>
        tpu.wait_dma2 semaphore(%arg33 : memref<!tpu.dma_semaphore, #tpu.memory_space<semaphore_mem>>) src(%dma_wait3A_241 : memref<80xi32, #tpu.memory_space<hbm>>) dst(%arg11 : memref<80xi32, #tpu.memory_space<vmem>>)
        %dma_wait3A_242 = tpu.memref_slice %arg4[%add3A_239] : memref<320000xi32, #tpu.memory_space<hbm>> -> memref<80xi32, #tpu.memory_space<hbm>>
        %dma_wait3A_243 = tpu.memref_slice %arg4[%add3A_239] : memref<320000xi32, #tpu.memory_space<hbm>> -> memref<80xi32, #tpu.memory_space<hbm>>
        tpu.wait_dma2 semaphore(%arg35 : memref<!tpu.dma_semaphore, #tpu.memory_space<semaphore_mem>>) src(%dma_wait3A_243 : memref<80xi32, #tpu.memory_space<hbm>>) dst(%arg9 : memref<80xi32, #tpu.memory_space<vmem>>)
        %get3A_244 = arith.constant 0 : index
        %get3A_245 = tpu.vector_load %arg11[%get3A_244] {strides = array<i32>} : memref<80xi32, #tpu.memory_space<vmem>>, vector<16xi32>,
        %get3A_246 = vector.shape_cast %get3A_245 : vector<16xi32> to vector<16xi32>
        %swap3A_247 = arith.constant 0 : index
        %swap3A_248 = tpu.vector_load %arg13[%swap3A_247] {strides = array<i32>} : memref<80xi32, #tpu.memory_space<vmem>>, vector<16xi32>,
        %swap3A_249 = vector.shape_cast %swap3A_248 : vector<16xi32> to vector<16xi32>
        %swap3A_250 = vector.shape_cast %get3A_246 : vector<16xi32> to vector<16xi32>
        tpu.vector_store %arg13[%swap3A_247], %swap3A_250 {strides = array<i32>} : memref<80xi32, #tpu.memory_space<vmem>>, vector<16xi32>,
        %add3A_251 = vector.broadcast %mul3A_2 : i32 to vector<16xi32>
        %add3A_252 = arith.addi %get3A_246, %add3A_251 : vector<16xi32>
        %swap3A_253 = arith.constant 0 : index
        %swap3A_254 = tpu.vector_load %arg15[%swap3A_253] {strides = array<i32>} : memref<80xi32, #tpu.memory_space<vmem>>, vector<16xi32>,
        %swap3A_255 = vector.shape_cast %swap3A_254 : vector<16xi32> to vector<16xi32>
        %swap3A_256 = vector.shape_cast %add3A_252 : vector<16xi32> to vector<16xi32>
        tpu.vector_store %arg15[%swap3A_253], %swap3A_256 {strides = array<i32>} : memref<80xi32, #tpu.memory_space<vmem>>, vector<16xi32>,
        %get3A_257 = arith.constant 0 : index
        %get3A_258 = tpu.vector_load %arg9[%get3A_257] {strides = array<i32>} : memref<80xi32, #tpu.memory_space<vmem>>, vector<16xi32>,
        %get3A_259 = vector.shape_cast %get3A_258 : vector<16xi32> to vector<16xi32>
        %add3A_260 = vector.broadcast %mul3A_2 : i32 to vector<16xi32>
        %add3A_261 = arith.addi %get3A_259, %add3A_260 : vector<16xi32>
        %swap3A_262 = arith.constant 0 : index
        %swap3A_263 = tpu.vector_load %arg17[%swap3A_262] {strides = array<i32>} : memref<80xi32, #tpu.memory_space<vmem>>, vector<16xi32>,
        %swap3A_264 = vector.shape_cast %swap3A_263 : vector<16xi32> to vector<16xi32>
        %swap3A_265 = vector.shape_cast %add3A_261 : vector<16xi32> to vector<16xi32>
        tpu.vector_store %arg17[%swap3A_262], %swap3A_265 {strides = array<i32>} : memref<80xi32, #tpu.memory_space<vmem>>, vector<16xi32>,
        %get3A_266 = arith.constant 16 : index
        %get3A_267 = tpu.vector_load %arg11[%get3A_266] {strides = array<i32>} : memref<80xi32, #tpu.memory_space<vmem>>, vector<16xi32>,
        %get3A_268 = vector.shape_cast %get3A_267 : vector<16xi32> to vector<16xi32>
        %swap3A_269 = arith.constant 16 : index
        %swap3A_270 = tpu.vector_load %arg13[%swap3A_269] {strides = array<i32>} : memref<80xi32, #tpu.memory_space<vmem>>, vector<16xi32>,
        %swap3A_271 = vector.shape_cast %swap3A_270 : vector<16xi32> to vector<16xi32>
        %swap3A_272 = vector.shape_cast %get3A_268 : vector<16xi32> to vector<16xi32>
        tpu.vector_store %arg13[%swap3A_269], %swap3A_272 {strides = array<i32>} : memref<80xi32, #tpu.memory_space<vmem>>, vector<16xi32>,
        %add3A_273 = vector.broadcast %mul3A_2 : i32 to vector<16xi32>
        %add3A_274 = arith.addi %get3A_268, %add3A_273 : vector<16xi32>
        %swap3A_275 = arith.constant 16 : index
        %swap3A_276 = tpu.vector_load %arg15[%swap3A_275] {strides = array<i32>} : memref<80xi32, #tpu.memory_space<vmem>>, vector<16xi32>,
        %swap3A_277 = vector.shape_cast %swap3A_276 : vector<16xi32> to vector<16xi32>
        %swap3A_278 = vector.shape_cast %add3A_274 : vector<16xi32> to vector<16xi32>
        tpu.vector_store %arg15[%swap3A_275], %swap3A_278 {strides = array<i32>} : memref<80xi32, #tpu.memory_space<vmem>>, vector<16xi32>,
        %get3A_279 = arith.constant 16 : index
        %get3A_280 = tpu.vector_load %arg9[%get3A_279] {strides = array<i32>} : memref<80xi32, #tpu.memory_space<vmem>>, vector<16xi32>,
        %get3A_281 = vector.shape_cast %get3A_280 : vector<16xi32> to vector<16xi32>
        %add3A_282 = vector.broadcast %mul3A_2 : i32 to vector<16xi32>
        %add3A_283 = arith.addi %get3A_281, %add3A_282 : vector<16xi32>
        %swap3A_284 = arith.constant 16 : index
        %swap3A_285 = tpu.vector_load %arg17[%swap3A_284] {strides = array<i32>} : memref<80xi32, #tpu.memory_space<vmem>>, vector<16xi32>,
        %swap3A_286 = vector.shape_cast %swap3A_285 : vector<16xi32> to vector<16xi32>
        %swap3A_287 = vector.shape_cast %add3A_283 : vector<16xi32> to vector<16xi32>
        tpu.vector_store %arg17[%swap3A_284], %swap3A_287 {strides = array<i32>} : memref<80xi32, #tpu.memory_space<vmem>>, vector<16xi32>,
        %get3A_288 = arith.constant 32 : index
        %get3A_289 = tpu.vector_load %arg11[%get3A_288] {strides = array<i32>} : memref<80xi32, #tpu.memory_space<vmem>>, vector<16xi32>,
        %get3A_290 = vector.shape_cast %get3A_289 : vector<16xi32> to vector<16xi32>
        %swap3A_291 = arith.constant 32 : index
        %swap3A_292 = tpu.vector_load %arg13[%swap3A_291] {strides = array<i32>} : memref<80xi32, #tpu.memory_space<vmem>>, vector<16xi32>,
        %swap3A_293 = vector.shape_cast %swap3A_292 : vector<16xi32> to vector<16xi32>
        %swap3A_294 = vector.shape_cast %get3A_290 : vector<16xi32> to vector<16xi32>
        tpu.vector_store %arg13[%swap3A_291], %swap3A_294 {strides = array<i32>} : memref<80xi32, #tpu.memory_space<vmem>>, vector<16xi32>,
        %add3A_295 = vector.broadcast %mul3A_2 : i32 to vector<16xi32>
        %add3A_296 = arith.addi %get3A_290, %add3A_295 : vector<16xi32>
        %swap3A_297 = arith.constant 32 : index
        %swap3A_298 = tpu.vector_load %arg15[%swap3A_297] {strides = array<i32>} : memref<80xi32, #tpu.memory_space<vmem>>, vector<16xi32>,
        %swap3A_299 = vector.shape_cast %swap3A_298 : vector<16xi32> to vector<16xi32>
        %swap3A_300 = vector.shape_cast %add3A_296 : vector<16xi32> to vector<16xi32>
        tpu.vector_store %arg15[%swap3A_297], %swap3A_300 {strides = array<i32>} : memref<80xi32, #tpu.memory_space<vmem>>, vector<16xi32>,
        %get3A_301 = arith.constant 32 : index
        %get3A_302 = tpu.vector_load %arg9[%get3A_301] {strides = array<i32>} : memref<80xi32, #tpu.memory_space<vmem>>, vector<16xi32>,
        %get3A_303 = vector.shape_cast %get3A_302 : vector<16xi32> to vector<16xi32>
        %add3A_304 = vector.broadcast %mul3A_2 : i32 to vector<16xi32>
        %add3A_305 = arith.addi %get3A_303, %add3A_304 : vector<16xi32>
        %swap3A_306 = arith.constant 32 : index
        %swap3A_307 = tpu.vector_load %arg17[%swap3A_306] {strides = array<i32>} : memref<80xi32, #tpu.memory_space<vmem>>, vector<16xi32>,
        %swap3A_308 = vector.shape_cast %swap3A_307 : vector<16xi32> to vector<16xi32>
        %swap3A_309 = vector.shape_cast %add3A_305 : vector<16xi32> to vector<16xi32>
        tpu.vector_store %arg17[%swap3A_306], %swap3A_309 {strides = array<i32>} : memref<80xi32, #tpu.memory_space<vmem>>, vector<16xi32>,
        %get3A_310 = arith.constant 48 : index
        %get3A_311 = tpu.vector_load %arg11[%get3A_310] {strides = array<i32>} : memref<80xi32, #tpu.memory_space<vmem>>, vector<16xi32>,
        %get3A_312 = vector.shape_cast %get3A_311 : vector<16xi32> to vector<16xi32>
        %swap3A_313 = arith.constant 48 : index
        %swap3A_314 = tpu.vector_load %arg13[%swap3A_313] {strides = array<i32>} : memref<80xi32, #tpu.memory_space<vmem>>, vector<16xi32>,
        %swap3A_315 = vector.shape_cast %swap3A_314 : vector<16xi32> to vector<16xi32>
        %swap3A_316 = vector.shape_cast %get3A_312 : vector<16xi32> to vector<16xi32>
        tpu.vector_store %arg13[%swap3A_313], %swap3A_316 {strides = array<i32>} : memref<80xi32, #tpu.memory_space<vmem>>, vector<16xi32>,
        %add3A_317 = vector.broadcast %mul3A_2 : i32 to vector<16xi32>
        %add3A_318 = arith.addi %get3A_312, %add3A_317 : vector<16xi32>
        %swap3A_319 = arith.constant 48 : index
        %swap3A_320 = tpu.vector_load %arg15[%swap3A_319] {strides = array<i32>} : memref<80xi32, #tpu.memory_space<vmem>>, vector<16xi32>,
        %swap3A_321 = vector.shape_cast %swap3A_320 : vector<16xi32> to vector<16xi32>
        %swap3A_322 = vector.shape_cast %add3A_318 : vector<16xi32> to vector<16xi32>
        tpu.vector_store %arg15[%swap3A_319], %swap3A_322 {strides = array<i32>} : memref<80xi32, #tpu.memory_space<vmem>>, vector<16xi32>,
        %get3A_323 = arith.constant 48 : index
        %get3A_324 = tpu.vector_load %arg9[%get3A_323] {strides = array<i32>} : memref<80xi32, #tpu.memory_space<vmem>>, vector<16xi32>,
        %get3A_325 = vector.shape_cast %get3A_324 : vector<16xi32> to vector<16xi32>
        %add3A_326 = vector.broadcast %mul3A_2 : i32 to vector<16xi32>
        %add3A_327 = arith.addi %get3A_325, %add3A_326 : vector<16xi32>
        %swap3A_328 = arith.constant 48 : index
        %swap3A_329 = tpu.vector_load %arg17[%swap3A_328] {strides = array<i32>} : memref<80xi32, #tpu.memory_space<vmem>>, vector<16xi32>,
        %swap3A_330 = vector.shape_cast %swap3A_329 : vector<16xi32> to vector<16xi32>
        %swap3A_331 = vector.shape_cast %add3A_327 : vector<16xi32> to vector<16xi32>
        tpu.vector_store %arg17[%swap3A_328], %swap3A_331 {strides = array<i32>} : memref<80xi32, #tpu.memory_space<vmem>>, vector<16xi32>,
        %get3A_332 = arith.constant 64 : index
        %get3A_333 = tpu.vector_load %arg11[%get3A_332] {strides = array<i32>} : memref<80xi32, #tpu.memory_space<vmem>>, vector<16xi32>,
        %get3A_334 = vector.shape_cast %get3A_333 : vector<16xi32> to vector<16xi32>
        %swap3A_335 = arith.constant 64 : index
        %swap3A_336 = tpu.vector_load %arg13[%swap3A_335] {strides = array<i32>} : memref<80xi32, #tpu.memory_space<vmem>>, vector<16xi32>,
        %swap3A_337 = vector.shape_cast %swap3A_336 : vector<16xi32> to vector<16xi32>
        %swap3A_338 = vector.shape_cast %get3A_334 : vector<16xi32> to vector<16xi32>
        tpu.vector_store %arg13[%swap3A_335], %swap3A_338 {strides = array<i32>} : memref<80xi32, #tpu.memory_space<vmem>>, vector<16xi32>,
        %add3A_339 = vector.broadcast %mul3A_2 : i32 to vector<16xi32>
        %add3A_340 = arith.addi %get3A_334, %add3A_339 : vector<16xi32>
        %swap3A_341 = arith.constant 64 : index
        %swap3A_342 = tpu.vector_load %arg15[%swap3A_341] {strides = array<i32>} : memref<80xi32, #tpu.memory_space<vmem>>, vector<16xi32>,
        %swap3A_343 = vector.shape_cast %swap3A_342 : vector<16xi32> to vector<16xi32>
        %swap3A_344 = vector.shape_cast %add3A_340 : vector<16xi32> to vector<16xi32>
        tpu.vector_store %arg15[%swap3A_341], %swap3A_344 {strides = array<i32>} : memref<80xi32, #tpu.memory_space<vmem>>, vector<16xi32>,
        %get3A_345 = arith.constant 64 : index
        %get3A_346 = tpu.vector_load %arg9[%get3A_345] {strides = array<i32>} : memref<80xi32, #tpu.memory_space<vmem>>, vector<16xi32>,
        %get3A_347 = vector.shape_cast %get3A_346 : vector<16xi32> to vector<16xi32>
        %add3A_348 = vector.broadcast %mul3A_2 : i32 to vector<16xi32>
        %add3A_349 = arith.addi %get3A_347, %add3A_348 : vector<16xi32>
        %swap3A_350 = arith.constant 64 : index
        %swap3A_351 = tpu.vector_load %arg17[%swap3A_350] {strides = array<i32>} : memref<80xi32, #tpu.memory_space<vmem>>, vector<16xi32>,
        %swap3A_352 = vector.shape_cast %swap3A_351 : vector<16xi32> to vector<16xi32>
        %swap3A_353 = vector.shape_cast %add3A_349 : vector<16xi32> to vector<16xi32>
        tpu.vector_store %arg17[%swap3A_350], %swap3A_353 {strides = array<i32>} : memref<80xi32, #tpu.memory_space<vmem>>, vector<16xi32>,
        %dma_start3A_354 = arith.constant 0 : i32
        %dma_start3A_355 = arith.constant 0 : i32
        %dma_start3A_356 = tpu.memref_slice %arg2[%dma_start3A_354, %dma_start3A_355] : memref<20000x144xf32, #tpu.memory_space<hbm>> -> memref<20000x144xf32, #tpu.memory_space<hbm>>
        tpu.enqueue_indirect_dma source(%dma_start3A_356 : memref<20000x144xf32, #tpu.memory_space<hbm>>) target(%arg21 : memref<80x144xf32, #tpu.memory_space<vmem>>) offsets(%arg15 : memref<80xi32, #tpu.memory_space<vmem>>) semaphore(%arg27 : memref<!tpu.dma_semaphore, #tpu.memory_space<semaphore_mem>>)
        %dma_start3A_357 = arith.constant 0 : i32
        %dma_start3A_358 = arith.constant 0 : i32
        %dma_start3A_359 = tpu.memref_slice %arg3[%dma_start3A_357, %dma_start3A_358] : memref<20000x128xf32, #tpu.memory_space<hbm>> -> memref<20000x128xf32, #tpu.memory_space<hbm>>
        tpu.enqueue_indirect_dma source(%dma_start3A_359 : memref<20000x128xf32, #tpu.memory_space<hbm>>) target(%arg23 : memref<80x128xf32, #tpu.memory_space<vmem>>) offsets(%arg17 : memref<80xi32, #tpu.memory_space<vmem>>) semaphore(%arg29 : memref<!tpu.dma_semaphore, #tpu.memory_space<semaphore_mem>>)
        %dma_start3A_360 = arith.constant 0 : i32
        %dma_start3A_361 = tpu.memref_slice %arg6[%add3A_239, %dma_start3A_360] : memref<320000x16xf32, #tpu.memory_space<hbm>> -> memref<80x16xf32, #tpu.memory_space<hbm>>
        %dma_start3A_362 = arith.constant 0 : i32
        %dma_start3A_363 = tpu.memref_slice %arg6[%add3A_239, %dma_start3A_362] : memref<320000x16xf32, #tpu.memory_space<hbm>> -> memref<80x16xf32, #tpu.memory_space<hbm>>
        tpu.enqueue_dma source(%dma_start3A_363 : memref<80x16xf32, #tpu.memory_space<hbm>>) target(%arg19 : memref<80x16xf32, #tpu.memory_space<vmem>>) target_semaphore(%arg31 : memref<!tpu.dma_semaphore, #tpu.memory_space<semaphore_mem>>)
      } else {
      }
      %add3A_220 = arith.constant 3 : i32
      %add3A_221 = arith.addi %mul3A_180, %add3A_220 : i32
      %lt3A_222 = arith.constant 250 : i32
      %lt3A_223 = arith.cmpi slt, %add3A_221, %lt3A_222 : i32
      %convert_element_type3A_224 = arith.extui %lt3A_223 : i1 to i32
      %cond3A_225 = arith.constant 0 : i32
      %cond3A_226 = arith.cmpi ne, %convert_element_type3A_224, %cond3A_225 : i32
      scf.if %cond3A_226 {
        %add3A_235 = arith.constant 3 : i32
        %add3A_236 = arith.addi %mul3A_180, %add3A_235 : i32
        %mul3A_237 = arith.constant 80 : i32
        %mul3A_238 = arith.muli %add3A_236, %mul3A_237 : i32
        %add3A_239 = arith.addi %mul3A_0, %mul3A_238 : i32
        %dma_start3A_240 = tpu.memref_slice %arg5[%add3A_239] : memref<320000xi32, #tpu.memory_space<hbm>> -> memref<80xi32, #tpu.memory_space<hbm>>
        %dma_start3A_241 = tpu.memref_slice %arg5[%add3A_239] : memref<320000xi32, #tpu.memory_space<hbm>> -> memref<80xi32, #tpu.memory_space<hbm>>
        tpu.enqueue_dma source(%dma_start3A_241 : memref<80xi32, #tpu.memory_space<hbm>>) target(%arg12 : memref<80xi32, #tpu.memory_space<vmem>>) target_semaphore(%arg34 : memref<!tpu.dma_semaphore, #tpu.memory_space<semaphore_mem>>)
        %dma_start3A_242 = tpu.memref_slice %arg4[%add3A_239] : memref<320000xi32, #tpu.memory_space<hbm>> -> memref<80xi32, #tpu.memory_space<hbm>>
        %dma_start3A_243 = tpu.memref_slice %arg4[%add3A_239] : memref<320000xi32, #tpu.memory_space<hbm>> -> memref<80xi32, #tpu.memory_space<hbm>>
        tpu.enqueue_dma source(%dma_start3A_243 : memref<80xi32, #tpu.memory_space<hbm>>) target(%arg10 : memref<80xi32, #tpu.memory_space<vmem>>) target_semaphore(%arg36 : memref<!tpu.dma_semaphore, #tpu.memory_space<semaphore_mem>>)
      } else {
      }
      %add3A_227 = arith.constant 1 : i32
      %add3A_228 = arith.addi %mul3A_180, %add3A_227 : i32
      %lt3A_229 = arith.constant 250 : i32
      %lt3A_230 = arith.cmpi slt, %add3A_228, %lt3A_229 : i32
      %convert_element_type3A_231 = arith.extui %lt3A_230 : i1 to i32
      %cond3A_232 = arith.constant 0 : i32
      %cond3A_233 = arith.cmpi ne, %convert_element_type3A_231, %cond3A_232 : i32
      scf.if %cond3A_233 {
        %add3A_235 = arith.constant 1 : i32
        %add3A_236 = arith.addi %mul3A_180, %add3A_235 : i32
        %mul3A_237 = arith.constant 80 : i32
        %mul3A_238 = arith.muli %add3A_236, %mul3A_237 : i32
        %add3A_239 = arith.addi %mul3A_0, %mul3A_238 : i32
        %dma_wait3A_240 = arith.constant 0 : i32
        %dma_wait3A_241 = arith.constant 0 : i32
        %dma_wait3A_242 = tpu.memref_slice %arg2[%dma_wait3A_240, %dma_wait3A_241] : memref<20000x144xf32, #tpu.memory_space<hbm>> -> memref<20000x144xf32, #tpu.memory_space<hbm>>
        tpu.wait_indirect_dma semaphore(%arg28 : memref<!tpu.dma_semaphore, #tpu.memory_space<semaphore_mem>>) src(%dma_wait3A_242 : memref<20000x144xf32, #tpu.memory_space<hbm>>) dst(%arg22 : memref<80x144xf32, #tpu.memory_space<vmem>>)
        %dma_wait3A_243 = arith.constant 0 : i32
        %dma_wait3A_244 = arith.constant 0 : i32
        %dma_wait3A_245 = tpu.memref_slice %arg3[%dma_wait3A_243, %dma_wait3A_244] : memref<20000x128xf32, #tpu.memory_space<hbm>> -> memref<20000x128xf32, #tpu.memory_space<hbm>>
        tpu.wait_indirect_dma semaphore(%arg30 : memref<!tpu.dma_semaphore, #tpu.memory_space<semaphore_mem>>) src(%dma_wait3A_245 : memref<20000x128xf32, #tpu.memory_space<hbm>>) dst(%arg24 : memref<80x128xf32, #tpu.memory_space<vmem>>)
        %dma_wait3A_246 = arith.constant 0 : i32
        %dma_wait3A_247 = tpu.memref_slice %arg6[%add3A_239, %dma_wait3A_246] : memref<320000x16xf32, #tpu.memory_space<hbm>> -> memref<80x16xf32, #tpu.memory_space<hbm>>
        %dma_wait3A_248 = arith.constant 0 : i32
        %dma_wait3A_249 = tpu.memref_slice %arg6[%add3A_239, %dma_wait3A_248] : memref<320000x16xf32, #tpu.memory_space<hbm>> -> memref<80x16xf32, #tpu.memory_space<hbm>>
        tpu.wait_dma2 semaphore(%arg32 : memref<!tpu.dma_semaphore, #tpu.memory_space<semaphore_mem>>) src(%dma_wait3A_249 : memref<80x16xf32, #tpu.memory_space<hbm>>) dst(%arg20 : memref<80x16xf32, #tpu.memory_space<vmem>>)
        %scan3A_250 = arith.constant 0 : i32
        %scan3A_251 = arith.constant 0 : i32
        %scan3A_252 = arith.constant 20 : i32
        %scan3A_253 = arith.addi %scan3A_251, %scan3A_252 : i32
        %scan3A_254 = arith.constant 1 : i32
        %scan3A_255 = scf.for %scan3A_257 = %scan3A_251 to %scan3A_253 step %scan3A_254 iter_args(%scan3A_258 = %scan3A_250) -> (i32)  : i32 {
          %mul3A_259 = arith.constant 4 : i32
          %mul3A_260 = arith.muli %scan3A_257, %mul3A_259 : i32
          %add3A_261 = arith.constant 0 : i32
          %add3A_262 = arith.addi %mul3A_260, %add3A_261 : i32
          %get3A_263 = arith.index_cast %add3A_262 : i32 to index
          %get3A_264 = arith.constant 0 : index
          %get3A_265 = tpu.vector_load %arg20[%get3A_263, %get3A_264] {strides = array<i32>} : memref<80x16xf32, #tpu.memory_space<vmem>>, vector<1x16xf32>,
          %get3A_266 = vector.shape_cast %get3A_265 : vector<1x16xf32> to vector<16xf32>
          %get3A_267 = arith.index_cast %add3A_262 : i32 to index
          %get3A_268 = arith.constant 0 : index
          %get3A_269 = tpu.vector_load %arg22[%get3A_267, %get3A_268] {strides = array<i32>} : memref<80x144xf32, #tpu.memory_space<vmem>>, vector<1x16xf32>,
          %get3A_270 = vector.shape_cast %get3A_269 : vector<1x16xf32> to vector<16xf32>
          %get3A_271 = arith.index_cast %add3A_262 : i32 to index
          %get3A_272 = arith.constant 64 : index
          %get3A_273 = tpu.vector_load %arg22[%get3A_271, %get3A_272] {strides = array<i32>} : memref<80x144xf32, #tpu.memory_space<vmem>>, vector<1x16xf32>,
          %get3A_274 = vector.shape_cast %get3A_273 : vector<1x16xf32> to vector<16xf32>
          %get3A_275 = arith.index_cast %add3A_262 : i32 to index
          %get3A_276 = arith.constant 0 : index
          %get3A_277 = tpu.vector_load %arg24[%get3A_275, %get3A_276] {strides = array<i32>} : memref<80x128xf32, #tpu.memory_space<vmem>>, vector<1x16xf32>,
          %get3A_278 = vector.shape_cast %get3A_277 : vector<1x16xf32> to vector<16xf32>
          %mul3A_279 = arith.mulf %get3A_270, %get3A_278 : vector<16xf32>
          %mul3A_280 = arith.mulf %get3A_274, %get3A_266 : vector<16xf32>
          %add3A_281 = arith.addf %mul3A_279, %mul3A_280 : vector<16xf32>
          %gather3A = vector.shape_cast %broadcast_in_dim3A : vector<16x1xi32> to vector<16xi32>
          %gather3A_282 = tpu.dynamic_gather %add3A_281[%gather3A] in [0] : vector<16xf32>, vector<16xi32> -> vector<16xf32>
          %add3A_283 = arith.addf %add3A_281, %gather3A_282 : vector<16xf32>
          %get3A_284 = arith.index_cast %add3A_262 : i32 to index
          %get3A_285 = arith.constant 16 : index
          %get3A_286 = tpu.vector_load %arg22[%get3A_284, %get3A_285] {strides = array<i32>} : memref<80x144xf32, #tpu.memory_space<vmem>>, vector<1x16xf32>,
          %get3A_287 = vector.shape_cast %get3A_286 : vector<1x16xf32> to vector<16xf32>
          %get3A_288 = arith.index_cast %add3A_262 : i32 to index
          %get3A_289 = arith.constant 80 : index
          %get3A_290 = tpu.vector_load %arg22[%get3A_288, %get3A_289] {strides = array<i32>} : memref<80x144xf32, #tpu.memory_space<vmem>>, vector<1x16xf32>,
          %get3A_291 = vector.shape_cast %get3A_290 : vector<1x16xf32> to vector<16xf32>
          %get3A_292 = arith.index_cast %add3A_262 : i32 to index
          %get3A_293 = arith.constant 16 : index
          %get3A_294 = tpu.vector_load %arg24[%get3A_292, %get3A_293] {strides = array<i32>} : memref<80x128xf32, #tpu.memory_space<vmem>>, vector<1x16xf32>,
          %get3A_295 = vector.shape_cast %get3A_294 : vector<1x16xf32> to vector<16xf32>
          %mul3A_296 = arith.mulf %get3A_287, %get3A_295 : vector<16xf32>
          %mul3A_297 = arith.mulf %get3A_291, %get3A_266 : vector<16xf32>
          %add3A_298 = arith.addf %mul3A_296, %mul3A_297 : vector<16xf32>
          %gather3A_299 = vector.shape_cast %broadcast_in_dim3A : vector<16x1xi32> to vector<16xi32>
          %gather3A_300 = tpu.dynamic_gather %add3A_298[%gather3A_299] in [0] : vector<16xf32>, vector<16xi32> -> vector<16xf32>
          %add3A_301 = arith.addf %add3A_298, %gather3A_300 : vector<16xf32>
          %get3A_302 = arith.index_cast %add3A_262 : i32 to index
          %get3A_303 = arith.constant 32 : index
          %get3A_304 = tpu.vector_load %arg22[%get3A_302, %get3A_303] {strides = array<i32>} : memref<80x144xf32, #tpu.memory_space<vmem>>, vector<1x16xf32>,
          %get3A_305 = vector.shape_cast %get3A_304 : vector<1x16xf32> to vector<16xf32>
          %get3A_306 = arith.index_cast %add3A_262 : i32 to index
          %get3A_307 = arith.constant 96 : index
          %get3A_308 = tpu.vector_load %arg22[%get3A_306, %get3A_307] {strides = array<i32>} : memref<80x144xf32, #tpu.memory_space<vmem>>, vector<1x16xf32>,
          %get3A_309 = vector.shape_cast %get3A_308 : vector<1x16xf32> to vector<16xf32>
          %get3A_310 = arith.index_cast %add3A_262 : i32 to index
          %get3A_311 = arith.constant 32 : index
          %get3A_312 = tpu.vector_load %arg24[%get3A_310, %get3A_311] {strides = array<i32>} : memref<80x128xf32, #tpu.memory_space<vmem>>, vector<1x16xf32>,
          %get3A_313 = vector.shape_cast %get3A_312 : vector<1x16xf32> to vector<16xf32>
          %mul3A_314 = arith.mulf %get3A_305, %get3A_313 : vector<16xf32>
          %mul3A_315 = arith.mulf %get3A_309, %get3A_266 : vector<16xf32>
          %add3A_316 = arith.addf %mul3A_314, %mul3A_315 : vector<16xf32>
          %gather3A_317 = vector.shape_cast %broadcast_in_dim3A : vector<16x1xi32> to vector<16xi32>
          %gather3A_318 = tpu.dynamic_gather %add3A_316[%gather3A_317] in [0] : vector<16xf32>, vector<16xi32> -> vector<16xf32>
          %add3A_319 = arith.addf %add3A_316, %gather3A_318 : vector<16xf32>
          %get3A_320 = arith.index_cast %add3A_262 : i32 to index
          %get3A_321 = arith.constant 48 : index
          %get3A_322 = tpu.vector_load %arg22[%get3A_320, %get3A_321] {strides = array<i32>} : memref<80x144xf32, #tpu.memory_space<vmem>>, vector<1x16xf32>,
          %get3A_323 = vector.shape_cast %get3A_322 : vector<1x16xf32> to vector<16xf32>
          %get3A_324 = arith.index_cast %add3A_262 : i32 to index
          %get3A_325 = arith.constant 112 : index
          %get3A_326 = tpu.vector_load %arg22[%get3A_324, %get3A_325] {strides = array<i32>} : memref<80x144xf32, #tpu.memory_space<vmem>>, vector<1x16xf32>,
          %get3A_327 = vector.shape_cast %get3A_326 : vector<1x16xf32> to vector<16xf32>
          %get3A_328 = arith.index_cast %add3A_262 : i32 to index
          %get3A_329 = arith.constant 48 : index
          %get3A_330 = tpu.vector_load %arg24[%get3A_328, %get3A_329] {strides = array<i32>} : memref<80x128xf32, #tpu.memory_space<vmem>>, vector<1x16xf32>,
          %get3A_331 = vector.shape_cast %get3A_330 : vector<1x16xf32> to vector<16xf32>
          %mul3A_332 = arith.mulf %get3A_323, %get3A_331 : vector<16xf32>
          %mul3A_333 = arith.mulf %get3A_327, %get3A_266 : vector<16xf32>
          %add3A_334 = arith.addf %mul3A_332, %mul3A_333 : vector<16xf32>
          %gather3A_335 = vector.shape_cast %broadcast_in_dim3A : vector<16x1xi32> to vector<16xi32>
          %gather3A_336 = tpu.dynamic_gather %add3A_334[%gather3A_335] in [0] : vector<16xf32>, vector<16xi32> -> vector<16xf32>
          %add3A_337 = arith.addf %add3A_334, %gather3A_336 : vector<16xf32>
          %select_n3A = arith.select %lt3A_24, %add3A_283, %add3A_301 : vector<16xi1>, vector<16xf32>
          %select_n3A_338 = arith.select %lt3A_24, %add3A_319, %add3A_337 : vector<16xi1>, vector<16xf32>
          %gather3A_339 = vector.shape_cast %broadcast_in_dim3A_14 : vector<16x1xi32> to vector<16xi32>
          %gather3A_340 = tpu.dynamic_gather %select_n3A[%gather3A_339] in [0] : vector<16xf32>, vector<16xi32> -> vector<16xf32>
          %add3A_341 = arith.addf %select_n3A, %gather3A_340 : vector<16xf32>
          %gather3A_342 = vector.shape_cast %broadcast_in_dim3A_14 : vector<16x1xi32> to vector<16xi32>
          %gather3A_343 = tpu.dynamic_gather %select_n3A_338[%gather3A_342] in [0] : vector<16xf32>, vector<16xi32> -> vector<16xf32>
          %add3A_344 = arith.addf %select_n3A_338, %gather3A_343 : vector<16xf32>
          %select_n3A_345 = arith.select %eq3A_28, %add3A_341, %add3A_344 : vector<16xi1>, vector<16xf32>
          %gather3A_346 = vector.shape_cast %broadcast_in_dim3A_18 : vector<16x1xi32> to vector<16xi32>
          %gather3A_347 = tpu.dynamic_gather %select_n3A_345[%gather3A_346] in [0] : vector<16xf32>, vector<16xi32> -> vector<16xf32>
          %add3A_348 = arith.addf %select_n3A_345, %gather3A_347 : vector<16xf32>
          %gather3A_349 = vector.shape_cast %broadcast_in_dim3A_22 : vector<16x1xi32> to vector<16xi32>
          %gather3A_350 = tpu.dynamic_gather %add3A_348[%gather3A_349] in [0] : vector<16xf32>, vector<16xi32> -> vector<16xf32>
          %add3A_351 = arith.addf %add3A_348, %gather3A_350 : vector<16xf32>
          %get3A_352 = arith.index_cast %add3A_262 : i32 to index
          %get3A_353 = arith.constant 128 : index
          %get3A_354 = tpu.vector_load %arg22[%get3A_352, %get3A_353] {strides = array<i32>} : memref<80x144xf32, #tpu.memory_space<vmem>>, vector<1x16xf32>,
          %get3A_355 = vector.shape_cast %get3A_354 : vector<1x16xf32> to vector<16xf32>
          %add3A_356 = arith.addf %add3A_351, %get3A_355 : vector<16xf32>
          %exp3A = math.exp %add3A_356 : vector<16xf32>
          %add3A_357 = arith.constant 1 : i32
          %add3A_358 = arith.addi %mul3A_260, %add3A_357 : i32
          %get3A_359 = arith.index_cast %add3A_358 : i32 to index
          %get3A_360 = arith.constant 0 : index
          %get3A_361 = tpu.vector_load %arg20[%get3A_359, %get3A_360] {strides = array<i32>} : memref<80x16xf32, #tpu.memory_space<vmem>>, vector<1x16xf32>,
          %get3A_362 = vector.shape_cast %get3A_361 : vector<1x16xf32> to vector<16xf32>
          %get3A_363 = arith.index_cast %add3A_358 : i32 to index
          %get3A_364 = arith.constant 0 : index
          %get3A_365 = tpu.vector_load %arg22[%get3A_363, %get3A_364] {strides = array<i32>} : memref<80x144xf32, #tpu.memory_space<vmem>>, vector<1x16xf32>,
          %get3A_366 = vector.shape_cast %get3A_365 : vector<1x16xf32> to vector<16xf32>
          %get3A_367 = arith.index_cast %add3A_358 : i32 to index
          %get3A_368 = arith.constant 64 : index
          %get3A_369 = tpu.vector_load %arg22[%get3A_367, %get3A_368] {strides = array<i32>} : memref<80x144xf32, #tpu.memory_space<vmem>>, vector<1x16xf32>,
          %get3A_370 = vector.shape_cast %get3A_369 : vector<1x16xf32> to vector<16xf32>
          %get3A_371 = arith.index_cast %add3A_358 : i32 to index
          %get3A_372 = arith.constant 0 : index
          %get3A_373 = tpu.vector_load %arg24[%get3A_371, %get3A_372] {strides = array<i32>} : memref<80x128xf32, #tpu.memory_space<vmem>>, vector<1x16xf32>,
          %get3A_374 = vector.shape_cast %get3A_373 : vector<1x16xf32> to vector<16xf32>
          %mul3A_375 = arith.mulf %get3A_366, %get3A_374 : vector<16xf32>
          %mul3A_376 = arith.mulf %get3A_370, %get3A_362 : vector<16xf32>
          %add3A_377 = arith.addf %mul3A_375, %mul3A_376 : vector<16xf32>
          %gather3A_378 = vector.shape_cast %broadcast_in_dim3A : vector<16x1xi32> to vector<16xi32>
          %gather3A_379 = tpu.dynamic_gather %add3A_377[%gather3A_378] in [0] : vector<16xf32>, vector<16xi32> -> vector<16xf32>
          %add3A_380 = arith.addf %add3A_377, %gather3A_379 : vector<16xf32>
          %get3A_381 = arith.index_cast %add3A_358 : i32 to index
          %get3A_382 = arith.constant 16 : index
          %get3A_383 = tpu.vector_load %arg22[%get3A_381, %get3A_382] {strides = array<i32>} : memref<80x144xf32, #tpu.memory_space<vmem>>, vector<1x16xf32>,
          %get3A_384 = vector.shape_cast %get3A_383 : vector<1x16xf32> to vector<16xf32>
          %get3A_385 = arith.index_cast %add3A_358 : i32 to index
          %get3A_386 = arith.constant 80 : index
          %get3A_387 = tpu.vector_load %arg22[%get3A_385, %get3A_386] {strides = array<i32>} : memref<80x144xf32, #tpu.memory_space<vmem>>, vector<1x16xf32>,
          %get3A_388 = vector.shape_cast %get3A_387 : vector<1x16xf32> to vector<16xf32>
          %get3A_389 = arith.index_cast %add3A_358 : i32 to index
          %get3A_390 = arith.constant 16 : index
          %get3A_391 = tpu.vector_load %arg24[%get3A_389, %get3A_390] {strides = array<i32>} : memref<80x128xf32, #tpu.memory_space<vmem>>, vector<1x16xf32>,
          %get3A_392 = vector.shape_cast %get3A_391 : vector<1x16xf32> to vector<16xf32>
          %mul3A_393 = arith.mulf %get3A_384, %get3A_392 : vector<16xf32>
          %mul3A_394 = arith.mulf %get3A_388, %get3A_362 : vector<16xf32>
          %add3A_395 = arith.addf %mul3A_393, %mul3A_394 : vector<16xf32>
          %gather3A_396 = vector.shape_cast %broadcast_in_dim3A : vector<16x1xi32> to vector<16xi32>
          %gather3A_397 = tpu.dynamic_gather %add3A_395[%gather3A_396] in [0] : vector<16xf32>, vector<16xi32> -> vector<16xf32>
          %add3A_398 = arith.addf %add3A_395, %gather3A_397 : vector<16xf32>
          %get3A_399 = arith.index_cast %add3A_358 : i32 to index
          %get3A_400 = arith.constant 32 : index
          %get3A_401 = tpu.vector_load %arg22[%get3A_399, %get3A_400] {strides = array<i32>} : memref<80x144xf32, #tpu.memory_space<vmem>>, vector<1x16xf32>,
          %get3A_402 = vector.shape_cast %get3A_401 : vector<1x16xf32> to vector<16xf32>
          %get3A_403 = arith.index_cast %add3A_358 : i32 to index
          %get3A_404 = arith.constant 96 : index
          %get3A_405 = tpu.vector_load %arg22[%get3A_403, %get3A_404] {strides = array<i32>} : memref<80x144xf32, #tpu.memory_space<vmem>>, vector<1x16xf32>,
          %get3A_406 = vector.shape_cast %get3A_405 : vector<1x16xf32> to vector<16xf32>
          %get3A_407 = arith.index_cast %add3A_358 : i32 to index
          %get3A_408 = arith.constant 32 : index
          %get3A_409 = tpu.vector_load %arg24[%get3A_407, %get3A_408] {strides = array<i32>} : memref<80x128xf32, #tpu.memory_space<vmem>>, vector<1x16xf32>,
          %get3A_410 = vector.shape_cast %get3A_409 : vector<1x16xf32> to vector<16xf32>
          %mul3A_411 = arith.mulf %get3A_402, %get3A_410 : vector<16xf32>
          %mul3A_412 = arith.mulf %get3A_406, %get3A_362 : vector<16xf32>
          %add3A_413 = arith.addf %mul3A_411, %mul3A_412 : vector<16xf32>
          %gather3A_414 = vector.shape_cast %broadcast_in_dim3A : vector<16x1xi32> to vector<16xi32>
          %gather3A_415 = tpu.dynamic_gather %add3A_413[%gather3A_414] in [0] : vector<16xf32>, vector<16xi32> -> vector<16xf32>
          %add3A_416 = arith.addf %add3A_413, %gather3A_415 : vector<16xf32>
          %get3A_417 = arith.index_cast %add3A_358 : i32 to index
          %get3A_418 = arith.constant 48 : index
          %get3A_419 = tpu.vector_load %arg22[%get3A_417, %get3A_418] {strides = array<i32>} : memref<80x144xf32, #tpu.memory_space<vmem>>, vector<1x16xf32>,
          %get3A_420 = vector.shape_cast %get3A_419 : vector<1x16xf32> to vector<16xf32>
          %get3A_421 = arith.index_cast %add3A_358 : i32 to index
          %get3A_422 = arith.constant 112 : index
          %get3A_423 = tpu.vector_load %arg22[%get3A_421, %get3A_422] {strides = array<i32>} : memref<80x144xf32, #tpu.memory_space<vmem>>, vector<1x16xf32>,
          %get3A_424 = vector.shape_cast %get3A_423 : vector<1x16xf32> to vector<16xf32>
          %get3A_425 = arith.index_cast %add3A_358 : i32 to index
          %get3A_426 = arith.constant 48 : index
          %get3A_427 = tpu.vector_load %arg24[%get3A_425, %get3A_426] {strides = array<i32>} : memref<80x128xf32, #tpu.memory_space<vmem>>, vector<1x16xf32>,
          %get3A_428 = vector.shape_cast %get3A_427 : vector<1x16xf32> to vector<16xf32>
          %mul3A_429 = arith.mulf %get3A_420, %get3A_428 : vector<16xf32>
          %mul3A_430 = arith.mulf %get3A_424, %get3A_362 : vector<16xf32>
          %add3A_431 = arith.addf %mul3A_429, %mul3A_430 : vector<16xf32>
          %gather3A_432 = vector.shape_cast %broadcast_in_dim3A : vector<16x1xi32> to vector<16xi32>
          %gather3A_433 = tpu.dynamic_gather %add3A_431[%gather3A_432] in [0] : vector<16xf32>, vector<16xi32> -> vector<16xf32>
          %add3A_434 = arith.addf %add3A_431, %gather3A_433 : vector<16xf32>
          %select_n3A_435 = arith.select %lt3A_24, %add3A_380, %add3A_398 : vector<16xi1>, vector<16xf32>
          %select_n3A_436 = arith.select %lt3A_24, %add3A_416, %add3A_434 : vector<16xi1>, vector<16xf32>
          %gather3A_437 = vector.shape_cast %broadcast_in_dim3A_14 : vector<16x1xi32> to vector<16xi32>
          %gather3A_438 = tpu.dynamic_gather %select_n3A_435[%gather3A_437] in [0] : vector<16xf32>, vector<16xi32> -> vector<16xf32>
          %add3A_439 = arith.addf %select_n3A_435, %gather3A_438 : vector<16xf32>
          %gather3A_440 = vector.shape_cast %broadcast_in_dim3A_14 : vector<16x1xi32> to vector<16xi32>
          %gather3A_441 = tpu.dynamic_gather %select_n3A_436[%gather3A_440] in [0] : vector<16xf32>, vector<16xi32> -> vector<16xf32>
          %add3A_442 = arith.addf %select_n3A_436, %gather3A_441 : vector<16xf32>
          %select_n3A_443 = arith.select %eq3A_28, %add3A_439, %add3A_442 : vector<16xi1>, vector<16xf32>
          %gather3A_444 = vector.shape_cast %broadcast_in_dim3A_18 : vector<16x1xi32> to vector<16xi32>
          %gather3A_445 = tpu.dynamic_gather %select_n3A_443[%gather3A_444] in [0] : vector<16xf32>, vector<16xi32> -> vector<16xf32>
          %add3A_446 = arith.addf %select_n3A_443, %gather3A_445 : vector<16xf32>
          %gather3A_447 = vector.shape_cast %broadcast_in_dim3A_22 : vector<16x1xi32> to vector<16xi32>
          %gather3A_448 = tpu.dynamic_gather %add3A_446[%gather3A_447] in [0] : vector<16xf32>, vector<16xi32> -> vector<16xf32>
          %add3A_449 = arith.addf %add3A_446, %gather3A_448 : vector<16xf32>
          %get3A_450 = arith.index_cast %add3A_358 : i32 to index
          %get3A_451 = arith.constant 128 : index
          %get3A_452 = tpu.vector_load %arg22[%get3A_450, %get3A_451] {strides = array<i32>} : memref<80x144xf32, #tpu.memory_space<vmem>>, vector<1x16xf32>,
          %get3A_453 = vector.shape_cast %get3A_452 : vector<1x16xf32> to vector<16xf32>
          %add3A_454 = arith.addf %add3A_449, %get3A_453 : vector<16xf32>
          %exp3A_455 = math.exp %add3A_454 : vector<16xf32>
          %add3A_456 = arith.constant 2 : i32
          %add3A_457 = arith.addi %mul3A_260, %add3A_456 : i32
          %get3A_458 = arith.index_cast %add3A_457 : i32 to index
          %get3A_459 = arith.constant 0 : index
          %get3A_460 = tpu.vector_load %arg20[%get3A_458, %get3A_459] {strides = array<i32>} : memref<80x16xf32, #tpu.memory_space<vmem>>, vector<1x16xf32>,
          %get3A_461 = vector.shape_cast %get3A_460 : vector<1x16xf32> to vector<16xf32>
          %get3A_462 = arith.index_cast %add3A_457 : i32 to index
          %get3A_463 = arith.constant 0 : index
          %get3A_464 = tpu.vector_load %arg22[%get3A_462, %get3A_463] {strides = array<i32>} : memref<80x144xf32, #tpu.memory_space<vmem>>, vector<1x16xf32>,
          %get3A_465 = vector.shape_cast %get3A_464 : vector<1x16xf32> to vector<16xf32>
          %get3A_466 = arith.index_cast %add3A_457 : i32 to index
          %get3A_467 = arith.constant 64 : index
          %get3A_468 = tpu.vector_load %arg22[%get3A_466, %get3A_467] {strides = array<i32>} : memref<80x144xf32, #tpu.memory_space<vmem>>, vector<1x16xf32>,
          %get3A_469 = vector.shape_cast %get3A_468 : vector<1x16xf32> to vector<16xf32>
          %get3A_470 = arith.index_cast %add3A_457 : i32 to index
          %get3A_471 = arith.constant 0 : index
          %get3A_472 = tpu.vector_load %arg24[%get3A_470, %get3A_471] {strides = array<i32>} : memref<80x128xf32, #tpu.memory_space<vmem>>, vector<1x16xf32>,
          %get3A_473 = vector.shape_cast %get3A_472 : vector<1x16xf32> to vector<16xf32>
          %mul3A_474 = arith.mulf %get3A_465, %get3A_473 : vector<16xf32>
          %mul3A_475 = arith.mulf %get3A_469, %get3A_461 : vector<16xf32>
          %add3A_476 = arith.addf %mul3A_474, %mul3A_475 : vector<16xf32>
          %gather3A_477 = vector.shape_cast %broadcast_in_dim3A : vector<16x1xi32> to vector<16xi32>
          %gather3A_478 = tpu.dynamic_gather %add3A_476[%gather3A_477] in [0] : vector<16xf32>, vector<16xi32> -> vector<16xf32>
          %add3A_479 = arith.addf %add3A_476, %gather3A_478 : vector<16xf32>
          %get3A_480 = arith.index_cast %add3A_457 : i32 to index
          %get3A_481 = arith.constant 16 : index
          %get3A_482 = tpu.vector_load %arg22[%get3A_480, %get3A_481] {strides = array<i32>} : memref<80x144xf32, #tpu.memory_space<vmem>>, vector<1x16xf32>,
          %get3A_483 = vector.shape_cast %get3A_482 : vector<1x16xf32> to vector<16xf32>
          %get3A_484 = arith.index_cast %add3A_457 : i32 to index
          %get3A_485 = arith.constant 80 : index
          %get3A_486 = tpu.vector_load %arg22[%get3A_484, %get3A_485] {strides = array<i32>} : memref<80x144xf32, #tpu.memory_space<vmem>>, vector<1x16xf32>,
          %get3A_487 = vector.shape_cast %get3A_486 : vector<1x16xf32> to vector<16xf32>
          %get3A_488 = arith.index_cast %add3A_457 : i32 to index
          %get3A_489 = arith.constant 16 : index
          %get3A_490 = tpu.vector_load %arg24[%get3A_488, %get3A_489] {strides = array<i32>} : memref<80x128xf32, #tpu.memory_space<vmem>>, vector<1x16xf32>,
          %get3A_491 = vector.shape_cast %get3A_490 : vector<1x16xf32> to vector<16xf32>
          %mul3A_492 = arith.mulf %get3A_483, %get3A_491 : vector<16xf32>
          %mul3A_493 = arith.mulf %get3A_487, %get3A_461 : vector<16xf32>
          %add3A_494 = arith.addf %mul3A_492, %mul3A_493 : vector<16xf32>
          %gather3A_495 = vector.shape_cast %broadcast_in_dim3A : vector<16x1xi32> to vector<16xi32>
          %gather3A_496 = tpu.dynamic_gather %add3A_494[%gather3A_495] in [0] : vector<16xf32>, vector<16xi32> -> vector<16xf32>
          %add3A_497 = arith.addf %add3A_494, %gather3A_496 : vector<16xf32>
          %get3A_498 = arith.index_cast %add3A_457 : i32 to index
          %get3A_499 = arith.constant 32 : index
          %get3A_500 = tpu.vector_load %arg22[%get3A_498, %get3A_499] {strides = array<i32>} : memref<80x144xf32, #tpu.memory_space<vmem>>, vector<1x16xf32>,
          %get3A_501 = vector.shape_cast %get3A_500 : vector<1x16xf32> to vector<16xf32>
          %get3A_502 = arith.index_cast %add3A_457 : i32 to index
          %get3A_503 = arith.constant 96 : index
          %get3A_504 = tpu.vector_load %arg22[%get3A_502, %get3A_503] {strides = array<i32>} : memref<80x144xf32, #tpu.memory_space<vmem>>, vector<1x16xf32>,
          %get3A_505 = vector.shape_cast %get3A_504 : vector<1x16xf32> to vector<16xf32>
          %get3A_506 = arith.index_cast %add3A_457 : i32 to index
          %get3A_507 = arith.constant 32 : index
          %get3A_508 = tpu.vector_load %arg24[%get3A_506, %get3A_507] {strides = array<i32>} : memref<80x128xf32, #tpu.memory_space<vmem>>, vector<1x16xf32>,
          %get3A_509 = vector.shape_cast %get3A_508 : vector<1x16xf32> to vector<16xf32>
          %mul3A_510 = arith.mulf %get3A_501, %get3A_509 : vector<16xf32>
          %mul3A_511 = arith.mulf %get3A_505, %get3A_461 : vector<16xf32>
          %add3A_512 = arith.addf %mul3A_510, %mul3A_511 : vector<16xf32>
          %gather3A_513 = vector.shape_cast %broadcast_in_dim3A : vector<16x1xi32> to vector<16xi32>
          %gather3A_514 = tpu.dynamic_gather %add3A_512[%gather3A_513] in [0] : vector<16xf32>, vector<16xi32> -> vector<16xf32>
          %add3A_515 = arith.addf %add3A_512, %gather3A_514 : vector<16xf32>
          %get3A_516 = arith.index_cast %add3A_457 : i32 to index
          %get3A_517 = arith.constant 48 : index
          %get3A_518 = tpu.vector_load %arg22[%get3A_516, %get3A_517] {strides = array<i32>} : memref<80x144xf32, #tpu.memory_space<vmem>>, vector<1x16xf32>,
          %get3A_519 = vector.shape_cast %get3A_518 : vector<1x16xf32> to vector<16xf32>
          %get3A_520 = arith.index_cast %add3A_457 : i32 to index
          %get3A_521 = arith.constant 112 : index
          %get3A_522 = tpu.vector_load %arg22[%get3A_520, %get3A_521] {strides = array<i32>} : memref<80x144xf32, #tpu.memory_space<vmem>>, vector<1x16xf32>,
          %get3A_523 = vector.shape_cast %get3A_522 : vector<1x16xf32> to vector<16xf32>
          %get3A_524 = arith.index_cast %add3A_457 : i32 to index
          %get3A_525 = arith.constant 48 : index
          %get3A_526 = tpu.vector_load %arg24[%get3A_524, %get3A_525] {strides = array<i32>} : memref<80x128xf32, #tpu.memory_space<vmem>>, vector<1x16xf32>,
          %get3A_527 = vector.shape_cast %get3A_526 : vector<1x16xf32> to vector<16xf32>
          %mul3A_528 = arith.mulf %get3A_519, %get3A_527 : vector<16xf32>
          %mul3A_529 = arith.mulf %get3A_523, %get3A_461 : vector<16xf32>
          %add3A_530 = arith.addf %mul3A_528, %mul3A_529 : vector<16xf32>
          %gather3A_531 = vector.shape_cast %broadcast_in_dim3A : vector<16x1xi32> to vector<16xi32>
          %gather3A_532 = tpu.dynamic_gather %add3A_530[%gather3A_531] in [0] : vector<16xf32>, vector<16xi32> -> vector<16xf32>
          %add3A_533 = arith.addf %add3A_530, %gather3A_532 : vector<16xf32>
          %select_n3A_534 = arith.select %lt3A_24, %add3A_479, %add3A_497 : vector<16xi1>, vector<16xf32>
          %select_n3A_535 = arith.select %lt3A_24, %add3A_515, %add3A_533 : vector<16xi1>, vector<16xf32>
          %gather3A_536 = vector.shape_cast %broadcast_in_dim3A_14 : vector<16x1xi32> to vector<16xi32>
          %gather3A_537 = tpu.dynamic_gather %select_n3A_534[%gather3A_536] in [0] : vector<16xf32>, vector<16xi32> -> vector<16xf32>
          %add3A_538 = arith.addf %select_n3A_534, %gather3A_537 : vector<16xf32>
          %gather3A_539 = vector.shape_cast %broadcast_in_dim3A_14 : vector<16x1xi32> to vector<16xi32>
          %gather3A_540 = tpu.dynamic_gather %select_n3A_535[%gather3A_539] in [0] : vector<16xf32>, vector<16xi32> -> vector<16xf32>
          %add3A_541 = arith.addf %select_n3A_535, %gather3A_540 : vector<16xf32>
          %select_n3A_542 = arith.select %eq3A_28, %add3A_538, %add3A_541 : vector<16xi1>, vector<16xf32>
          %gather3A_543 = vector.shape_cast %broadcast_in_dim3A_18 : vector<16x1xi32> to vector<16xi32>
          %gather3A_544 = tpu.dynamic_gather %select_n3A_542[%gather3A_543] in [0] : vector<16xf32>, vector<16xi32> -> vector<16xf32>
          %add3A_545 = arith.addf %select_n3A_542, %gather3A_544 : vector<16xf32>
          %gather3A_546 = vector.shape_cast %broadcast_in_dim3A_22 : vector<16x1xi32> to vector<16xi32>
          %gather3A_547 = tpu.dynamic_gather %add3A_545[%gather3A_546] in [0] : vector<16xf32>, vector<16xi32> -> vector<16xf32>
          %add3A_548 = arith.addf %add3A_545, %gather3A_547 : vector<16xf32>
          %get3A_549 = arith.index_cast %add3A_457 : i32 to index
          %get3A_550 = arith.constant 128 : index
          %get3A_551 = tpu.vector_load %arg22[%get3A_549, %get3A_550] {strides = array<i32>} : memref<80x144xf32, #tpu.memory_space<vmem>>, vector<1x16xf32>,
          %get3A_552 = vector.shape_cast %get3A_551 : vector<1x16xf32> to vector<16xf32>
          %add3A_553 = arith.addf %add3A_548, %get3A_552 : vector<16xf32>
          %exp3A_554 = math.exp %add3A_553 : vector<16xf32>
          %add3A_555 = arith.constant 3 : i32
          %add3A_556 = arith.addi %mul3A_260, %add3A_555 : i32
          %get3A_557 = arith.index_cast %add3A_556 : i32 to index
          %get3A_558 = arith.constant 0 : index
          %get3A_559 = tpu.vector_load %arg20[%get3A_557, %get3A_558] {strides = array<i32>} : memref<80x16xf32, #tpu.memory_space<vmem>>, vector<1x16xf32>,
          %get3A_560 = vector.shape_cast %get3A_559 : vector<1x16xf32> to vector<16xf32>
          %get3A_561 = arith.index_cast %add3A_556 : i32 to index
          %get3A_562 = arith.constant 0 : index
          %get3A_563 = tpu.vector_load %arg22[%get3A_561, %get3A_562] {strides = array<i32>} : memref<80x144xf32, #tpu.memory_space<vmem>>, vector<1x16xf32>,
          %get3A_564 = vector.shape_cast %get3A_563 : vector<1x16xf32> to vector<16xf32>
          %get3A_565 = arith.index_cast %add3A_556 : i32 to index
          %get3A_566 = arith.constant 64 : index
          %get3A_567 = tpu.vector_load %arg22[%get3A_565, %get3A_566] {strides = array<i32>} : memref<80x144xf32, #tpu.memory_space<vmem>>, vector<1x16xf32>,
          %get3A_568 = vector.shape_cast %get3A_567 : vector<1x16xf32> to vector<16xf32>
          %get3A_569 = arith.index_cast %add3A_556 : i32 to index
          %get3A_570 = arith.constant 0 : index
          %get3A_571 = tpu.vector_load %arg24[%get3A_569, %get3A_570] {strides = array<i32>} : memref<80x128xf32, #tpu.memory_space<vmem>>, vector<1x16xf32>,
          %get3A_572 = vector.shape_cast %get3A_571 : vector<1x16xf32> to vector<16xf32>
          %mul3A_573 = arith.mulf %get3A_564, %get3A_572 : vector<16xf32>
          %mul3A_574 = arith.mulf %get3A_568, %get3A_560 : vector<16xf32>
          %add3A_575 = arith.addf %mul3A_573, %mul3A_574 : vector<16xf32>
          %gather3A_576 = vector.shape_cast %broadcast_in_dim3A : vector<16x1xi32> to vector<16xi32>
          %gather3A_577 = tpu.dynamic_gather %add3A_575[%gather3A_576] in [0] : vector<16xf32>, vector<16xi32> -> vector<16xf32>
          %add3A_578 = arith.addf %add3A_575, %gather3A_577 : vector<16xf32>
          %get3A_579 = arith.index_cast %add3A_556 : i32 to index
          %get3A_580 = arith.constant 16 : index
          %get3A_581 = tpu.vector_load %arg22[%get3A_579, %get3A_580] {strides = array<i32>} : memref<80x144xf32, #tpu.memory_space<vmem>>, vector<1x16xf32>,
          %get3A_582 = vector.shape_cast %get3A_581 : vector<1x16xf32> to vector<16xf32>
          %get3A_583 = arith.index_cast %add3A_556 : i32 to index
          %get3A_584 = arith.constant 80 : index
          %get3A_585 = tpu.vector_load %arg22[%get3A_583, %get3A_584] {strides = array<i32>} : memref<80x144xf32, #tpu.memory_space<vmem>>, vector<1x16xf32>,
          %get3A_586 = vector.shape_cast %get3A_585 : vector<1x16xf32> to vector<16xf32>
          %get3A_587 = arith.index_cast %add3A_556 : i32 to index
          %get3A_588 = arith.constant 16 : index
          %get3A_589 = tpu.vector_load %arg24[%get3A_587, %get3A_588] {strides = array<i32>} : memref<80x128xf32, #tpu.memory_space<vmem>>, vector<1x16xf32>,
          %get3A_590 = vector.shape_cast %get3A_589 : vector<1x16xf32> to vector<16xf32>
          %mul3A_591 = arith.mulf %get3A_582, %get3A_590 : vector<16xf32>
          %mul3A_592 = arith.mulf %get3A_586, %get3A_560 : vector<16xf32>
          %add3A_593 = arith.addf %mul3A_591, %mul3A_592 : vector<16xf32>
          %gather3A_594 = vector.shape_cast %broadcast_in_dim3A : vector<16x1xi32> to vector<16xi32>
          %gather3A_595 = tpu.dynamic_gather %add3A_593[%gather3A_594] in [0] : vector<16xf32>, vector<16xi32> -> vector<16xf32>
          %add3A_596 = arith.addf %add3A_593, %gather3A_595 : vector<16xf32>
          %get3A_597 = arith.index_cast %add3A_556 : i32 to index
          %get3A_598 = arith.constant 32 : index
          %get3A_599 = tpu.vector_load %arg22[%get3A_597, %get3A_598] {strides = array<i32>} : memref<80x144xf32, #tpu.memory_space<vmem>>, vector<1x16xf32>,
          %get3A_600 = vector.shape_cast %get3A_599 : vector<1x16xf32> to vector<16xf32>
          %get3A_601 = arith.index_cast %add3A_556 : i32 to index
          %get3A_602 = arith.constant 96 : index
          %get3A_603 = tpu.vector_load %arg22[%get3A_601, %get3A_602] {strides = array<i32>} : memref<80x144xf32, #tpu.memory_space<vmem>>, vector<1x16xf32>,
          %get3A_604 = vector.shape_cast %get3A_603 : vector<1x16xf32> to vector<16xf32>
          %get3A_605 = arith.index_cast %add3A_556 : i32 to index
          %get3A_606 = arith.constant 32 : index
          %get3A_607 = tpu.vector_load %arg24[%get3A_605, %get3A_606] {strides = array<i32>} : memref<80x128xf32, #tpu.memory_space<vmem>>, vector<1x16xf32>,
          %get3A_608 = vector.shape_cast %get3A_607 : vector<1x16xf32> to vector<16xf32>
          %mul3A_609 = arith.mulf %get3A_600, %get3A_608 : vector<16xf32>
          %mul3A_610 = arith.mulf %get3A_604, %get3A_560 : vector<16xf32>
          %add3A_611 = arith.addf %mul3A_609, %mul3A_610 : vector<16xf32>
          %gather3A_612 = vector.shape_cast %broadcast_in_dim3A : vector<16x1xi32> to vector<16xi32>
          %gather3A_613 = tpu.dynamic_gather %add3A_611[%gather3A_612] in [0] : vector<16xf32>, vector<16xi32> -> vector<16xf32>
          %add3A_614 = arith.addf %add3A_611, %gather3A_613 : vector<16xf32>
          %get3A_615 = arith.index_cast %add3A_556 : i32 to index
          %get3A_616 = arith.constant 48 : index
          %get3A_617 = tpu.vector_load %arg22[%get3A_615, %get3A_616] {strides = array<i32>} : memref<80x144xf32, #tpu.memory_space<vmem>>, vector<1x16xf32>,
          %get3A_618 = vector.shape_cast %get3A_617 : vector<1x16xf32> to vector<16xf32>
          %get3A_619 = arith.index_cast %add3A_556 : i32 to index
          %get3A_620 = arith.constant 112 : index
          %get3A_621 = tpu.vector_load %arg22[%get3A_619, %get3A_620] {strides = array<i32>} : memref<80x144xf32, #tpu.memory_space<vmem>>, vector<1x16xf32>,
          %get3A_622 = vector.shape_cast %get3A_621 : vector<1x16xf32> to vector<16xf32>
          %get3A_623 = arith.index_cast %add3A_556 : i32 to index
          %get3A_624 = arith.constant 48 : index
          %get3A_625 = tpu.vector_load %arg24[%get3A_623, %get3A_624] {strides = array<i32>} : memref<80x128xf32, #tpu.memory_space<vmem>>, vector<1x16xf32>,
          %get3A_626 = vector.shape_cast %get3A_625 : vector<1x16xf32> to vector<16xf32>
          %mul3A_627 = arith.mulf %get3A_618, %get3A_626 : vector<16xf32>
          %mul3A_628 = arith.mulf %get3A_622, %get3A_560 : vector<16xf32>
          %add3A_629 = arith.addf %mul3A_627, %mul3A_628 : vector<16xf32>
          %gather3A_630 = vector.shape_cast %broadcast_in_dim3A : vector<16x1xi32> to vector<16xi32>
          %gather3A_631 = tpu.dynamic_gather %add3A_629[%gather3A_630] in [0] : vector<16xf32>, vector<16xi32> -> vector<16xf32>
          %add3A_632 = arith.addf %add3A_629, %gather3A_631 : vector<16xf32>
          %select_n3A_633 = arith.select %lt3A_24, %add3A_578, %add3A_596 : vector<16xi1>, vector<16xf32>
          %select_n3A_634 = arith.select %lt3A_24, %add3A_614, %add3A_632 : vector<16xi1>, vector<16xf32>
          %gather3A_635 = vector.shape_cast %broadcast_in_dim3A_14 : vector<16x1xi32> to vector<16xi32>
          %gather3A_636 = tpu.dynamic_gather %select_n3A_633[%gather3A_635] in [0] : vector<16xf32>, vector<16xi32> -> vector<16xf32>
          %add3A_637 = arith.addf %select_n3A_633, %gather3A_636 : vector<16xf32>
          %gather3A_638 = vector.shape_cast %broadcast_in_dim3A_14 : vector<16x1xi32> to vector<16xi32>
          %gather3A_639 = tpu.dynamic_gather %select_n3A_634[%gather3A_638] in [0] : vector<16xf32>, vector<16xi32> -> vector<16xf32>
          %add3A_640 = arith.addf %select_n3A_634, %gather3A_639 : vector<16xf32>
          %select_n3A_641 = arith.select %eq3A_28, %add3A_637, %add3A_640 : vector<16xi1>, vector<16xf32>
          %gather3A_642 = vector.shape_cast %broadcast_in_dim3A_18 : vector<16x1xi32> to vector<16xi32>
          %gather3A_643 = tpu.dynamic_gather %select_n3A_641[%gather3A_642] in [0] : vector<16xf32>, vector<16xi32> -> vector<16xf32>
          %add3A_644 = arith.addf %select_n3A_641, %gather3A_643 : vector<16xf32>
          %gather3A_645 = vector.shape_cast %broadcast_in_dim3A_22 : vector<16x1xi32> to vector<16xi32>
          %gather3A_646 = tpu.dynamic_gather %add3A_644[%gather3A_645] in [0] : vector<16xf32>, vector<16xi32> -> vector<16xf32>
          %add3A_647 = arith.addf %add3A_644, %gather3A_646 : vector<16xf32>
          %get3A_648 = arith.index_cast %add3A_556 : i32 to index
          %get3A_649 = arith.constant 128 : index
          %get3A_650 = tpu.vector_load %arg22[%get3A_648, %get3A_649] {strides = array<i32>} : memref<80x144xf32, #tpu.memory_space<vmem>>, vector<1x16xf32>,
          %get3A_651 = vector.shape_cast %get3A_650 : vector<1x16xf32> to vector<16xf32>
          %add3A_652 = arith.addf %add3A_647, %get3A_651 : vector<16xf32>
          %exp3A_653 = math.exp %add3A_652 : vector<16xf32>
          %add3A_654 = arith.constant 0 : i32
          %add3A_655 = arith.addi %mul3A_260, %add3A_654 : i32
          %swap3A_656 = arith.index_cast %add3A_655 : i32 to index
          %swap3A_657 = arith.constant 64 : index
          %swap3A_658 = tpu.vector_load %arg25[%swap3A_656, %swap3A_657] {strides = array<i32>} : memref<80x80xf32, #tpu.memory_space<vmem>>, vector<1x16xf32>,
          %swap3A_659 = vector.shape_cast %swap3A_658 : vector<1x16xf32> to vector<16xf32>
          %swap3A_660 = vector.shape_cast %exp3A : vector<16xf32> to vector<1x16xf32>
          tpu.vector_store %arg25[%swap3A_656, %swap3A_657], %swap3A_660 {strides = array<i32>} : memref<80x80xf32, #tpu.memory_space<vmem>>, vector<1x16xf32>,
          %get3A_661 = arith.index_cast %add3A_655 : i32 to index
          %get3A_662 = arith.constant 64 : index
          %get3A_663 = tpu.vector_load %arg24[%get3A_661, %get3A_662] {strides = array<i32>} : memref<80x128xf32, #tpu.memory_space<vmem>>, vector<1x16xf32>,
          %get3A_664 = vector.shape_cast %get3A_663 : vector<1x16xf32> to vector<16xf32>
          %slice3A = vector.extract_strided_slice %exp3A {offsets = [0], sizes = [1], strides = [1]} : vector<16xf32> to vector<1xf32>
          %squeeze3A = vector.extract %slice3A[0] : f32 from vector<1xf32>
          %mul3A_665 = vector.broadcast %squeeze3A : f32 to vector<16xf32>
          %mul3A_666 = arith.mulf %get3A_664, %mul3A_665 : vector<16xf32>
          %swap3A_667 = arith.index_cast %add3A_655 : i32 to index
          %swap3A_668 = arith.constant 0 : index
          %swap3A_669 = tpu.vector_load %arg25[%swap3A_667, %swap3A_668] {strides = array<i32>} : memref<80x80xf32, #tpu.memory_space<vmem>>, vector<1x16xf32>,
          %swap3A_670 = vector.shape_cast %swap3A_669 : vector<1x16xf32> to vector<16xf32>
          %swap3A_671 = vector.shape_cast %mul3A_666 : vector<16xf32> to vector<1x16xf32>
          tpu.vector_store %arg25[%swap3A_667, %swap3A_668], %swap3A_671 {strides = array<i32>} : memref<80x80xf32, #tpu.memory_space<vmem>>, vector<1x16xf32>,
          %get3A_672 = arith.index_cast %add3A_655 : i32 to index
          %get3A_673 = arith.constant 80 : index
          %get3A_674 = tpu.vector_load %arg24[%get3A_672, %get3A_673] {strides = array<i32>} : memref<80x128xf32, #tpu.memory_space<vmem>>, vector<1x16xf32>,
          %get3A_675 = vector.shape_cast %get3A_674 : vector<1x16xf32> to vector<16xf32>
          %slice3A_676 = vector.extract_strided_slice %exp3A {offsets = [8], sizes = [1], strides = [1]} : vector<16xf32> to vector<1xf32>
          %squeeze3A_677 = vector.extract %slice3A_676[0] : f32 from vector<1xf32>
          %mul3A_678 = vector.broadcast %squeeze3A_677 : f32 to vector<16xf32>
          %mul3A_679 = arith.mulf %get3A_675, %mul3A_678 : vector<16xf32>
          %swap3A_680 = arith.index_cast %add3A_655 : i32 to index
          %swap3A_681 = arith.constant 16 : index
          %swap3A_682 = tpu.vector_load %arg25[%swap3A_680, %swap3A_681] {strides = array<i32>} : memref<80x80xf32, #tpu.memory_space<vmem>>, vector<1x16xf32>,
          %swap3A_683 = vector.shape_cast %swap3A_682 : vector<1x16xf32> to vector<16xf32>
          %swap3A_684 = vector.shape_cast %mul3A_679 : vector<16xf32> to vector<1x16xf32>
          tpu.vector_store %arg25[%swap3A_680, %swap3A_681], %swap3A_684 {strides = array<i32>} : memref<80x80xf32, #tpu.memory_space<vmem>>, vector<1x16xf32>,
          %get3A_685 = arith.index_cast %add3A_655 : i32 to index
          %get3A_686 = arith.constant 96 : index
          %get3A_687 = tpu.vector_load %arg24[%get3A_685, %get3A_686] {strides = array<i32>} : memref<80x128xf32, #tpu.memory_space<vmem>>, vector<1x16xf32>,
          %get3A_688 = vector.shape_cast %get3A_687 : vector<1x16xf32> to vector<16xf32>
          %slice3A_689 = vector.extract_strided_slice %exp3A {offsets = [4], sizes = [1], strides = [1]} : vector<16xf32> to vector<1xf32>
          %squeeze3A_690 = vector.extract %slice3A_689[0] : f32 from vector<1xf32>
          %mul3A_691 = vector.broadcast %squeeze3A_690 : f32 to vector<16xf32>
          %mul3A_692 = arith.mulf %get3A_688, %mul3A_691 : vector<16xf32>
          %swap3A_693 = arith.index_cast %add3A_655 : i32 to index
          %swap3A_694 = arith.constant 32 : index
          %swap3A_695 = tpu.vector_load %arg25[%swap3A_693, %swap3A_694] {strides = array<i32>} : memref<80x80xf32, #tpu.memory_space<vmem>>, vector<1x16xf32>,
          %swap3A_696 = vector.shape_cast %swap3A_695 : vector<1x16xf32> to vector<16xf32>
          %swap3A_697 = vector.shape_cast %mul3A_692 : vector<16xf32> to vector<1x16xf32>
          tpu.vector_store %arg25[%swap3A_693, %swap3A_694], %swap3A_697 {strides = array<i32>} : memref<80x80xf32, #tpu.memory_space<vmem>>, vector<1x16xf32>,
          %get3A_698 = arith.index_cast %add3A_655 : i32 to index
          %get3A_699 = arith.constant 112 : index
          %get3A_700 = tpu.vector_load %arg24[%get3A_698, %get3A_699] {strides = array<i32>} : memref<80x128xf32, #tpu.memory_space<vmem>>, vector<1x16xf32>,
          %get3A_701 = vector.shape_cast %get3A_700 : vector<1x16xf32> to vector<16xf32>
          %slice3A_702 = vector.extract_strided_slice %exp3A {offsets = [12], sizes = [1], strides = [1]} : vector<16xf32> to vector<1xf32>
          %squeeze3A_703 = vector.extract %slice3A_702[0] : f32 from vector<1xf32>
          %mul3A_704 = vector.broadcast %squeeze3A_703 : f32 to vector<16xf32>
          %mul3A_705 = arith.mulf %get3A_701, %mul3A_704 : vector<16xf32>
          %swap3A_706 = arith.index_cast %add3A_655 : i32 to index
          %swap3A_707 = arith.constant 48 : index
          %swap3A_708 = tpu.vector_load %arg25[%swap3A_706, %swap3A_707] {strides = array<i32>} : memref<80x80xf32, #tpu.memory_space<vmem>>, vector<1x16xf32>,
          %swap3A_709 = vector.shape_cast %swap3A_708 : vector<1x16xf32> to vector<16xf32>
          %swap3A_710 = vector.shape_cast %mul3A_705 : vector<16xf32> to vector<1x16xf32>
          tpu.vector_store %arg25[%swap3A_706, %swap3A_707], %swap3A_710 {strides = array<i32>} : memref<80x80xf32, #tpu.memory_space<vmem>>, vector<1x16xf32>,
          %add3A_711 = arith.constant 1 : i32
          %add3A_712 = arith.addi %mul3A_260, %add3A_711 : i32
          %swap3A_713 = arith.index_cast %add3A_712 : i32 to index
          %swap3A_714 = arith.constant 64 : index
          %swap3A_715 = tpu.vector_load %arg25[%swap3A_713, %swap3A_714] {strides = array<i32>} : memref<80x80xf32, #tpu.memory_space<vmem>>, vector<1x16xf32>,
          %swap3A_716 = vector.shape_cast %swap3A_715 : vector<1x16xf32> to vector<16xf32>
          %swap3A_717 = vector.shape_cast %exp3A_455 : vector<16xf32> to vector<1x16xf32>
          tpu.vector_store %arg25[%swap3A_713, %swap3A_714], %swap3A_717 {strides = array<i32>} : memref<80x80xf32, #tpu.memory_space<vmem>>, vector<1x16xf32>,
          %get3A_718 = arith.index_cast %add3A_712 : i32 to index
          %get3A_719 = arith.constant 64 : index
          %get3A_720 = tpu.vector_load %arg24[%get3A_718, %get3A_719] {strides = array<i32>} : memref<80x128xf32, #tpu.memory_space<vmem>>, vector<1x16xf32>,
          %get3A_721 = vector.shape_cast %get3A_720 : vector<1x16xf32> to vector<16xf32>
          %slice3A_722 = vector.extract_strided_slice %exp3A_455 {offsets = [0], sizes = [1], strides = [1]} : vector<16xf32> to vector<1xf32>
          %squeeze3A_723 = vector.extract %slice3A_722[0] : f32 from vector<1xf32>
          %mul3A_724 = vector.broadcast %squeeze3A_723 : f32 to vector<16xf32>
          %mul3A_725 = arith.mulf %get3A_721, %mul3A_724 : vector<16xf32>
          %swap3A_726 = arith.index_cast %add3A_712 : i32 to index
          %swap3A_727 = arith.constant 0 : index
          %swap3A_728 = tpu.vector_load %arg25[%swap3A_726, %swap3A_727] {strides = array<i32>} : memref<80x80xf32, #tpu.memory_space<vmem>>, vector<1x16xf32>,
          %swap3A_729 = vector.shape_cast %swap3A_728 : vector<1x16xf32> to vector<16xf32>
          %swap3A_730 = vector.shape_cast %mul3A_725 : vector<16xf32> to vector<1x16xf32>
          tpu.vector_store %arg25[%swap3A_726, %swap3A_727], %swap3A_730 {strides = array<i32>} : memref<80x80xf32, #tpu.memory_space<vmem>>, vector<1x16xf32>,
          %get3A_731 = arith.index_cast %add3A_712 : i32 to index
          %get3A_732 = arith.constant 80 : index
          %get3A_733 = tpu.vector_load %arg24[%get3A_731, %get3A_732] {strides = array<i32>} : memref<80x128xf32, #tpu.memory_space<vmem>>, vector<1x16xf32>,
          %get3A_734 = vector.shape_cast %get3A_733 : vector<1x16xf32> to vector<16xf32>
          %slice3A_735 = vector.extract_strided_slice %exp3A_455 {offsets = [8], sizes = [1], strides = [1]} : vector<16xf32> to vector<1xf32>
          %squeeze3A_736 = vector.extract %slice3A_735[0] : f32 from vector<1xf32>
          %mul3A_737 = vector.broadcast %squeeze3A_736 : f32 to vector<16xf32>
          %mul3A_738 = arith.mulf %get3A_734, %mul3A_737 : vector<16xf32>
          %swap3A_739 = arith.index_cast %add3A_712 : i32 to index
          %swap3A_740 = arith.constant 16 : index
          %swap3A_741 = tpu.vector_load %arg25[%swap3A_739, %swap3A_740] {strides = array<i32>} : memref<80x80xf32, #tpu.memory_space<vmem>>, vector<1x16xf32>,
          %swap3A_742 = vector.shape_cast %swap3A_741 : vector<1x16xf32> to vector<16xf32>
          %swap3A_743 = vector.shape_cast %mul3A_738 : vector<16xf32> to vector<1x16xf32>
          tpu.vector_store %arg25[%swap3A_739, %swap3A_740], %swap3A_743 {strides = array<i32>} : memref<80x80xf32, #tpu.memory_space<vmem>>, vector<1x16xf32>,
          %get3A_744 = arith.index_cast %add3A_712 : i32 to index
          %get3A_745 = arith.constant 96 : index
          %get3A_746 = tpu.vector_load %arg24[%get3A_744, %get3A_745] {strides = array<i32>} : memref<80x128xf32, #tpu.memory_space<vmem>>, vector<1x16xf32>,
          %get3A_747 = vector.shape_cast %get3A_746 : vector<1x16xf32> to vector<16xf32>
          %slice3A_748 = vector.extract_strided_slice %exp3A_455 {offsets = [4], sizes = [1], strides = [1]} : vector<16xf32> to vector<1xf32>
          %squeeze3A_749 = vector.extract %slice3A_748[0] : f32 from vector<1xf32>
          %mul3A_750 = vector.broadcast %squeeze3A_749 : f32 to vector<16xf32>
          %mul3A_751 = arith.mulf %get3A_747, %mul3A_750 : vector<16xf32>
          %swap3A_752 = arith.index_cast %add3A_712 : i32 to index
          %swap3A_753 = arith.constant 32 : index
          %swap3A_754 = tpu.vector_load %arg25[%swap3A_752, %swap3A_753] {strides = array<i32>} : memref<80x80xf32, #tpu.memory_space<vmem>>, vector<1x16xf32>,
          %swap3A_755 = vector.shape_cast %swap3A_754 : vector<1x16xf32> to vector<16xf32>
          %swap3A_756 = vector.shape_cast %mul3A_751 : vector<16xf32> to vector<1x16xf32>
          tpu.vector_store %arg25[%swap3A_752, %swap3A_753], %swap3A_756 {strides = array<i32>} : memref<80x80xf32, #tpu.memory_space<vmem>>, vector<1x16xf32>,
          %get3A_757 = arith.index_cast %add3A_712 : i32 to index
          %get3A_758 = arith.constant 112 : index
          %get3A_759 = tpu.vector_load %arg24[%get3A_757, %get3A_758] {strides = array<i32>} : memref<80x128xf32, #tpu.memory_space<vmem>>, vector<1x16xf32>,
          %get3A_760 = vector.shape_cast %get3A_759 : vector<1x16xf32> to vector<16xf32>
          %slice3A_761 = vector.extract_strided_slice %exp3A_455 {offsets = [12], sizes = [1], strides = [1]} : vector<16xf32> to vector<1xf32>
          %squeeze3A_762 = vector.extract %slice3A_761[0] : f32 from vector<1xf32>
          %mul3A_763 = vector.broadcast %squeeze3A_762 : f32 to vector<16xf32>
          %mul3A_764 = arith.mulf %get3A_760, %mul3A_763 : vector<16xf32>
          %swap3A_765 = arith.index_cast %add3A_712 : i32 to index
          %swap3A_766 = arith.constant 48 : index
          %swap3A_767 = tpu.vector_load %arg25[%swap3A_765, %swap3A_766] {strides = array<i32>} : memref<80x80xf32, #tpu.memory_space<vmem>>, vector<1x16xf32>,
          %swap3A_768 = vector.shape_cast %swap3A_767 : vector<1x16xf32> to vector<16xf32>
          %swap3A_769 = vector.shape_cast %mul3A_764 : vector<16xf32> to vector<1x16xf32>
          tpu.vector_store %arg25[%swap3A_765, %swap3A_766], %swap3A_769 {strides = array<i32>} : memref<80x80xf32, #tpu.memory_space<vmem>>, vector<1x16xf32>,
          %add3A_770 = arith.constant 2 : i32
          %add3A_771 = arith.addi %mul3A_260, %add3A_770 : i32
          %swap3A_772 = arith.index_cast %add3A_771 : i32 to index
          %swap3A_773 = arith.constant 64 : index
          %swap3A_774 = tpu.vector_load %arg25[%swap3A_772, %swap3A_773] {strides = array<i32>} : memref<80x80xf32, #tpu.memory_space<vmem>>, vector<1x16xf32>,
          %swap3A_775 = vector.shape_cast %swap3A_774 : vector<1x16xf32> to vector<16xf32>
          %swap3A_776 = vector.shape_cast %exp3A_554 : vector<16xf32> to vector<1x16xf32>
          tpu.vector_store %arg25[%swap3A_772, %swap3A_773], %swap3A_776 {strides = array<i32>} : memref<80x80xf32, #tpu.memory_space<vmem>>, vector<1x16xf32>,
          %get3A_777 = arith.index_cast %add3A_771 : i32 to index
          %get3A_778 = arith.constant 64 : index
          %get3A_779 = tpu.vector_load %arg24[%get3A_777, %get3A_778] {strides = array<i32>} : memref<80x128xf32, #tpu.memory_space<vmem>>, vector<1x16xf32>,
          %get3A_780 = vector.shape_cast %get3A_779 : vector<1x16xf32> to vector<16xf32>
          %slice3A_781 = vector.extract_strided_slice %exp3A_554 {offsets = [0], sizes = [1], strides = [1]} : vector<16xf32> to vector<1xf32>
          %squeeze3A_782 = vector.extract %slice3A_781[0] : f32 from vector<1xf32>
          %mul3A_783 = vector.broadcast %squeeze3A_782 : f32 to vector<16xf32>
          %mul3A_784 = arith.mulf %get3A_780, %mul3A_783 : vector<16xf32>
          %swap3A_785 = arith.index_cast %add3A_771 : i32 to index
          %swap3A_786 = arith.constant 0 : index
          %swap3A_787 = tpu.vector_load %arg25[%swap3A_785, %swap3A_786] {strides = array<i32>} : memref<80x80xf32, #tpu.memory_space<vmem>>, vector<1x16xf32>,
          %swap3A_788 = vector.shape_cast %swap3A_787 : vector<1x16xf32> to vector<16xf32>
          %swap3A_789 = vector.shape_cast %mul3A_784 : vector<16xf32> to vector<1x16xf32>
          tpu.vector_store %arg25[%swap3A_785, %swap3A_786], %swap3A_789 {strides = array<i32>} : memref<80x80xf32, #tpu.memory_space<vmem>>, vector<1x16xf32>,
          %get3A_790 = arith.index_cast %add3A_771 : i32 to index
          %get3A_791 = arith.constant 80 : index
          %get3A_792 = tpu.vector_load %arg24[%get3A_790, %get3A_791] {strides = array<i32>} : memref<80x128xf32, #tpu.memory_space<vmem>>, vector<1x16xf32>,
          %get3A_793 = vector.shape_cast %get3A_792 : vector<1x16xf32> to vector<16xf32>
          %slice3A_794 = vector.extract_strided_slice %exp3A_554 {offsets = [8], sizes = [1], strides = [1]} : vector<16xf32> to vector<1xf32>
          %squeeze3A_795 = vector.extract %slice3A_794[0] : f32 from vector<1xf32>
          %mul3A_796 = vector.broadcast %squeeze3A_795 : f32 to vector<16xf32>
          %mul3A_797 = arith.mulf %get3A_793, %mul3A_796 : vector<16xf32>
          %swap3A_798 = arith.index_cast %add3A_771 : i32 to index
          %swap3A_799 = arith.constant 16 : index
          %swap3A_800 = tpu.vector_load %arg25[%swap3A_798, %swap3A_799] {strides = array<i32>} : memref<80x80xf32, #tpu.memory_space<vmem>>, vector<1x16xf32>,
          %swap3A_801 = vector.shape_cast %swap3A_800 : vector<1x16xf32> to vector<16xf32>
          %swap3A_802 = vector.shape_cast %mul3A_797 : vector<16xf32> to vector<1x16xf32>
          tpu.vector_store %arg25[%swap3A_798, %swap3A_799], %swap3A_802 {strides = array<i32>} : memref<80x80xf32, #tpu.memory_space<vmem>>, vector<1x16xf32>,
          %get3A_803 = arith.index_cast %add3A_771 : i32 to index
          %get3A_804 = arith.constant 96 : index
          %get3A_805 = tpu.vector_load %arg24[%get3A_803, %get3A_804] {strides = array<i32>} : memref<80x128xf32, #tpu.memory_space<vmem>>, vector<1x16xf32>,
          %get3A_806 = vector.shape_cast %get3A_805 : vector<1x16xf32> to vector<16xf32>
          %slice3A_807 = vector.extract_strided_slice %exp3A_554 {offsets = [4], sizes = [1], strides = [1]} : vector<16xf32> to vector<1xf32>
          %squeeze3A_808 = vector.extract %slice3A_807[0] : f32 from vector<1xf32>
          %mul3A_809 = vector.broadcast %squeeze3A_808 : f32 to vector<16xf32>
          %mul3A_810 = arith.mulf %get3A_806, %mul3A_809 : vector<16xf32>
          %swap3A_811 = arith.index_cast %add3A_771 : i32 to index
          %swap3A_812 = arith.constant 32 : index
          %swap3A_813 = tpu.vector_load %arg25[%swap3A_811, %swap3A_812] {strides = array<i32>} : memref<80x80xf32, #tpu.memory_space<vmem>>, vector<1x16xf32>,
          %swap3A_814 = vector.shape_cast %swap3A_813 : vector<1x16xf32> to vector<16xf32>
          %swap3A_815 = vector.shape_cast %mul3A_810 : vector<16xf32> to vector<1x16xf32>
          tpu.vector_store %arg25[%swap3A_811, %swap3A_812], %swap3A_815 {strides = array<i32>} : memref<80x80xf32, #tpu.memory_space<vmem>>, vector<1x16xf32>,
          %get3A_816 = arith.index_cast %add3A_771 : i32 to index
          %get3A_817 = arith.constant 112 : index
          %get3A_818 = tpu.vector_load %arg24[%get3A_816, %get3A_817] {strides = array<i32>} : memref<80x128xf32, #tpu.memory_space<vmem>>, vector<1x16xf32>,
          %get3A_819 = vector.shape_cast %get3A_818 : vector<1x16xf32> to vector<16xf32>
          %slice3A_820 = vector.extract_strided_slice %exp3A_554 {offsets = [12], sizes = [1], strides = [1]} : vector<16xf32> to vector<1xf32>
          %squeeze3A_821 = vector.extract %slice3A_820[0] : f32 from vector<1xf32>
          %mul3A_822 = vector.broadcast %squeeze3A_821 : f32 to vector<16xf32>
          %mul3A_823 = arith.mulf %get3A_819, %mul3A_822 : vector<16xf32>
          %swap3A_824 = arith.index_cast %add3A_771 : i32 to index
          %swap3A_825 = arith.constant 48 : index
          %swap3A_826 = tpu.vector_load %arg25[%swap3A_824, %swap3A_825] {strides = array<i32>} : memref<80x80xf32, #tpu.memory_space<vmem>>, vector<1x16xf32>,
          %swap3A_827 = vector.shape_cast %swap3A_826 : vector<1x16xf32> to vector<16xf32>
          %swap3A_828 = vector.shape_cast %mul3A_823 : vector<16xf32> to vector<1x16xf32>
          tpu.vector_store %arg25[%swap3A_824, %swap3A_825], %swap3A_828 {strides = array<i32>} : memref<80x80xf32, #tpu.memory_space<vmem>>, vector<1x16xf32>,
          %add3A_829 = arith.constant 3 : i32
          %add3A_830 = arith.addi %mul3A_260, %add3A_829 : i32
          %swap3A_831 = arith.index_cast %add3A_830 : i32 to index
          %swap3A_832 = arith.constant 64 : index
          %swap3A_833 = tpu.vector_load %arg25[%swap3A_831, %swap3A_832] {strides = array<i32>} : memref<80x80xf32, #tpu.memory_space<vmem>>, vector<1x16xf32>,
          %swap3A_834 = vector.shape_cast %swap3A_833 : vector<1x16xf32> to vector<16xf32>
          %swap3A_835 = vector.shape_cast %exp3A_653 : vector<16xf32> to vector<1x16xf32>
          tpu.vector_store %arg25[%swap3A_831, %swap3A_832], %swap3A_835 {strides = array<i32>} : memref<80x80xf32, #tpu.memory_space<vmem>>, vector<1x16xf32>,
          %get3A_836 = arith.index_cast %add3A_830 : i32 to index
          %get3A_837 = arith.constant 64 : index
          %get3A_838 = tpu.vector_load %arg24[%get3A_836, %get3A_837] {strides = array<i32>} : memref<80x128xf32, #tpu.memory_space<vmem>>, vector<1x16xf32>,
          %get3A_839 = vector.shape_cast %get3A_838 : vector<1x16xf32> to vector<16xf32>
          %slice3A_840 = vector.extract_strided_slice %exp3A_653 {offsets = [0], sizes = [1], strides = [1]} : vector<16xf32> to vector<1xf32>
          %squeeze3A_841 = vector.extract %slice3A_840[0] : f32 from vector<1xf32>
          %mul3A_842 = vector.broadcast %squeeze3A_841 : f32 to vector<16xf32>
          %mul3A_843 = arith.mulf %get3A_839, %mul3A_842 : vector<16xf32>
          %swap3A_844 = arith.index_cast %add3A_830 : i32 to index
          %swap3A_845 = arith.constant 0 : index
          %swap3A_846 = tpu.vector_load %arg25[%swap3A_844, %swap3A_845] {strides = array<i32>} : memref<80x80xf32, #tpu.memory_space<vmem>>, vector<1x16xf32>,
          %swap3A_847 = vector.shape_cast %swap3A_846 : vector<1x16xf32> to vector<16xf32>
          %swap3A_848 = vector.shape_cast %mul3A_843 : vector<16xf32> to vector<1x16xf32>
          tpu.vector_store %arg25[%swap3A_844, %swap3A_845], %swap3A_848 {strides = array<i32>} : memref<80x80xf32, #tpu.memory_space<vmem>>, vector<1x16xf32>,
          %get3A_849 = arith.index_cast %add3A_830 : i32 to index
          %get3A_850 = arith.constant 80 : index
          %get3A_851 = tpu.vector_load %arg24[%get3A_849, %get3A_850] {strides = array<i32>} : memref<80x128xf32, #tpu.memory_space<vmem>>, vector<1x16xf32>,
          %get3A_852 = vector.shape_cast %get3A_851 : vector<1x16xf32> to vector<16xf32>
          %slice3A_853 = vector.extract_strided_slice %exp3A_653 {offsets = [8], sizes = [1], strides = [1]} : vector<16xf32> to vector<1xf32>
          %squeeze3A_854 = vector.extract %slice3A_853[0] : f32 from vector<1xf32>
          %mul3A_855 = vector.broadcast %squeeze3A_854 : f32 to vector<16xf32>
          %mul3A_856 = arith.mulf %get3A_852, %mul3A_855 : vector<16xf32>
          %swap3A_857 = arith.index_cast %add3A_830 : i32 to index
          %swap3A_858 = arith.constant 16 : index
          %swap3A_859 = tpu.vector_load %arg25[%swap3A_857, %swap3A_858] {strides = array<i32>} : memref<80x80xf32, #tpu.memory_space<vmem>>, vector<1x16xf32>,
          %swap3A_860 = vector.shape_cast %swap3A_859 : vector<1x16xf32> to vector<16xf32>
          %swap3A_861 = vector.shape_cast %mul3A_856 : vector<16xf32> to vector<1x16xf32>
          tpu.vector_store %arg25[%swap3A_857, %swap3A_858], %swap3A_861 {strides = array<i32>} : memref<80x80xf32, #tpu.memory_space<vmem>>, vector<1x16xf32>,
          %get3A_862 = arith.index_cast %add3A_830 : i32 to index
          %get3A_863 = arith.constant 96 : index
          %get3A_864 = tpu.vector_load %arg24[%get3A_862, %get3A_863] {strides = array<i32>} : memref<80x128xf32, #tpu.memory_space<vmem>>, vector<1x16xf32>,
          %get3A_865 = vector.shape_cast %get3A_864 : vector<1x16xf32> to vector<16xf32>
          %slice3A_866 = vector.extract_strided_slice %exp3A_653 {offsets = [4], sizes = [1], strides = [1]} : vector<16xf32> to vector<1xf32>
          %squeeze3A_867 = vector.extract %slice3A_866[0] : f32 from vector<1xf32>
          %mul3A_868 = vector.broadcast %squeeze3A_867 : f32 to vector<16xf32>
          %mul3A_869 = arith.mulf %get3A_865, %mul3A_868 : vector<16xf32>
          %swap3A_870 = arith.index_cast %add3A_830 : i32 to index
          %swap3A_871 = arith.constant 32 : index
          %swap3A_872 = tpu.vector_load %arg25[%swap3A_870, %swap3A_871] {strides = array<i32>} : memref<80x80xf32, #tpu.memory_space<vmem>>, vector<1x16xf32>,
          %swap3A_873 = vector.shape_cast %swap3A_872 : vector<1x16xf32> to vector<16xf32>
          %swap3A_874 = vector.shape_cast %mul3A_869 : vector<16xf32> to vector<1x16xf32>
          tpu.vector_store %arg25[%swap3A_870, %swap3A_871], %swap3A_874 {strides = array<i32>} : memref<80x80xf32, #tpu.memory_space<vmem>>, vector<1x16xf32>,
          %get3A_875 = arith.index_cast %add3A_830 : i32 to index
          %get3A_876 = arith.constant 112 : index
          %get3A_877 = tpu.vector_load %arg24[%get3A_875, %get3A_876] {strides = array<i32>} : memref<80x128xf32, #tpu.memory_space<vmem>>, vector<1x16xf32>,
          %get3A_878 = vector.shape_cast %get3A_877 : vector<1x16xf32> to vector<16xf32>
          %slice3A_879 = vector.extract_strided_slice %exp3A_653 {offsets = [12], sizes = [1], strides = [1]} : vector<16xf32> to vector<1xf32>
          %squeeze3A_880 = vector.extract %slice3A_879[0] : f32 from vector<1xf32>
          %mul3A_881 = vector.broadcast %squeeze3A_880 : f32 to vector<16xf32>
          %mul3A_882 = arith.mulf %get3A_878, %mul3A_881 : vector<16xf32>
          %swap3A_883 = arith.index_cast %add3A_830 : i32 to index
          %swap3A_884 = arith.constant 48 : index
          %swap3A_885 = tpu.vector_load %arg25[%swap3A_883, %swap3A_884] {strides = array<i32>} : memref<80x80xf32, #tpu.memory_space<vmem>>, vector<1x16xf32>,
          %swap3A_886 = vector.shape_cast %swap3A_885 : vector<1x16xf32> to vector<16xf32>
          %swap3A_887 = vector.shape_cast %mul3A_882 : vector<16xf32> to vector<1x16xf32>
          tpu.vector_store %arg25[%swap3A_883, %swap3A_884], %swap3A_887 {strides = array<i32>} : memref<80x80xf32, #tpu.memory_space<vmem>>, vector<1x16xf32>,
          %scan3A_888 = arith.constant 0 : i32
          scf.yield %scan3A_888 : i32
        }
        %scan3A_256 = arith.constant 20 : i32
        "tpu.region"() ({
          %run_scoped3A = tpu.sem_alloc : memref<!tpu.dma_semaphore, #tpu.memory_space<semaphore_mem>>
          %dma_start3A_257 = arith.constant 0 : i32
          %dma_start3A_258 = arith.constant 0 : i32
          %dma_start3A_259 = tpu.memref_slice %arg26[%dma_start3A_257, %dma_start3A_258] : memref<10240x80xf32, #tpu.memory_space<vmem_shared>> -> memref<10240x80xf32, #tpu.memory_space<vmem_shared>>
          tpu.enqueue_indirect_dma source(%arg25 : memref<80x80xf32, #tpu.memory_space<vmem>>) target(%dma_start3A_259 : memref<10240x80xf32, #tpu.memory_space<vmem_shared>>) offsets(%arg14 : memref<80xi32, #tpu.memory_space<vmem>>) semaphore(%run_scoped3A : memref<!tpu.dma_semaphore, #tpu.memory_space<semaphore_mem>>) {add = true}
          %dma_wait3A_260 = arith.constant 0 : i32
          %dma_wait3A_261 = arith.constant 0 : i32
          %dma_wait3A_262 = tpu.memref_slice %arg26[%dma_wait3A_260, %dma_wait3A_261] : memref<10240x80xf32, #tpu.memory_space<vmem_shared>> -> memref<10240x80xf32, #tpu.memory_space<vmem_shared>>
          tpu.wait_indirect_dma semaphore(%run_scoped3A : memref<!tpu.dma_semaphore, #tpu.memory_space<semaphore_mem>>) src(%arg25 : memref<80x80xf32, #tpu.memory_space<vmem>>) dst(%dma_wait3A_262 : memref<10240x80xf32, #tpu.memory_space<vmem_shared>>)
          tpu.yield
        }) : () -> ()
      } else {
      }
      %scan3A_234 = arith.constant 0 : i32
      scf.yield %scan3A_234 : i32
    }
    %scan3A_168 = arith.constant 125 : i32
    %barrier3A_169 = arith.constant 0 : index
    tpu.barrier barrier_id(%barrier3A_169)
    %scan3A_170 = arith.constant 0 : i32
    %scan3A_171 = arith.constant 0 : i32
    %scan3A_172 = arith.constant 10 : i32
    %scan3A_173 = arith.addi %scan3A_171, %scan3A_172 : i32
    %scan3A_174 = arith.constant 1 : i32
    %scan3A_175 = scf.for %scan3A_177 = %scan3A_171 to %scan3A_173 step %scan3A_174 iter_args(%scan3A_178 = %scan3A_170) -> (i32)  : i32 {
      %mul3A_179 = arith.constant 640 : i32
      %mul3A_180 = arith.muli %arg1, %mul3A_179 : i32
      %mul3A_181 = arith.constant 64 : i32
      %mul3A_182 = arith.muli %scan3A_177, %mul3A_181 : i32
      %add3A_183 = arith.addi %mul3A_180, %mul3A_182 : i32
      "tpu.region"() ({
        %run_scoped3A = tpu.sem_alloc : memref<!tpu.dma_semaphore, #tpu.memory_space<semaphore_mem>>
        %dma_start3A_185 = arith.constant 0 : i32
        %dma_start3A_186 = tpu.memref_slice %arg8[%arg0, %add3A_183, %dma_start3A_185] : memref<2x10240x80xf32, #tpu.memory_space<hbm>> -> memref<1x64x80xf32, #tpu.memory_space<hbm>>
        %dma_start3A_187 = tpu.memref_squeeze %dma_start3A_186 : memref<1x64x80xf32, #tpu.memory_space<hbm>> -> memref<64x80xf32, #tpu.memory_space<hbm>>
        %dma_start3A_188 = arith.constant 0 : i32
        %dma_start3A_189 = tpu.memref_slice %arg26[%add3A_183, %dma_start3A_188] : memref<10240x80xf32, #tpu.memory_space<vmem_shared>> -> memref<64x80xf32, #tpu.memory_space<vmem_shared>>
        tpu.enqueue_dma source(%dma_start3A_189 : memref<64x80xf32, #tpu.memory_space<vmem_shared>>) target(%dma_start3A_187 : memref<64x80xf32, #tpu.memory_space<hbm>>) target_semaphore(%run_scoped3A : memref<!tpu.dma_semaphore, #tpu.memory_space<semaphore_mem>>)
        %dma_wait3A_190 = arith.constant 0 : i32
        %dma_wait3A_191 = tpu.memref_slice %arg8[%arg0, %add3A_183, %dma_wait3A_190] : memref<2x10240x80xf32, #tpu.memory_space<hbm>> -> memref<1x64x80xf32, #tpu.memory_space<hbm>>
        %dma_wait3A_192 = tpu.memref_squeeze %dma_wait3A_191 : memref<1x64x80xf32, #tpu.memory_space<hbm>> -> memref<64x80xf32, #tpu.memory_space<hbm>>
        %dma_wait3A_193 = arith.constant 0 : i32
        %dma_wait3A_194 = tpu.memref_slice %arg26[%add3A_183, %dma_wait3A_193] : memref<10240x80xf32, #tpu.memory_space<vmem_shared>> -> memref<64x80xf32, #tpu.memory_space<vmem_shared>>
        tpu.wait_dma2 semaphore(%run_scoped3A : memref<!tpu.dma_semaphore, #tpu.memory_space<semaphore_mem>>) src(%dma_wait3A_194 : memref<64x80xf32, #tpu.memory_space<vmem_shared>>) dst(%dma_wait3A_192 : memref<64x80xf32, #tpu.memory_space<hbm>>)
        tpu.yield
      }) : () -> ()
      %scan3A_184 = arith.constant 0 : i32
      scf.yield %scan3A_184 : i32
    }
    %scan3A_176 = arith.constant 10 : i32
    return
  }
}

module attributes {stable_mosaic.version = 14 : i64} {
  func.func @_table_kernel(%arg0: i32, %arg1: memref<2000x128xf32, #tpu.memory_space<vmem>>, %arg2: memref<128x288xf32, #tpu.memory_space<vmem>>, %arg3: memref<288xf32, #tpu.memory_space<vmem>>, %arg4: memref<128x256xf32, #tpu.memory_space<vmem>>, %arg5: memref<256xf32, #tpu.memory_space<vmem>>, %arg6: memref<2x2000x144xf32, #tpu.memory_space<vmem>>, %arg7: memref<2x2000x128xf32, #tpu.memory_space<vmem>>) attributes {dimension_semantics = [#tpu.dimension_semantics<arbitrary>], iteration_bounds = array<i64: 5>, scalar_prefetch = 0 : i64, scratch_operands = 0 : i64, tpu.core_type = #tpu.core_type<tc>, window_params = [{transform_indices = @transform_0, window_bounds = array<i64: 2000, 128>}, {pipeline_mode = #tpu.pipeline_mode<synchronous>, transform_indices = @transform_1, window_bounds = array<i64: 128, 288>}, {pipeline_mode = #tpu.pipeline_mode<synchronous>, transform_indices = @transform_2, window_bounds = array<i64: 288>}, {pipeline_mode = #tpu.pipeline_mode<synchronous>, transform_indices = @transform_3, window_bounds = array<i64: 128, 256>}, {pipeline_mode = #tpu.pipeline_mode<synchronous>, transform_indices = @transform_4, window_bounds = array<i64: 256>}, {transform_indices = @transform_5, window_bounds = array<i64: 2, 2000, 144>}, {transform_indices = @transform_6, window_bounds = array<i64: 2, 2000, 128>}]} {
    %get3A = arith.constant 0 : index
    %get3A_0 = arith.constant 0 : index
    %get3A_1 = vector.load %arg1[%get3A, %get3A_0] : memref<2000x128xf32, #tpu.memory_space<vmem>>, vector<2000x128xf32>
    %get3A_2 = arith.constant 0 : index
    %get3A_3 = arith.constant 0 : index
    %get3A_4 = vector.load %arg2[%get3A_2, %get3A_3] : memref<128x288xf32, #tpu.memory_space<vmem>>, vector<128x288xf32>
    %dot_general3A = arith.constant dense<0.000000e+00> : vector<2000x288xf32>
    %dot_general3A_5 = tpu.matmul %get3A_1, %get3A_4, %dot_general3A {dimension_numbers = #tpu.dot_dimension_numbers<[1], [0], [0], [1], [0, 0, 1, 1], [], []>, transpose_lhs_hint = false} : vector<2000x128xf32>, vector<128x288xf32>, vector<2000x288xf32> -> vector<2000x288xf32>
    %get3A_6 = arith.constant 0 : index
    %get3A_7 = vector.load %arg3[%get3A_6] : memref<288xf32, #tpu.memory_space<vmem>>, vector<288xf32>
    %broadcast_in_dim3A = vector.shape_cast %get3A_7 : vector<288xf32> to vector<1x288xf32>
    %add3A = vector.broadcast %broadcast_in_dim3A : vector<1x288xf32> to vector<2000x288xf32>
    %add3A_8 = arith.addf %dot_general3A_5, %add3A : vector<2000x288xf32>
    %get3A_9 = arith.constant 0 : index
    %get3A_10 = arith.constant 0 : index
    %get3A_11 = vector.load %arg4[%get3A_9, %get3A_10] : memref<128x256xf32, #tpu.memory_space<vmem>>, vector<128x256xf32>
    %dot_general3A_12 = arith.constant dense<0.000000e+00> : vector<2000x256xf32>
    %dot_general3A_13 = tpu.matmul %get3A_1, %get3A_11, %dot_general3A_12 {dimension_numbers = #tpu.dot_dimension_numbers<[1], [0], [0], [1], [0, 0, 1, 1], [], []>, transpose_lhs_hint = false} : vector<2000x128xf32>, vector<128x256xf32>, vector<2000x256xf32> -> vector<2000x256xf32>
    %get3A_14 = arith.constant 0 : index
    %get3A_15 = vector.load %arg5[%get3A_14] : memref<256xf32, #tpu.memory_space<vmem>>, vector<256xf32>
    %broadcast_in_dim3A_16 = vector.shape_cast %get3A_15 : vector<256xf32> to vector<1x256xf32>
    %add3A_17 = vector.broadcast %broadcast_in_dim3A_16 : vector<1x256xf32> to vector<2000x256xf32>
    %add3A_18 = arith.addf %dot_general3A_13, %add3A_17 : vector<2000x256xf32>
    %slice3A = vector.extract_strided_slice %add3A_8 {offsets = [0, 0], sizes = [2000, 144], strides = [1, 1]} : vector<2000x288xf32> to vector<2000x144xf32>
    %swap3A = arith.constant 0 : index
    %swap3A_19 = arith.constant 0 : index
    %swap3A_20 = arith.constant 0 : index
    %swap3A_21 = vector.load %arg6[%swap3A, %swap3A_19, %swap3A_20] : memref<2x2000x144xf32, #tpu.memory_space<vmem>>, vector<1x2000x144xf32>
    %swap3A_22 = vector.shape_cast %swap3A_21 : vector<1x2000x144xf32> to vector<2000x144xf32>
    %swap3A_23 = vector.shape_cast %slice3A : vector<2000x144xf32> to vector<1x2000x144xf32>
    tpu.vector_store %arg6[%swap3A, %swap3A_19, %swap3A_20], %swap3A_23 {strides = array<i32>} : memref<2x2000x144xf32, #tpu.memory_space<vmem>>, vector<1x2000x144xf32>,
    %slice3A_24 = vector.extract_strided_slice %add3A_8 {offsets = [0, 144], sizes = [2000, 144], strides = [1, 1]} : vector<2000x288xf32> to vector<2000x144xf32>
    %swap3A_25 = arith.constant 1 : index
    %swap3A_26 = arith.constant 0 : index
    %swap3A_27 = arith.constant 0 : index
    %swap3A_28 = vector.load %arg6[%swap3A_25, %swap3A_26, %swap3A_27] : memref<2x2000x144xf32, #tpu.memory_space<vmem>>, vector<1x2000x144xf32>
    %swap3A_29 = vector.shape_cast %swap3A_28 : vector<1x2000x144xf32> to vector<2000x144xf32>
    %swap3A_30 = vector.shape_cast %slice3A_24 : vector<2000x144xf32> to vector<1x2000x144xf32>
    tpu.vector_store %arg6[%swap3A_25, %swap3A_26, %swap3A_27], %swap3A_30 {strides = array<i32>} : memref<2x2000x144xf32, #tpu.memory_space<vmem>>, vector<1x2000x144xf32>,
    %slice3A_31 = vector.extract_strided_slice %add3A_18 {offsets = [0, 0], sizes = [2000, 128], strides = [1, 1]} : vector<2000x256xf32> to vector<2000x128xf32>
    %swap3A_32 = arith.constant 0 : index
    %swap3A_33 = arith.constant 0 : index
    %swap3A_34 = arith.constant 0 : index
    %swap3A_35 = vector.load %arg7[%swap3A_32, %swap3A_33, %swap3A_34] : memref<2x2000x128xf32, #tpu.memory_space<vmem>>, vector<1x2000x128xf32>
    %swap3A_36 = vector.shape_cast %swap3A_35 : vector<1x2000x128xf32> to vector<2000x128xf32>
    %swap3A_37 = vector.shape_cast %slice3A_31 : vector<2000x128xf32> to vector<1x2000x128xf32>
    tpu.vector_store %arg7[%swap3A_32, %swap3A_33, %swap3A_34], %swap3A_37 {strides = array<i32>} : memref<2x2000x128xf32, #tpu.memory_space<vmem>>, vector<1x2000x128xf32>,
    %slice3A_38 = vector.extract_strided_slice %add3A_18 {offsets = [0, 128], sizes = [2000, 128], strides = [1, 1]} : vector<2000x256xf32> to vector<2000x128xf32>
    %swap3A_39 = arith.constant 1 : index
    %swap3A_40 = arith.constant 0 : index
    %swap3A_41 = arith.constant 0 : index
    %swap3A_42 = vector.load %arg7[%swap3A_39, %swap3A_40, %swap3A_41] : memref<2x2000x128xf32, #tpu.memory_space<vmem>>, vector<1x2000x128xf32>
    %swap3A_43 = vector.shape_cast %swap3A_42 : vector<1x2000x128xf32> to vector<2000x128xf32>
    %swap3A_44 = vector.shape_cast %slice3A_38 : vector<2000x128xf32> to vector<1x2000x128xf32>
    tpu.vector_store %arg7[%swap3A_39, %swap3A_40, %swap3A_41], %swap3A_44 {strides = array<i32>} : memref<2x2000x128xf32, #tpu.memory_space<vmem>>, vector<1x2000x128xf32>,
    return
  }
  func.func @transform_0(%arg0: i32) -> (i32, i32) {
    %c0_i32 = arith.constant 0 : i32
    %c0_i32_0 = arith.constant 0 : i32
    return %arg0, %c0_i32 : i32, i32
  }
  func.func @transform_1(%arg0: i32) -> (i32, i32) {
    %c0_i32 = arith.constant 0 : i32
    %c0_i32_0 = arith.constant 0 : i32
    %c0_i32_1 = arith.constant 0 : i32
    return %c0_i32, %c0_i32_0 : i32, i32
  }
  func.func @transform_2(%arg0: i32) -> i32 {
    %c0_i32 = arith.constant 0 : i32
    %c0_i32_0 = arith.constant 0 : i32
    return %c0_i32 : i32
  }
  func.func @transform_3(%arg0: i32) -> (i32, i32) {
    %c0_i32 = arith.constant 0 : i32
    %c0_i32_0 = arith.constant 0 : i32
    %c0_i32_1 = arith.constant 0 : i32
    return %c0_i32, %c0_i32_0 : i32, i32
  }
  func.func @transform_4(%arg0: i32) -> i32 {
    %c0_i32 = arith.constant 0 : i32
    %c0_i32_0 = arith.constant 0 : i32
    return %c0_i32 : i32
  }
  func.func @transform_5(%arg0: i32) -> (i32, i32, i32) {
    %c0_i32 = arith.constant 0 : i32
    %c0_i32_0 = arith.constant 0 : i32
    %c0_i32_1 = arith.constant 0 : i32
    return %c0_i32, %arg0, %c0_i32_0 : i32, i32, i32
  }
  func.func @transform_6(%arg0: i32) -> (i32, i32, i32) {
    %c0_i32 = arith.constant 0 : i32
    %c0_i32_0 = arith.constant 0 : i32
    %c0_i32_1 = arith.constant 0 : i32
    return %c0_i32, %arg0, %c0_i32_0 : i32, i32, i32
  }
}

module attributes {stable_mosaic.version = 14 : i64} {
  func.func @_finalize_kernel(%arg0: i32, %arg1: memref<2x2000x80xf32, #tpu.memory_space<vmem>>, %arg2: memref<32x128xf32, #tpu.memory_space<vmem>>, %arg3: memref<128x128xf32, #tpu.memory_space<vmem>>, %arg4: memref<128xf32, #tpu.memory_space<vmem>>, %arg5: memref<2000x128xf32, #tpu.memory_space<vmem>>) attributes {dimension_semantics = [#tpu.dimension_semantics<arbitrary>], iteration_bounds = array<i64: 5>, scalar_prefetch = 0 : i64, scratch_operands = 0 : i64, tpu.core_type = #tpu.core_type<tc>, window_params = [{transform_indices = @transform_0, window_bounds = array<i64: 2, 2000, 80>}, {pipeline_mode = #tpu.pipeline_mode<synchronous>, transform_indices = @transform_1, window_bounds = array<i64: 32, 128>}, {pipeline_mode = #tpu.pipeline_mode<synchronous>, transform_indices = @transform_2, window_bounds = array<i64: 128, 128>}, {pipeline_mode = #tpu.pipeline_mode<synchronous>, transform_indices = @transform_3, window_bounds = array<i64: 128>}, {transform_indices = @transform_4, window_bounds = array<i64: 2000, 128>}]} {
    %get3A = arith.constant 0 : index
    %get3A_0 = arith.constant 0 : index
    %get3A_1 = arith.constant 0 : index
    %get3A_2 = vector.load %arg1[%get3A, %get3A_0, %get3A_1] : memref<2x2000x80xf32, #tpu.memory_space<vmem>>, vector<1x2000x80xf32>
    %get3A_3 = vector.shape_cast %get3A_2 : vector<1x2000x80xf32> to vector<2000x80xf32>
    %get3A_4 = arith.constant 1 : index
    %get3A_5 = arith.constant 0 : index
    %get3A_6 = arith.constant 0 : index
    %get3A_7 = vector.load %arg1[%get3A_4, %get3A_5, %get3A_6] : memref<2x2000x80xf32, #tpu.memory_space<vmem>>, vector<1x2000x80xf32>
    %get3A_8 = vector.shape_cast %get3A_7 : vector<1x2000x80xf32> to vector<2000x80xf32>
    %slice3A = vector.extract_strided_slice %get3A_3 {offsets = [0, 0], sizes = [2000, 64], strides = [1, 1]} : vector<2000x80xf32> to vector<2000x64xf32>
    %slice3A_9 = vector.extract_strided_slice %get3A_8 {offsets = [0, 0], sizes = [2000, 64], strides = [1, 1]} : vector<2000x80xf32> to vector<2000x64xf32>
    %concatenate3A = tpu.concatenate %slice3A, %slice3A_9 in 1 : vector<2000x64xf32>, vector<2000x64xf32> -> vector<2000x128xf32>
    %slice3A_10 = vector.extract_strided_slice %get3A_3 {offsets = [0, 64], sizes = [2000, 16], strides = [1, 1]} : vector<2000x80xf32> to vector<2000x16xf32>
    %slice3A_11 = vector.extract_strided_slice %get3A_8 {offsets = [0, 64], sizes = [2000, 16], strides = [1, 1]} : vector<2000x80xf32> to vector<2000x16xf32>
    %concatenate3A_12 = tpu.concatenate %slice3A_10, %slice3A_11 in 1 : vector<2000x16xf32>, vector<2000x16xf32> -> vector<2000x32xf32>
    %get3A_13 = arith.constant 0 : index
    %get3A_14 = arith.constant 0 : index
    %get3A_15 = vector.load %arg2[%get3A_13, %get3A_14] : memref<32x128xf32, #tpu.memory_space<vmem>>, vector<32x128xf32>
    %dot_general3A = arith.constant dense<0.000000e+00> : vector<2000x128xf32>
    %dot_general3A_16 = tpu.matmul %concatenate3A_12, %get3A_15, %dot_general3A {dimension_numbers = #tpu.dot_dimension_numbers<[1], [0], [0], [1], [0, 0, 1, 1], [], []>, transpose_lhs_hint = false} : vector<2000x32xf32>, vector<32x128xf32>, vector<2000x128xf32> -> vector<2000x128xf32>
    %gt3A = arith.constant 0.000000e+00 : f32
    %gt3A_17 = vector.broadcast %gt3A : f32 to vector<2000x128xf32>
    %gt3A_18 = arith.cmpf ogt, %dot_general3A_16, %gt3A_17 : vector<2000x128xf32>
    %div3A = arith.constant 1.000000e+00 : f32
    %div3A_19 = vector.broadcast %div3A : f32 to vector<2000x128xf32>
    %div3A_20 = arith.divf %div3A_19, %dot_general3A_16 : vector<2000x128xf32>
    %jit3A = arith.constant 0.000000e+00 : f32
    %broadcast_in_dim3A = vector.broadcast %jit3A : f32 to vector<2000x128xf32>
    %select_n3A = arith.select %gt3A_18, %div3A_20, %broadcast_in_dim3A : vector<2000x128xi1>, vector<2000x128xf32>
    %mul3A = arith.mulf %concatenate3A, %select_n3A : vector<2000x128xf32>
    %get3A_21 = arith.constant 0 : index
    %get3A_22 = arith.constant 0 : index
    %get3A_23 = vector.load %arg3[%get3A_21, %get3A_22] : memref<128x128xf32, #tpu.memory_space<vmem>>, vector<128x128xf32>
    %dot_general3A_24 = arith.constant dense<0.000000e+00> : vector<2000x128xf32>
    %dot_general3A_25 = tpu.matmul %mul3A, %get3A_23, %dot_general3A_24 {dimension_numbers = #tpu.dot_dimension_numbers<[1], [0], [0], [1], [0, 0, 1, 1], [], []>, transpose_lhs_hint = false} : vector<2000x128xf32>, vector<128x128xf32>, vector<2000x128xf32> -> vector<2000x128xf32>
    %get3A_26 = arith.constant 0 : index
    %get3A_27 = vector.load %arg4[%get3A_26] : memref<128xf32, #tpu.memory_space<vmem>>, vector<128xf32>
    %broadcast_in_dim3A_28 = vector.shape_cast %get3A_27 : vector<128xf32> to vector<1x128xf32>
    %add3A = vector.broadcast %broadcast_in_dim3A_28 : vector<1x128xf32> to vector<2000x128xf32>
    %add3A_29 = arith.addf %dot_general3A_25, %add3A : vector<2000x128xf32>
    %swap3A = arith.constant 0 : index
    %swap3A_30 = arith.constant 0 : index
    %swap3A_31 = vector.load %arg5[%swap3A, %swap3A_30] : memref<2000x128xf32, #tpu.memory_space<vmem>>, vector<2000x128xf32>
    tpu.vector_store %arg5[%swap3A, %swap3A_30], %add3A_29 {strides = array<i32>} : memref<2000x128xf32, #tpu.memory_space<vmem>>, vector<2000x128xf32>,
    return
  }
  func.func @transform_0(%arg0: i32) -> (i32, i32, i32) {
    %c0_i32 = arith.constant 0 : i32
    %c0_i32_0 = arith.constant 0 : i32
    %c0_i32_1 = arith.constant 0 : i32
    return %c0_i32, %arg0, %c0_i32_0 : i32, i32, i32
  }
  func.func @transform_1(%arg0: i32) -> (i32, i32) {
    %c0_i32 = arith.constant 0 : i32
    %c0_i32_0 = arith.constant 0 : i32
    %c0_i32_1 = arith.constant 0 : i32
    return %c0_i32, %c0_i32_0 : i32, i32
  }
  func.func @transform_2(%arg0: i32) -> (i32, i32) {
    %c0_i32 = arith.constant 0 : i32
    %c0_i32_0 = arith.constant 0 : i32
    %c0_i32_1 = arith.constant 0 : i32
    return %c0_i32, %c0_i32_0 : i32, i32
  }
  func.func @transform_3(%arg0: i32) -> i32 {
    %c0_i32 = arith.constant 0 : i32
    %c0_i32_0 = arith.constant 0 : i32
    return %c0_i32 : i32
  }
  func.func @transform_4(%arg0: i32) -> (i32, i32) {
    %c0_i32 = arith.constant 0 : i32
    %c0_i32_0 = arith.constant 0 : i32
    return %arg0, %c0_i32 : i32, i32
  }
}

</mosaic_0001>

<sc_bundles>
// kernel: kernel.5.cloned.1.call-start
scs
__scs_entry_jumppad:
0x0: {  	(pc) =	sbr.rel $0x88, $3  }
0x1: {  	(tag) =	ssettag $0x0;
	lr =	simm.s32 $0x1  }
0x2: {  	[smem:$0x3F94] =	sst lr;
	_ =	strace $0xD0000000  }
0x3: {  	_ = 	snop  }
0x4: {  	_ = 	snop  }
0x5: {  	_ = 	snop  }
0x6: {  	_ = 	snop  }
0x7: {  	_ = 	snop  }
__scs_overlays_trampoline_lowered:
0x8: {  	[smem:$0x3FA3] =	sst s0  }
0x9: {  	[smem:$0x3FA4] =	sst s1  }
0xa: {  	[smem:$0x3FA5] =	sst s2  }
0xb: {  	[smem:$0x3FA6] =	sst s3  }
0xc: {  	[smem:$0x3FA7] =	sst s4  }
0xd: {  	[smem:$0x3FA8] =	sst s5  }
0xe: {  	[smem:$0x3FA9] =	sst s6  }
0xf: {  	[smem:$0x3FAA] =	sst s7  }
0x10: {  	[smem:$0x3FAB] =	sst s8  }
0x11: {  	[smem:$0x3FAC] =	sst s9;
	s0 =	simm.s32 @!p0 $0x0  }
0x12: {  	s1 =	sld [smem:$0x3F92];
	s0 =	simm.s32 @p0 $0x1  }
0x13: {  	[smem:$0x3FAD] =	sst s0;
	s0 =	simm.s32 @!p1 $0x0  }
0x14: {  	s2 =	sld [smem:$0x3F91];
	s0 =	simm.s32 @p1 $0x1  }
0x15: {  	[smem:$0x3FAE] =	sst s0;
	s0 =	simm.s32 @!p2 $0x0  }
0x16: {  	s3 =	sld [smem:$0x3FDB];
	s0 =	simm.s32 @p2 $0x1  }
0x17: {  	s4 =	simm.s32 $0x1BF5;
	[smem:$0x3FB0] =	sst s0  }
0x18: {  	s0 =	sld [smem:$0x3F93];
	_ =	swait.ge [sflag:s4], $0x0  }
0x19: {  	s7 =	sld [smem:$0x3F94]  }
0x1a: {  	s8 =	sadd.s32 $0xFFFFE003, lr  }
0x1b: {  	s9 =	sadd.s32 $0xFFFFFEF7, lr;
	s5 =	simm.s32 $0xFFFFFFFF;
	p2 =	slt.u32 s8, $0xFFFFF086  }
0x1c: {  	p1 =	slt.u32 s9, $0xF7A;
	s5 =	simm.s32 @!p2 $0x0  }
0x1d: {  	s5 =	simm.s32 @p1 $0x1;
	p0 =	seq.s32 s7, s2  }
0x1e: {  	s7 =	smul.u32 @!p0 $0xF7A, s2;
	p2 =	seq.s32 @!p0 s5, $0x0  }
0x1f: {  	s9 =	smul.u32 $0xF7A, s1;
	s8 =	simm.s32 @!p0 $0x1BF5;
	p2 =	por !p2, p0  }
0x20: {  	[sflag:s8] =	ssyncset.s32 @!p0 $0xFFFFF086;
	s6 =	sadd.s32 @!p0 s3, s7;
	s7 =	simm.s32 @!p0 $0x108  }
0x21: {  	s3 =	sadd.s32 s3, s9;
	s6 =	sadd.s32 @!p0 $0x88, s6;
	s7 =	simm.s32 @p2 $0x1082  }
0x22: {  	[simem:s7], [sflag:s8] =	dma.local @!p0 [hbm:s6], $0xF7A  }
0x23: {  	s9 =	sor.u32 $0xD0000000, s2;
	s6 =	simm.s32 $0x108;
	_ =	swait.ge @!p0 [sflag:s8], $0x0  }
0x24: {  	s3 =	sadd.s32 $0x88, s3;
	s6 =	simm.s32 @!p1 $0x1082;
	[sflag:s4] =	ssyncset.s32 $0xFFFFF086  }
0x25: {  	[simem:s6], [sflag:s4] =	dma.local [hbm:s3], $0xF7A  }
0x26: {  	[smem:$0x3F94] =	sst s1;
	(tag) =	ssettag s2;
	_ =	strace s9  }
0x27: {  	s1 =	sld [smem:$0x3FA4]  }
0x28: {  	s2 =	sld [smem:$0x3FA5]  }
0x29: {  	s4 =	sld [smem:$0x3FA7]  }
0x2a: {  	p0 =	seq.s32 s5, $0x0;
	s5 =	sld [smem:$0x3FA8]  }
0x2b: {  	s6 =	sld [smem:$0x3FA9]  }
0x2c: {  	s7 =	sld [smem:$0x3FAA]  }
0x2d: {  	s3 =	simm.s32 $0x108;
	s8 =	sld [smem:$0x3FAB]  }
0x2e: {  	s3 =	simm.s32 @!p0 $0x1082;
	s9 =	sld [smem:$0x3FAC]  }
0x2f: {  	lr =	sadd.s32 s0, s3;
	s0 =	sld [smem:$0x3FA3]  }
0x30: {  	s3 =	sld [smem:$0x3FA6]  }
0x31: {  	[smem:$0x3FAF] =	sst s10  }
0x32: {  	s10 =	sld [smem:$0x3FAD];
	_ =	sdelay $0x3  }
0x33: {  	p0 =	seq.s32 s10, $0x1;
	s10 =	sld [smem:$0x3FAF];
	_ =	sdelay $0x3  }
0x34: {  	[smem:$0x3FAF] =	sst s10  }
0x35: {  	s10 =	sld [smem:$0x3FAE];
	_ =	sdelay $0x3  }
0x36: {  	p1 =	seq.s32 s10, $0x1;
	s10 =	sld [smem:$0x3FAF];
	_ =	sdelay $0x3  }
0x37: {  	[smem:$0x3FAF] =	sst s10  }
0x38: {  	s10 =	sld [smem:$0x3FB0]  }
0x39: {  	_ = 	snop;
	(pc) =	sbr.ind lr, $3  }
0x3a: {  	_ = 	snop  }
0x3b: {  	_ = 	snop  }
0x3c: {  	p2 =	seq.s32 s10, $0x1;
	s10 =	sld [smem:$0x3FAF]  }
0x3d: {  	_ =	shalt  }
0x3e: {  	_ =	shalt  }
0x3f: {  	_ =	shalt  }
0x40: {  	_ =	shalt  }
0x41: {  	_ =	shalt  }
0x42: {  	_ =	shalt  }
0x43: {  	_ =	shalt  }
0x44: {  	_ =	shalt  }
0x45: {  	_ =	shalt  }
0x46: {  	_ =	shalt  }
0x47: {  	_ =	shalt  }
0x48: {  	_ =	shalt  }
0x49: {  	_ =	shalt  }
0x4a: {  	_ =	shalt  }
0x4b: {  	_ =	shalt  }
0x4c: {  	_ =	shalt  }
0x4d: {  	_ =	shalt  }
0x4e: {  	_ =	shalt  }
0x4f: {  	_ =	shalt  }
0x50: {  	_ =	shalt  }
0x51: {  	_ =	shalt  }
0x52: {  	_ =	shalt  }
0x53: {  	_ =	shalt  }
0x54: {  	_ =	shalt  }
0x55: {  	_ =	shalt  }
0x56: {  	_ =	shalt  }
0x57: {  	_ =	shalt  }
0x58: {  	_ =	shalt  }
0x59: {  	_ =	shalt  }
0x5a: {  	_ =	shalt  }
0x5b: {  	_ =	shalt  }
0x5c: {  	_ =	shalt  }
0x5d: {  	_ =	shalt  }
0x5e: {  	_ =	shalt  }
0x5f: {  	_ =	shalt  }
0x60: {  	_ =	shalt  }
0x61: {  	_ =	shalt  }
0x62: {  	_ =	shalt  }
0x63: {  	_ =	shalt  }
0x64: {  	_ =	shalt  }
0x65: {  	_ =	shalt  }
0x66: {  	_ =	shalt  }
0x67: {  	_ =	shalt  }
0x68: {  	_ =	shalt  }
0x69: {  	_ =	shalt  }
0x6a: {  	_ =	shalt  }
0x6b: {  	_ =	shalt  }
0x6c: {  	_ =	shalt  }
0x6d: {  	_ =	shalt  }
0x6e: {  	_ =	shalt  }
0x6f: {  	_ =	shalt  }
0x70: {  	_ =	shalt  }
0x71: {  	_ =	shalt  }
0x72: {  	_ =	shalt  }
0x73: {  	_ =	shalt  }
0x74: {  	_ =	shalt  }
0x75: {  	_ =	shalt  }
0x76: {  	_ =	shalt  }
0x77: {  	_ =	shalt  }
0x78: {  	_ =	shalt  }
0x79: {  	_ =	shalt  }
0x7a: {  	_ =	shalt  }
0x7b: {  	_ =	shalt  }
0x7c: {  	_ =	shalt  }
0x7d: {  	_ =	shalt  }
0x7e: {  	_ =	shalt  }
0x7f: {  	_ =	shalt  }
0x80: {  	_ =	shalt  }
0x81: {  	_ =	shalt  }
0x82: {  	_ =	shalt  }
0x83: {  	_ =	shalt  }
0x84: {  	_ =	shalt  }
0x85: {  	_ =	shalt  }
0x86: {  	_ =	shalt  }
0x87: {  	_ =	shalt  }
.Lfunc_end0:
.L_simem_size_0:
called_computation_lowered:
.L_overlay_start_0:
0x88: {  	s2 =	sld [smem:$0x3FD9]  }
0x89: {  	s3 =	sld [smem:$0x3FFE];
	_ =	sdelay $0x1  }
0x8a: {  	s1 =	srdreg.scid  }
0x8b: {  	s0 =	sand.u32 $0x1, s1  }
0x8c: {  	s17 =	sshll.u32 s0, $0xA;
	s2 =	sadd.s32 s3, s2  }
0x8d: {  	s2 =	sadd.s32 s2, s17  }
0x8e: {  	[smem:$0x3FBB] =	sst s2  }
0x8f: {  	_ = 	snop  }
0x90: {  	s2 =	sld [smem:$0x3FD0];
	(tm) =	ssettm $0x1  }
0x91: {  	s18 =	sld [smem:$0x3FFB];
	_ =	sdelay $0x3  }
0x92: {  	_ =	strace s18  }
0x93: {  	s3 =	sld [smem:$0x3FFC];
	_ =	sdelay $0x3  }
0x94: {  	_ =	strace s3  }
0x95: {  	s3 =	sld [smem:$0x3FFD];
	_ =	sdelay $0x3  }
0x96: {  	_ =	strace s3  }
0x97: {  	_ =	strace $0x8FFFFFFF  }
0x98: {  	s19 =	sld [smem:$0x3FDB];
	_ =	sdelay $0x1  }
0x99: {  	s4 =	simm.s32 $_scs_section_size  }
0x9a: {  	s5 =	simm.s32 $_size__tile_overlayer_lowered;
	s6 =	simm.s32 $_tile_overlayer_lowered  }
0x9b: {  	s22 =	simm.s32 $0x1BFF;
	s21 =	sshll.u32 s6, $0x1;
	s3 =	sadd.s32 s4, s19  }
0x9c: {  	s7 =	simm.s32 $0x0;
	s20 =	sshll.u32 s5, $0x1;
	s5 =	sadd.s32 s21, s3  }
0x9d: {  	[timem:s7], [sflag:s22] =	dma.local [hbm:s5], s20  }
0x9e: {  	_ =	swait.ge [sflag:s22], s20  }
0x9f: {  	s4 =	ssub.s32 $0x0, s20;
	[sflag:s22] =	ssyncset.done $0x0  }
0xa0: {  	[sflag:s22] =	ssyncadd.s32 s4;
	_ =	sdelay $0x1  }
0xa1: {  	s23 =	simm.s32 $0x1B8B  }
0xa2: {  	_ =	swait.ge [sflag:s23], $0x1  }
0xa3: {  	[sflag:s23] =	ssyncset.done $0x0  }
0xa4: {  	s25 =	simm.s32 $0x1B8E;
	s24 =	sld [smem:$0x3FFE];
	[sflag:s23] =	ssyncadd.s32 $0xFFFFFFFF  }
0xa5: {  	s26 =	simm.s32 $execute0_lowered;
	[smem:$0x3FD2] =	sst s25  }
0xa6: {  	s5 =	sshll.u32 s26, $0x1;
	_ =	strace $0x80000046;
	[dreg:$0x1] =	wrdreg $0xFFFFFFFF  }
0xa7: {  	s28 =	simm.s32 $_size_execute0_lowered;
	s3 =	sadd.s32 s3, s5;
	[dreg:$0x0] =	wrdreg $0x0  }
0xa8: {  	s5 =	sshll.u32 s28, $0x1;
	[dreg:$0x2] =	wrdreg s3  }
0xa9: {  	[dreg:$0x3] =	wrdreg s5  }
0xaa: {  	[dreg:$0x4] =	wrdreg $0xC0  }
0xab: {  	_ =	task [dreg:s7], $0x5FFFF  }
0xac: {  	[dreg:$0x1] =	wrdreg $0xFFFFFFFF  }
0xad: {  	[dreg:$0x0] =	wrdreg $0x60  }
0xae: {  	[dreg:$0x2] =	wrdreg s24  }
0xaf: {  	[dreg:$0x3] =	wrdreg s2  }
0xb0: {  	[dreg:$0x4] =	wrdreg $0xD0200  }
0xb1: {  	[dreg:$0x5] =	wrdreg $0x9  }
0xb2: {  	_ =	task.clear_ibuf [dreg:s7], $0x6FFFF;
	_ =	strace $0x90000046  }
0xb3: {  	s29 =	simm.s32 $0x9;
	_ =	strace $0x80000048  }
0xb4: {  	_ =	swait.ge [sflag:s29], $0x1  }
0xb5: {  	[sflag:s29] =	ssyncadd.s32 $0xFFFFFFFF  }
0xb6: {  	_ =	strace $0x90000048  }
0xb7: {  	_ =	sfence  }
0xb8: {  	s30 =	sld [smem:$0x0];
	_ =	sdelay $0x2  }
0xb9: {  	s31 =	sshll.u32 s1, $0xD;
	s1 =	sshrl.u32 s1, $0x2  }
0xba: {  	s3 =	sand.u32 $0x4000, s31;
	s1 =	sadd.s32 s1, s30  }
0xbb: {  	s0 =	sor.u32 s3, s0;
	s1 =	sshll.u32 s1, $0x11  }
0xbc: {  	s0 =	sor.u32 s1, s0  }
0xbd: {  	s0 =	sadd.s32 $0x8F2B, s0  }
0xbe: {  	[sflag:s0] =	ssyncadd.remote.s32 $0x1  }
0xbf: {  	_ =	sfence.sel $0xFFFF  }
0xc0: {  	[dreg:$0x0] =	wrdreg $0xFFFFFFFF;
	(pc) =	sbr.abs _section_cstart, $3  }
0xc1: {  	[dreg:$0x1] =	wrdreg $0xFFFFFFFF  }
0xc2: {  	_ =	task.clear_ibuf [dreg:s7], $0x2FFFF;
	_ =	strace $0x9FFFFFFF  }
0xc3: {  	(tm) =	ssettm $0x7FFFFFFF  }
tec
execute0_lowered:
.L_overlay_start_1:
0x0: {  	(tag) =	ssettag $0x1  }
0x1: {  	s0 =	srdreg.scid;
	s25 =	stileid.u32  }
0x2: {  	s20 =	rddreg [dreg:$0x0];
	s3 =	smul.u32 $0x280, s25  }
0x3: {  	s5 =	simm.s32 $0x0;
	s0 =	sand.u32 $0x1, s0;
	s1 =	smul.u32 $0xC800, s25  }
0x4: {  	s31 =	simm.s32 $0xB;
	[smem:$0x7FF] =	sst s5;
	s12 =	smul.u32 $0xC8000, s0  }
0x5: {  	s4 =	ssub.s32 $0x2, s0;
	s0 =	smul.u32 $0x2710, s0;
	s11 =	sor.u32 $0x40, s3  }
0x6: {  	s15 =	sadd.s32 $0xD000, s20;
	s14 =	sadd.s32 $0x80, s3;
	s2 =	smul.u32 $0x50, s11  }
0x7: {  	s24 =	sshrl.u32 s4, $0x1;
	s5 =	sadd.s32 $0x5000, s1;
	s3 =	smul.u32 $0x50, s14  }
0x8: {  	s6 =	sadd.s32 s12, s1;
	s22 =	ssub.s32 s4, s24;
	s11 =	smul.u32 $0x140, s11  }
0x9: {  	s4 =	sadd.s32 $0x3C00, s1;
	s24 =	sshll.u32 s25, $0x6;
	s14 =	smul.u32 $0x140, s14  }
0xa: {  	s6 =	sshrl.u32 s6, $0x3;
	s10 =	sadd.s32 s12, s4;
	s22 =	smax.u32 s22, $0x1  }
0xb: {  	s26 =	sadd.s32 s12, s2;
	s6 =	sadd.s32 s15, s6;
	s9 =	sadd.s32 s12, s3  }
0xc: {  	s13 =	sshrl.u32 s10, $0x3;
	s11 =	sshrl.u32 s11, $0x2;
	s7 =	sshrl.u32 s26, $0x3  }
0xd: {  	[dreg:$0x4] =	wrdreg s6;
	s6 =	sshrl.u32 s9, $0x3;
	s8 =	sadd.s32 s15, s7  }
0xe: {  	s14 =	sshrl.u32 s14, $0x2;
	s6 =	sadd.s32 s15, s6;
	[dreg:$0x5] =	wrdreg s8  }
0xf: {  	s7 =	sadd.s32 $0x7800, s1;
	s8 =	sadd.s32 s12, s5;
	[dreg:$0x6] =	wrdreg s6  }
0x10: {  	s6 =	sadd.s32 s15, s13;
	s10 =	sadd.s32 s12, s7;
	s16 =	sshrl.u32 s8, $0x3  }
0x11: {  	[dreg:$0x7] =	wrdreg s6;
	s6 =	sadd.s32 $0x6400, s1;
	s8 =	sadd.s32 $0x8C00, s1  }
0x12: {  	s18 =	sshrl.u32 s10, $0x3;
	s10 =	rddreg [dreg:$0x1];
	s17 =	sadd.s32 s15, s16  }
0x13: {  	s9 =	sadd.s32 s12, s6;
	s13 =	sadd.s32 s12, s8;
	[dreg:$0x8] =	wrdreg s17  }
0x14: {  	s9 =	sshrl.u32 s9, $0x3;
	s19 =	sshrl.u32 s13, $0x3;
	s13 =	sadd.s32 $0xB400, s1  }
0x15: {  	s9 =	sadd.s32 s15, s9;
	s21 =	sadd.s32 s15, s19;
	s17 =	sadd.s32 s12, s13  }
0x16: {  	s19 =	sadd.s32 $0x627400, s20;
	[dreg:$0x9] =	wrdreg s9;
	s9 =	sadd.s32 s15, s18  }
0x17: {  	[dreg:$0xb] =	wrdreg s21;
	s23 =	sshrl.u32 s17, $0x3;
	s18 =	smul.u32 $0x4E20, s25  }
0x18: {  	s17 =	sadd.s32 $0x2E00, s20;
	s21 =	sor.u32 $0x1C0B, s24;
	s24 =	smul.u32 $0x9C40, s25  }
0x19: {  	s25 =	smul.u32 $0x32000, s25;
	[dreg:$0xa] =	wrdreg s9;
	s9 =	sadd.s32 $0xA000, s1  }
0x1a: {  	s16 =	sadd.s32 s12, s9;
	s12 =	rddreg [dreg:$0x2];
	s26 =	sshrl.u32 s18, $0x3  }
0x1b: {  	s24 =	sadd.s32 s19, s24;
	s28 =	sadd.s32 $0x1E000, s25;
	s29 =	sadd.s32 $0x23000, s25  }
0x1c: {  	s30 =	sadd.s32 $0x28000, s25;
	s16 =	sshrl.u32 s16, $0x3;
	s11 =	sadd.s32 s11, s12  }
0x1d: {  	s14 =	sadd.s32 s14, s12;
	s28 =	sshrl.u32 s28, $0x2;
	s29 =	sshrl.u32 s29, $0x2  }
0x1e: {  	s30 =	sshrl.u32 s30, $0x2;
	s1 =	sadd.s32 s1, s12;
	s16 =	sadd.s32 s15, s16  }
0x1f: {  	s2 =	sadd.s32 s2, s12;
	s15 =	sadd.s32 s15, s23;
	[dreg:$0xc] =	wrdreg s16  }
0x20: {  	s3 =	sadd.s32 s3, s12;
	s4 =	sadd.s32 s4, s12;
	[dreg:$0xd] =	wrdreg s15  }
0x21: {  	s15 =	sadd.s32 $0xED400, s20;
	s16 =	sadd.s32 $0x9F200, s20;
	s20 =	sadd.s32 $0xCC00, s20  }
0x22: {  	s23 =	sadd.s32 s10, s26;
	_ =	strace $0x80000047;
	[dreg:$0xe] =	wrdreg s20  }
0x23: {  	s5 =	sadd.s32 s5, s12;
	s6 =	sadd.s32 s6, s12;
	[dreg:$0xf] =	wrdreg s23  }
0x24: {  	s7 =	sadd.s32 s7, s12;
	s8 =	sadd.s32 s8, s12;
	[dreg:$0x11] =	wrdreg s24  }
0x25: {  	s9 =	sadd.s32 s9, s12;
	s11 =	sshrl.u32 s11, $0x3;
	[dreg:$0x14] =	wrdreg s22  }
0x26: {  	s13 =	sadd.s32 s13, s12;
	s1 =	sshrl.u32 s1, $0x3;
	[dreg:$0x16] =	wrdreg s11  }
0x27: {  	s28 =	sadd.s32 s28, s12;
	s2 =	sshrl.u32 s2, $0x3;
	[dreg:$0x1f] =	wrdreg s1  }
0x28: {  	s29 =	sadd.s32 s29, s12;
	s3 =	sshrl.u32 s3, $0x3;
	[smem:$0x7F5] =	sst s2  }
0x29: {  	s23 =	sadd.s32 $0x50, s18;
	s20 =	sadd.s32 s17, s26;
	[smem:$0x7F6] =	sst s3  }
0x2a: {  	s11 =	sshrl.u32 s4, $0x3;
	[dreg:$0x10] =	wrdreg s20;
	s20 =	sshrl.u32 s23, $0x3  }
0x2b: {  	s30 =	sadd.s32 s30, s12;
	[smem:$0x7F7] =	sst s11;
	s26 =	sadd.s32 s10, s20  }
0x2c: {  	s24 =	sshrl.u32 s25, $0x2;
	s20 =	sadd.s32 s17, s20;
	[dreg:$0x12] =	wrdreg s26  }
0x2d: {  	s2 =	simm.s32 $0x50;
	[dreg:$0x13] =	wrdreg s20;
	s26 =	sadd.s32 $0xF000, s25  }
0x2e: {  	s20 =	sadd.s32 s24, s12;
	s24 =	sadd.s32 $0x14000, s25;
	s22 =	sshrl.u32 s26, $0x2  }
0x2f: {  	s26 =	sadd.s32 $0x19000, s25;
	s24 =	sshrl.u32 s24, $0x2;
	s20 =	sshrl.u32 s20, $0x3  }
0x30: {  	s22 =	sadd.s32 s22, s12;
	[dreg:$0x15] =	wrdreg s20;
	s20 =	sshrl.u32 s14, $0x3  }
0x31: {  	s24 =	sadd.s32 s24, s12;
	[dreg:$0x17] =	wrdreg s20;
	s22 =	sshrl.u32 s22, $0x3  }
0x32: {  	s26 =	sshrl.u32 s26, $0x2;
	s24 =	sshrl.u32 s24, $0x3;
	[dreg:$0x18] =	wrdreg s22  }
0x33: {  	v0 =	vimm.s32 $0xFEDCBA98;
	s26 =	sadd.s32 s26, s12;
	s20 =	sshrl.u32 s28, $0x3;
	[dreg:$0x19] =	wrdreg s24  }
0x34: {  	v1 =	vimm.s32 $0x76543210;
	v2 =	vimm.s32 $0xBA98FEDC;
	v0 =	vunpack.c.l.s4.s8 v0;
	s25 =	sadd.s32 $0x2D000, s25;
	s14 =	sshrl.u32 s26, $0x3;
	[dreg:$0x1b] =	wrdreg s20  }
0x35: {  	v3 =	vimm.s32 $0x32107654;
	v5 =	vimm.s32 $0x54761032;
	v6 =	vimm.s32 $0xEFCDAB89;
	s25 =	sshrl.u32 s25, $0x2;
	s22 =	sshrl.u32 s29, $0x3;
	[dreg:$0x1a] =	wrdreg s14  }
0x36: {  	v7 =	vimm.s32 $0x67452301;
	v1 =	vunpack.c.l.s4.s8 v1;
	v0 =	vunpack.c.0.s8.s32 v0;
	s25 =	sadd.s32 s25, s12;
	s24 =	sshrl.u32 s30, $0x3;
	[dreg:$0x1c] =	wrdreg s22  }
0x37: {  	v2 =	vunpack.c.l.s4.s8 v2;
	v3 =	vunpack.c.l.s4.s8 v3;
	v5 =	vunpack.c.l.s4.s8 v5;
	s3 =	simm.s32 $0x8;
	s26 =	sshrl.u32 s25, $0x3;
	[dreg:$0x1d] =	wrdreg s24  }
0x38: {  	v6 =	vunpack.c.l.s4.s8 v6;
	v4 =	vand.u32 $0xF, v0;
	v0 =	vimm.s32 $0xDCFE98BA;
	s4 =	simm.s32 $0xA;
	s20 =	sshrl.u32 s6, $0x3;
	[dreg:$0x1e] =	wrdreg s26  }
0x39: {  	v7 =	vunpack.c.l.s4.s8 v7;
	v1 =	vunpack.c.0.s8.s32 v1;
	v0 =	vunpack.c.l.s4.s8 v0;
	s1 =	simm.s32 $0x0;
	s25 =	sshrl.u32 s9, $0x3;
	[smem:$0x7F9] =	sst s20  }
0x3a: {  	v2 =	vunpack.c.0.s8.s32 v2;
	v3 =	vunpack.c.0.s8.s32 v3;
	v5 =	vunpack.c.0.s8.s32 v5;
	s11 =	simm.s32 $0x6;
	s14 =	sshrl.u32 s5, $0x3;
	[smem:$0x7FC] =	sst s25  }
0x3b: {  	v6 =	vunpack.c.0.s8.s32 v6;
	v7 =	vunpack.c.0.s8.s32 v7;
	v8 =	vunpack.c.0.s8.s32 v0;
	s28 =	simm.s32 $0x2;
	s22 =	sshrl.u32 s7, $0x3;
	[smem:$0x7F8] =	sst s14  }
0x3c: {  	vm1 =	vcmask $0x2F20;
	v2 =	vcombine.low v3, v2;
	v1 =	vcombine.low v4, v1;
	s30 =	sadd.s32 $0xF0, s18;
	s24 =	sshrl.u32 s8, $0x3;
	[smem:$0x7FA] =	sst s22  }
0x3d: {  	vm2 =	vcmask $0xF00;
	v4 =	vcombine.low v7, v6;
	v3 =	vcombine.low v5, v8;
	s29 =	simm.s32 $0x4;
	s26 =	sshrl.u32 s13, $0x3;
	[smem:$0x7FB] =	sst s24  }
0x3e: {  	vm0 =	vmmov $0xff;
	vm1 =	vmor vm2, vm1;
	v2 =	vand.u32 $0xF, v2;
	s13 =	simm.s32 $0x1;
	s25 =	simm.s32 $0xB720;
	[smem:$0x7FD] =	sst s26  }
0x3f: {  	v0 =	vmov s0;
	v4 =	vand.u32 $0xF, v4;
	v3 =	vand.u32 $0xF, v3;
	s14 =	simm.s32 $0x3;
	s22 =	simm.s32 $0x5;
	s26 =	simm.s32 $0xC  }
.LBB2_1:
0x40: {  	[smem:$0x7F4] =	sst s1  }
0x41: {  	s0 =	rddreg [dreg:$0xe]  }
0x42: {  	s20 =	rddreg [dreg:$0x15]  }
0x43: {  	[spmem:s20], [sflag:s21] =	dma.local [hbm:s0], $0x280  }
0x44: {  	_ =	swait.ge [sflag:s31], $0x280  }
0x45: {  	[sflag:s31] =	ssyncset.done $0x0  }
0x46: {  	s24 =	rddreg [dreg:$0x16];
	[sflag:s31] =	ssyncadd.s32 $0xFFFFFD80  }
0x47: {  	[spmem:s24], [sflag:s21] =	dma.local [hbm:s0], $0x280  }
0x48: {  	_ =	swait.ge [sflag:s31], $0x280  }
0x49: {  	[sflag:s31] =	ssyncset.done $0x0  }
0x4a: {  	s5 =	rddreg [dreg:$0x17];
	[sflag:s31] =	ssyncadd.s32 $0xFFFFFD80  }
0x4b: {  	[spmem:s5], [sflag:s21] =	dma.local [hbm:s0], $0x280  }
0x4c: {  	_ =	swait.ge [sflag:s31], $0x280  }
0x4d: {  	[sflag:s31] =	ssyncset.done $0x0  }
0x4e: {  	s6 =	rddreg [dreg:$0x18];
	[sflag:s31] =	ssyncadd.s32 $0xFFFFFD80  }
0x4f: {  	[spmem:s6], [sflag:s21] =	dma.local [hbm:s0], $0x280  }
0x50: {  	_ =	swait.ge [sflag:s31], $0x280  }
0x51: {  	[sflag:s31] =	ssyncset.done $0x0  }
0x52: {  	s7 =	rddreg [dreg:$0x19];
	[sflag:s31] =	ssyncadd.s32 $0xFFFFFD80  }
0x53: {  	[spmem:s7], [sflag:s21] =	dma.local [hbm:s0], $0x280  }
0x54: {  	_ =	swait.ge [sflag:s31], $0x280  }
0x55: {  	[sflag:s31] =	ssyncset.done $0x0  }
0x56: {  	s8 =	rddreg [dreg:$0x1a];
	[sflag:s31] =	ssyncadd.s32 $0xFFFFFD80  }
0x57: {  	[spmem:s8], [sflag:s21] =	dma.local [hbm:s0], $0x280  }
0x58: {  	_ =	swait.ge [sflag:s31], $0x280  }
0x59: {  	[sflag:s31] =	ssyncset.done $0x0  }
0x5a: {  	s9 =	rddreg [dreg:$0x1b];
	[sflag:s31] =	ssyncadd.s32 $0xFFFFFD80  }
0x5b: {  	[spmem:s9], [sflag:s21] =	dma.local [hbm:s0], $0x280  }
0x5c: {  	_ =	swait.ge [sflag:s31], $0x280  }
0x5d: {  	[sflag:s31] =	ssyncset.done $0x0  }
0x5e: {  	s20 =	rddreg [dreg:$0x1c];
	[sflag:s31] =	ssyncadd.s32 $0xFFFFFD80  }
0x5f: {  	[spmem:s20], [sflag:s21] =	dma.local [hbm:s0], $0x280  }
0x60: {  	_ =	swait.ge [sflag:s31], $0x280  }
0x61: {  	[sflag:s31] =	ssyncset.done $0x0  }
0x62: {  	s24 =	rddreg [dreg:$0x1d];
	[sflag:s31] =	ssyncadd.s32 $0xFFFFFD80  }
0x63: {  	[spmem:s24], [sflag:s21] =	dma.local [hbm:s0], $0x280  }
0x64: {  	_ =	swait.ge [sflag:s31], $0x280  }
0x65: {  	[sflag:s31] =	ssyncset.done $0x0  }
0x66: {  	s5 =	rddreg [dreg:$0x1e];
	[sflag:s31] =	ssyncadd.s32 $0xFFFFFD80  }
0x67: {  	[spmem:s5], [sflag:s21] =	dma.local [hbm:s0], $0x280  }
0x68: {  	_ =	swait.ge [sflag:s31], $0x280  }
0x69: {  	[sflag:s31] =	ssyncset.done $0x0  }
0x6a: {  	[sflag:s31] =	ssyncadd.s32 $0xFFFFFD80  }
0x6b: {  	[bflag:$0x0] =	sbarrier.arrive $0xFFFF  }
0x6c: {  	s0 =	simm.s32 $0x0;
	s5 =	simm.s32 $0xA0;
	s6 =	rddreg [dreg:$0xf]  }
0x6d: {  	[tilespmem:s5], [sflag:$0x7] =	stream.linear.gather [hbm4b:s6+s0], $0x50, $0x38;
	[tilespmem:$0x19820] =	vst v63  }
0x6e: {  	s8 =	simm.s32 $0x7;
	s7 =	rddreg [dreg:$0x10]  }
0x6f: {  	[tilespmem:s0], [sflag:$0x9] =	stream.linear.gather [hbm4b:s7+s0], $0x50, $0x38;
	[tilespmem:$0x19820] =	vst v63  }
0x70: {  	_ =	swait.ge [sflag:s8], $0x50  }
0x71: {  	[sflag:s8] =	ssyncset.done $0x0  }
0x72: {  	s9 =	simm.s32 $0x9;
	[sflag:s8] =	ssyncadd.s32 $0xFFFFFFB0  }
0x73: {  	_ =	swait.ge [sflag:s9], $0x50  }
0x74: {  	[sflag:s9] =	ssyncset.done $0x0  }
0x75: {  	[sflag:s9] =	ssyncadd.s32 $0xFFFFFFB0  }
0x76: {  	v5 =	vld [tilespmem:$0xA0]  }
0x77: {  	v6 =	vld [tilespmem:$0x0];
	_ =	sdelay $0x1  }
0x78: {  	v7 =	vld [tilespmem:$0xB0]  }
0x79: {  	v8 =	vld [tilespmem:$0x10]  }
0x7a: {  	[tilespmem:$0x140] =	vst v5;
	v5 =	vadd.s32 v0, v5  }
0x7b: {  	[tilespmem:$0x1E0] =	vst v5;
	v5 =	vadd.s32 v0, v6;
	v6 =	vld [tilespmem:$0xC0]  }
0x7c: {  	[tilespmem:$0x280] =	vst v5;
	v5 =	vld [tilespmem:$0x20]  }
0x7d: {  	[tilespmem:$0x150] =	vst v7;
	v7 =	vadd.s32 v0, v7  }
0x7e: {  	v63 =	vld [tilespmem:$0xD0];
	[tilespmem:$0x1F0] =	vst v7;
	v7 =	vadd.s32 v0, v8  }
0x7f: {  	[tilespmem:$0x290] =	vst v7;
	v7 =	vld [tilespmem:$0x30]  }
0x80: {  	[tilespmem:$0x160] =	vst v6;
	v6 =	vadd.s32 v0, v6  }
0x81: {  	[tilespmem:$0x200] =	vst v6;
	v5 =	vadd.s32 v0, v5;
	v6 =	vld [tilespmem:$0xE0]  }
0x82: {  	[tilespmem:$0x2A0] =	vst v5;
	v5 =	vld [tilespmem:$0x40]  }
0x83: {  	[tilespmem:$0x170] =	vst v63;
	v8 =	vadd.s32 v0, v63  }
0x84: {  	[tilespmem:$0x210] =	vst v8;
	v7 =	vadd.s32 v0, v7  }
0x85: {  	[tilespmem:$0x2B0] =	vst v7  }
0x86: {  	[tilespmem:$0x180] =	vst v6;
	v6 =	vadd.s32 v0, v6  }
0x87: {  	[tilespmem:$0x220] =	vst v6;
	v5 =	vadd.s32 v0, v5  }
0x88: {  	s20 =	simm.s32 $0x1E0;
	s24 =	simm.s32 $0xD20;
	[tilespmem:$0x2C0] =	vst v5  }
0x89: {  	[tilespmem:s24], [sflag:$0x1] =	stream.indirect.gather [hbm4b:s15+s2], $0x90, s20, s2, $0xb8;
	[tilespmem:$0x19820] =	vst v63  }
0x8a: {  	s5 =	simm.s32 $0x280;
	s6 =	simm.s32 $0x6720  }
0x8b: {  	[tilespmem:s6], [sflag:$0x3] =	stream.indirect.gather [hbm4b:s16+s2], $0x80, s5, s2, $0xb8;
	[tilespmem:$0x19820] =	vst v63  }
0x8c: {  	s8 =	simm.s32 $0x320;
	s7 =	rddreg [dreg:$0x11]  }
0x8d: {  	[tilespmem:s8], [sflag:$0x5] =	stream.linear.gather [hbm4b:s7+s0], $0x500, $0x38;
	[tilespmem:$0x19820] =	vst v63  }
0x8e: {  	s9 =	rddreg [dreg:$0x12];
	s20 =	simm.s32 $0xF0  }
0x8f: {  	[tilespmem:s20], [sflag:$0x8] =	stream.linear.gather [hbm4b:s9+s0], $0x50, $0x38;
	[tilespmem:$0x19820] =	vst v63  }
0x90: {  	s24 =	rddreg [dreg:$0x13];
	s20 =	simm.s32 $0x0  }
0x91: {  	[tilespmem:s2], [sflag:$0xA] =	stream.linear.gather [hbm4b:s24+s0], $0x50, $0x38;
	[tilespmem:$0x19820] =	vst v63  }
.LBB2_2:
0x92: {  	_ =	swait.ge [sflag:s3], $0x50  }
0x93: {  	[sflag:s3] =	ssyncset.done $0x0  }
0x94: {  	[sflag:s3] =	ssyncadd.s32 $0xFFFFFFB0  }
0x95: {  	_ =	swait.ge [sflag:s4], $0x50  }
0x96: {  	[sflag:s4] =	ssyncset.done $0x0  }
0x97: {  	[sflag:s4] =	ssyncadd.s32 $0xFFFFFFB0  }
0x98: {  	v5 =	vld [tilespmem:$0xF0]  }
0x99: {  	v6 =	vld [tilespmem:$0x50];
	_ =	sdelay $0x1  }
0x9a: {  	v7 =	vld [tilespmem:$0x100]  }
0x9b: {  	v8 =	vld [tilespmem:$0x60]  }
0x9c: {  	[tilespmem:$0x190] =	vst v5;
	v5 =	vadd.s32 v0, v5  }
0x9d: {  	[tilespmem:$0x230] =	vst v5;
	v5 =	vadd.s32 v0, v6;
	v6 =	vld [tilespmem:$0x110]  }
0x9e: {  	[tilespmem:$0x2D0] =	vst v5;
	v5 =	vld [tilespmem:$0x70]  }
0x9f: {  	[tilespmem:$0x1A0] =	vst v7;
	v7 =	vadd.s32 v0, v7  }
0xa0: {  	[tilespmem:$0x240] =	vst v7;
	v7 =	vadd.s32 v0, v8;
	v8 =	vld [tilespmem:$0x120]  }
0xa1: {  	[tilespmem:$0x2E0] =	vst v7;
	v7 =	vld [tilespmem:$0x80]  }
0xa2: {  	[tilespmem:$0x1B0] =	vst v6;
	v6 =	vadd.s32 v0, v6  }
0xa3: {  	[tilespmem:$0x250] =	vst v6;
	v5 =	vadd.s32 v0, v5;
	v6 =	vld [tilespmem:$0x130]  }
0xa4: {  	[tilespmem:$0x2F0] =	vst v5;
	v5 =	vld [tilespmem:$0x90]  }
0xa5: {  	[tilespmem:$0x1C0] =	vst v8;
	v8 =	vadd.s32 v0, v8  }
0xa6: {  	[tilespmem:$0x260] =	vst v8;
	v7 =	vadd.s32 v0, v7  }
0xa7: {  	[tilespmem:$0x300] =	vst v7  }
0xa8: {  	s5 =	smul.u32 $0xA0, s20;
	[tilespmem:$0x1D0] =	vst v6;
	v6 =	vadd.s32 v0, v6  }
0xa9: {  	s0 =	simm.s32 $0x230;
	[tilespmem:$0x270] =	vst v6;
	v5 =	vadd.s32 v0, v5  }
0xaa: {  	s1 =	simm.s32 $0x3A20;
	s6 =	simm.s32 $0x2D0;
	s9 =	sadd.s32 s5, s23;
	[tilespmem:$0x310] =	vst v5  }
0xab: {  	[tilespmem:s1], [sflag:$0x2] =	stream.indirect.gather [hbm4b:s15+s2], $0x90, s0, s2, $0xb8;
	[tilespmem:$0x19820] =	vst v63  }
0xac: {  	s7 =	simm.s32 $0x8F20;
	s8 =	sshll.u32 s20, $0x1;
	s1 =	sshll.u32 s9, $0x1  }
0xad: {  	p0 =	seq.s32 s20, $0x7C;
	s0 =	sadd.s32 $0x2, s8;
	s1 =	sadd.s32 s19, s1  }
0xae: {  	[tilespmem:s7], [sflag:$0x4] =	stream.indirect.gather [hbm4b:s16+s2], $0x80, s6, s2, $0xb8;
	[tilespmem:$0x19820] =	vst v63  }
0xaf: {  	s0 =	smul.u32 @!p0 $0x50, s0;
	s6 =	simm.s32 $0x0;
	s7 =	simm.s32 $0x820  }
0xb0: {  	[tilespmem:s7], [sflag:$0x6] =	stream.linear.gather [hbm4b:s1+s6], $0x500, $0x38;
	[tilespmem:$0x19820] =	vst v63  }
0xb1: {  	s6 =	sadd.s32 @!p0 s18, s0  }
0xb2: {  	s0 =	sshrl.u32 @!p0 s6, $0x3  }
0xb3: {  	s8 =	simm.s32 @!p0 $0xA0;
	s7 =	simm.s32 @!p0 $0x0;
	s1 =	sadd.s32 @!p0 s10, s0  }
0xb4: {  	[tilespmem:s8], [sflag:$0x7] =	stream.linear.gather @!p0 [hbm4b:s1+s7], $0x50, $0x38;
	[tilespmem:$0x19820] =	vst v63  }
0xb5: {  	s0 =	sadd.s32 @!p0 s17, s0  }
0xb6: {  	[tilespmem:s7], [sflag:$0x9] =	stream.linear.gather @!p0 [hbm4b:s0+s7], $0x50, $0x38;
	[tilespmem:$0x19820] =	vst v63  }
0xb7: {  	_ =	swait.ge [sflag:s13], $0x2D00  }
0xb8: {  	[sflag:s13] =	ssyncset.done $0x0  }
0xb9: {  	[sflag:s13] =	ssyncadd.s32 $0xFFFFD300  }
0xba: {  	_ =	swait.ge [sflag:s14], $0x2800  }
0xbb: {  	[sflag:s14] =	ssyncset.done $0x0  }
0xbc: {  	[sflag:s14] =	ssyncadd.s32 $0xFFFFD800  }
0xbd: {  	_ =	swait.ge [sflag:s22], $0x500  }
0xbe: {  	[sflag:s22] =	ssyncset.done $0x0  }
0xbf: {  	s7 =	simm.s32 $0xE40;
	[sflag:s22] =	ssyncadd.s32 $0xFFFFFB00  }
0xc0: {  	s8 =	simm.s32 $0x6820;
	v5 =	vld [tilespmem:s7+$0x110]  }
0xc1: {  	v6 =	vld [tilespmem:s8+$0xB0]  }
0xc2: {  	v11 =	vld [tilespmem:s8+$0xFFFFFF10]  }
0xc3: {  	v12 =	vld [tilespmem:s7+$0xFFFFFF30]  }
0xc4: {  	v7 =	vld [tilespmem:s8+$0xFFFFFF30]  }
0xc5: {  	v13 =	vld [tilespmem:s7+$0xFFFFFF50]  }
0xc6: {  	v10 =	vld [tilespmem:s7+$0xFFFFFF10]  }
0xc7: {  	v14 =	vld [tilespmem:s8+$0xFFFFFF20]  }
0xc8: {  	v16 =	vld [tilespmem:s7+$0xFFFFFF00]  }
0xc9: {  	v17 =	vld [tilespmem:s8+$0xFFFFFF00]  }
0xca: {  	v18 =	vld [tilespmem:s7+$0xFFFFFF20]  }
0xcb: {  	s24 =	simm.s32 $0x30;
	v19 =	vld [tilespmem:s7+$0xFFFFFEE0]  }
0xcc: {  	v20 =	vld [tilespmem:s24+$0x2F0]  }
0xcd: {  	v21 =	vld [tilespmem:s7+$0xFFFFFEF0]  }
0xce: {  	v15 =	vld [tilespmem:s7+$0xFFFFFF40]  }
0xcf: {  	v8 =	vld [tilespmem:s7+$0xC0]  }
0xd0: {  	v9 =	vld [tilespmem:s8+$0xA0];
	v22 =	vmul.f32 v7, v10;
	v14 =	vmul.f32 v14, v16  }
0xd1: {  	v25 =	vld [tilespmem:s8+$0x20];
	v55 =	vmul.f32 v17, v19;
	v56 =	vmul.f32 v18, v20  }
0xd2: {  	v26 =	vld [tilespmem:s7+$0x60];
	v13 =	vmul.f32 v13, v20;
	v57 =	vmul.f32 v11, v21  }
0xd3: {  	v63 =	vld [tilespmem:s8+$0xFFFFFFA0];
	v15 =	vmul.f32 v15, v20;
	v58 =	vmul.f32 v12, v20  }
0xd4: {  	v40 =	vld [tilespmem:s7+$0xFFFFFF90];
	v17 =	vadd.f32 v55, v56;
	v59 =	vadd.f32 v22, v13  }
0xd5: {  	v41 =	vld [tilespmem:s7+$0xFFFFFFB0];
	v60 =	vadd.f32 v14, v15;
	v18 =	vadd.f32 v57, v58  }
0xd6: {  	v28 =	vld [tilespmem:s8+$0xFFFFFFB0];
	v61 =	vperm.xlane v17, v1;
	v22 =	vperm.xlane v59, v1  }
0xd7: {  	v29 =	vld [tilespmem:s7+$0xFFFFFFA0];
	v23 =	vperm.xlane v60, v1;
	v24 =	vperm.xlane v18, v1  }
0xd8: {  	v42 =	vld [tilespmem:s7+$0xFFFFFFD0];
	v19 =	vadd.f32 v17, v61;
	v20 =	vadd.f32 v59, v22  }
0xd9: {  	v30 =	vld [tilespmem:s7+$0xFFFFFF60];
	v21 =	vadd.f32 v60, v23;
	v18 =	vadd.f32 v18, v24  }
0xda: {  	v32 =	vld [tilespmem:s8+$0xFFFFFF90]  }
0xdb: {  	v33 =	vld [tilespmem:s7+$0xFFFFFFC0];
	v20 =	vsel vm0, v21, v20;
	v18 =	vsel vm0, v19, v18  }
0xdc: {  	v43 =	vld [tilespmem:s7+$0xFFFFFFE0];
	v21 =	vperm.xlane v20, v2;
	v62 =	vperm.xlane v18, v2  }
0xdd: {  	v34 =	vld [tilespmem:s24+$0x300]  }
0xde: {  	v44 =	vld [tilespmem:s7+$0xFFFFFF80];
	v20 =	vadd.f32 v20, v21;
	v18 =	vadd.f32 v62, v18  }
0xdf: {  	v35 =	vld [tilespmem:s7+$0xFFFFFF70]  }
0xe0: {  	v36 =	vld [tilespmem:s8+$0xFFFFFF80];
	v18 =	vsel vm1, v18, v20  }
0xe1: {  	v37 =	vld [tilespmem:s7+$0x20];
	v27 =	vperm.xlane v18, v3  }
0xe2: {  	v38 =	vld [tilespmem:s8+$0x10]  }
0xe3: {  	v46 =	vld [tilespmem:s8+$0x0];
	v18 =	vadd.f32 v18, v27  }
0xe4: {  	v48 =	vld [tilespmem:s7+$0x40]  }
0xe5: {  	v50 =	vld [tilespmem:s7+$0x0];
	v31 =	vperm.xlane v18, v4  }
0xe6: {  	v51 =	vld [tilespmem:s7+$0xFFFFFFF0]  }
0xe7: {  	v7 =	vld [tilespmem:s7+$0xF0];
	v18 =	vadd.f32 v18, v31  }
0xe8: {  	v10 =	vld [tilespmem:s7+$0xB0]  }
0xe9: {  	v11 =	vld [tilespmem:s8+$0x90];
	v18 =	vadd.f32 v18, v30  }
0xea: {  	v12 =	vld [tilespmem:s7+$0xE0]  }
0xeb: {  	v16 =	vld [tilespmem:s7+$0x90];
	v18 =	vmul.f32 $1.442695020e+00, v18  }
0xec: {  	v13 =	vld [tilespmem:s7+$0xA0]  }
0xed: {  	v14 =	vld [tilespmem:s8+$0x80];
	(erf) = vpow2.f32 v18  }
0xee: {  	v15 =	vld [tilespmem:s7+$0xD0]  }
0xef: {  	v28 =	vmul.f32 v28, v29;
	v45 =	vmul.f32 v43, v34;
	v55 =	vld [tilespmem:s24+$0x320]  }
0xf0: {  	v47 =	vmul.f32 v33, v34;
	v49 =	vmul.f32 v36, v35;
	v17 =	vld [tilespmem:s7+$0x80]  }
0xf1: {  	v22 =	vld [tilespmem:s8+$0x30];
	v21 =	vmul.f32 v63, v40;
	v27 =	vmul.f32 v42, v34  }
0xf2: {  	v23 =	vld [tilespmem:s7+$0x70];
	v20 =	vmul.f32 v41, v34;
	v30 =	vmul.f32 v32, v44  }
0xf3: {  	v28 =	vadd.f32 v28, v45;
	v24 =	vld [tilespmem:s7+$0x10];
	v21 =	vadd.f32 v21, v27  }
0xf4: {  	v19 =	vld [tilespmem:s7+$0x30];
	v20 =	vadd.f32 v49, v20;
	v52 =	vadd.f32 v30, v47  }
0xf5: {  	v53 =	vperm.xlane v28, v1;
	v41 =	vld [tilespmem:s24+$0x310];
	v54 =	vperm.xlane v21, v1  }
0xf6: {  	s9 =	simm.s32 $0xB7C0;
	v40 =	vperm.xlane v20, v1;
	v30 =	vld [tilespmem:s7+$0x100];
	v39 =	vperm.xlane v52, v1;
	v42 =	vpop (erf)  }
0xf7: {  	v28 =	vadd.f32 v28, v53;
	v21 =	vadd.f32 v21, v54;
	v18 =	vld [tilespmem:s7+$0x50];
	[tilespmem:s9+$0xFFFFFFA0] =	vst v42  }
0xf8: {  	v20 =	vadd.f32 v20, v40;
	v29 =	vadd.f32 v52, v39;
	v56 =	vld [tilespmem:s8+$0xFFFFFF40]  }
0xf9: {  	v21 =	vsel vm0, v21, v28  }
0xfa: {  	v28 =	vperm.xlane v21, v2;
	v20 =	vsel vm0, v20, v29  }
0xfb: {  	v29 =	vperm.xlane v20, v2;
	v57 =	vbroadcast v42, $0x0;
	_ =	sdelay $0x1  }
0xfc: {  	v21 =	vadd.f32 v21, v28;
	v20 =	vadd.f32 v29, v20;
	v58 =	vmul.f32 v56, v57;
	_ =	sdelay $0x1  }
0xfd: {  	v20 =	vsel vm1, v20, v21;
	[tilespmem:s9+$0xFFFFFF60] =	vst v58  }
0xfe: {  	v21 =	vperm.xlane v20, v3;
	v28 =	vld [tilespmem:s8+$0xFFFFFF50];
	_ =	sdelay $0x1  }
0xff: {  	v20 =	vadd.f32 v20, v21  }
0x100: {  	v59 =	vbroadcast v42, $0x8  }
0x101: {  	v60 =	vperm.xlane v20, v4  }
0x102: {  	v21 =	vmul.f32 v28, v59  }
0x103: {  	v20 =	vadd.f32 v20, v60  }
0x104: {  	[tilespmem:s9+$0xFFFFFF70] =	vst v21  }
0x105: {  	v20 =	vadd.f32 v20, v51;
	v21 =	vld [tilespmem:s8+$0xFFFFFF60];
	_ =	sdelay $0x1  }
0x106: {  	v20 =	vmul.f32 $1.442695020e+00, v20  }
0x107: {  	v61 =	vbroadcast v42, $0x4  }
0x108: {  	(erf) = vpow2.f32 v20  }
0x109: {  	v62 =	vmul.f32 v21, v61;
	_ =	sdelay $0x1  }
0x10a: {  	v63 =	vmul.f32 v25, v37;
	v19 =	vmul.f32 v22, v19;
	[tilespmem:s9+$0xFFFFFF80] =	vst v62  }
0x10b: {  	v33 =	vmul.f32 v48, v41;
	v32 =	vmul.f32 v46, v50;
	v29 =	vld [tilespmem:s8+$0xFFFFFF70]  }
0x10c: {  	v23 =	vmul.f32 v23, v41;
	v26 =	vmul.f32 v26, v41  }
0x10d: {  	v34 =	vadd.f32 v32, v33;
	v18 =	vmul.f32 v18, v41;
	v28 =	vmul.f32 v38, v24  }
0x10e: {  	v19 =	vadd.f32 v19, v23;
	v35 =	vbroadcast v42, $0xC  }
0x10f: {  	v25 =	vperm.xlane v34, v1;
	v18 =	vadd.f32 v28, v18;
	v21 =	vadd.f32 v63, v26  }
0x110: {  	v39 =	vperm.xlane v19, v1;
	v38 =	vpop (erf);
	v22 =	vmul.f32 v29, v35  }
0x111: {  	v37 =	vperm.xlane v18, v1;
	v40 =	vperm.xlane v21, v1;
	[tilespmem:s9+$0xFFFFFFF0] =	vst v38  }
0x112: {  	v19 =	vadd.f32 v19, v39;
	v20 =	vadd.f32 v34, v25;
	[tilespmem:s9+$0xFFFFFF90] =	vst v22  }
0x113: {  	v18 =	vadd.f32 v18, v37;
	v21 =	vadd.f32 v21, v40;
	v22 =	vld [tilespmem:s8+$0xFFFFFFC0];
	_ =	sdelay $0x1  }
0x114: {  	v18 =	vsel vm0, v20, v18;
	v41 =	vbroadcast v38, $0x0;
	v19 =	vsel vm0, v21, v19  }
0x115: {  	v20 =	vperm.xlane v18, v2;
	v21 =	vperm.xlane v19, v2;
	_ =	sdelay $0x1  }
0x116: {  	v18 =	vadd.f32 v20, v18;
	v19 =	vadd.f32 v19, v21;
	v42 =	vmul.f32 v22, v41;
	_ =	sdelay $0x1  }
0x117: {  	v18 =	vsel vm1, v18, v19;
	[tilespmem:s9+$0xFFFFFFB0] =	vst v42  }
0x118: {  	v19 =	vperm.xlane v18, v3;
	v20 =	vld [tilespmem:s8+$0xFFFFFFD0];
	_ =	sdelay $0x1  }
0x119: {  	v18 =	vadd.f32 v18, v19  }
0x11a: {  	v43 =	vbroadcast v38, $0x8  }
0x11b: {  	v44 =	vperm.xlane v18, v4  }
0x11c: {  	v19 =	vmul.f32 v20, v43  }
0x11d: {  	v18 =	vadd.f32 v18, v44  }
0x11e: {  	[tilespmem:s9+$0xFFFFFFC0] =	vst v19  }
0x11f: {  	v17 =	vadd.f32 v18, v17;
	v45 =	vld [tilespmem:s8+$0xFFFFFFE0];
	_ =	sdelay $0x1  }
0x120: {  	v17 =	vmul.f32 $1.442695020e+00, v17  }
0x121: {  	v46 =	vbroadcast v38, $0x4  }
0x122: {  	(erf) = vpow2.f32 v17  }
0x123: {  	v47 =	vmul.f32 v45, v46;
	_ =	sdelay $0x1  }
0x124: {  	v6 =	vmul.f32 v6, v8;
	v8 =	vmul.f32 v9, v10;
	[tilespmem:s9+$0xFFFFFFD0] =	vst v47  }
0x125: {  	v49 =	vmul.f32 v12, v55;
	v48 =	vmul.f32 v11, v13;
	v50 =	vld [tilespmem:s8+$0xFFFFFFF0]  }
0x126: {  	v52 =	vmul.f32 v15, v55;
	v51 =	vmul.f32 v14, v16  }
0x127: {  	v7 =	vmul.f32 v7, v55;
	v9 =	vadd.f32 v48, v49;
	v53 =	vmul.f32 v30, v55  }
0x128: {  	v54 =	vadd.f32 v51, v52;
	v55 =	vbroadcast v38, $0xC  }
0x129: {  	v7 =	vadd.f32 v8, v7;
	v6 =	vadd.f32 v6, v53;
	v56 =	vperm.xlane v9, v1  }
0x12a: {  	v8 =	vperm.xlane v54, v1;
	v57 =	vpop (erf);
	v11 =	vmul.f32 v50, v55  }
0x12b: {  	v58 =	vperm.xlane v6, v1;
	v59 =	vperm.xlane v7, v1;
	[tilespmem:s9+$0x40] =	vst v57  }
0x12c: {  	v9 =	vadd.f32 v9, v56;
	v8 =	vadd.f32 v54, v8;
	[tilespmem:s9+$0xFFFFFFE0] =	vst v11  }
0x12d: {  	v6 =	vadd.f32 v6, v58;
	v7 =	vadd.f32 v7, v59;
	v60 =	vld [tilespmem:s8+$0x40]  }
0x12e: {  	v8 =	vsel vm0, v8, v9  }
0x12f: {  	v6 =	vsel vm0, v7, v6;
	v7 =	vperm.xlane v8, v2  }
0x130: {  	v61 =	vperm.xlane v6, v2;
	v62 =	vbroadcast v57, $0x0;
	_ =	sdelay $0x1  }
0x131: {  	v7 =	vadd.f32 v7, v8;
	v6 =	vadd.f32 v6, v61;
	v8 =	vmul.f32 v60, v62;
	_ =	sdelay $0x1  }
0x132: {  	v6 =	vsel vm1, v7, v6;
	[tilespmem:s9+$0x0] =	vst v8  }
0x133: {  	v7 =	vperm.xlane v6, v3;
	v8 =	vld [tilespmem:s8+$0x50];
	_ =	sdelay $0x1  }
0x134: {  	v6 =	vadd.f32 v6, v7  }
0x135: {  	v7 =	vbroadcast v57, $0x8  }
0x136: {  	v63 =	vperm.xlane v6, v4  }
0x137: {  	v7 =	vmul.f32 v8, v7  }
0x138: {  	v6 =	vadd.f32 v6, v63  }
0x139: {  	[tilespmem:s9+$0x10] =	vst v7  }
0x13a: {  	v5 =	vadd.f32 v6, v5;
	v6 =	vld [tilespmem:s8+$0x60];
	_ =	sdelay $0x1  }
0x13b: {  	v5 =	vmul.f32 $1.442695020e+00, v5  }
0x13c: {  	v7 =	vbroadcast v57, $0x4  }
0x13d: {  	(erf) = vpow2.f32 v5  }
0x13e: {  	v5 =	vmul.f32 v6, v7;
	_ =	sdelay $0x1  }
0x13f: {  	[tilespmem:s9+$0x20] =	vst v5  }
0x140: {  	v5 =	vld [tilespmem:s8+$0x70];
	_ =	sdelay $0x2  }
0x141: {  	v6 =	vbroadcast v57, $0xC;
	_ =	sdelay $0x1  }
0x142: {  	v7 =	vpop (erf);
	v5 =	vmul.f32 v5, v6  }
0x143: {  	[tilespmem:s9+$0x90] =	vst v7  }
0x144: {  	[tilespmem:s9+$0x30] =	vst v5  }
0x145: {  	v5 =	vld [tilespmem:s8+$0xC0];
	_ =	sdelay $0x2  }
0x146: {  	v6 =	vbroadcast v7, $0x0;
	_ =	sdelay $0x1  }
0x147: {  	v5 =	vmul.f32 v5, v6;
	_ =	sdelay $0x1  }
0x148: {  	[tilespmem:s9+$0x50] =	vst v5  }
0x149: {  	v5 =	vld [tilespmem:s8+$0xD0];
	_ =	sdelay $0x2  }
0x14a: {  	v6 =	vbroadcast v7, $0x8;
	_ =	sdelay $0x1  }
0x14b: {  	v5 =	vmul.f32 v5, v6;
	_ =	sdelay $0x1  }
0x14c: {  	[tilespmem:s9+$0x60] =	vst v5  }
0x14d: {  	v5 =	vld [tilespmem:s8+$0xE0];
	_ =	sdelay $0x2  }
0x14e: {  	v6 =	vbroadcast v7, $0x4;
	_ =	sdelay $0x1  }
0x14f: {  	v5 =	vmul.f32 v5, v6;
	_ =	sdelay $0x1  }
0x150: {  	[tilespmem:s9+$0x70] =	vst v5  }
0x151: {  	v5 =	vld [tilespmem:s8+$0xF0];
	_ =	sdelay $0x2  }
0x152: {  	s0 =	simm.s32 $0xB7C0;
	s24 =	simm.s32 $0x1C0;
	v6 =	vbroadcast v7, $0xC  }
.LBB2_3:
0x153: {  	_ = 	snop  }
0x154: {  	s9 =	sadd.s32 $0x140, s9;
	s7 =	sadd.s32 $0x240, s7;
	s8 =	sadd.s32 $0x200, s8;
	v5 =	vmul.f32 v5, v6  }
0x155: {  	p1 =	sne.s32 s24, $0x13C0;
	s1 =	smov.u32 s24;
	s24 =	sadd.s32 $0x100, s24  }
0x156: {  	[tilespmem:s0+$0x80] =	vst v5;
	s0 =	smov.u32 s9  }
0x157: {  	v5 =	vld [tilespmem:s7+$0x110]  }
0x158: {  	v6 =	vld [tilespmem:s8+$0xB0]  }
0x159: {  	v7 =	vld [tilespmem:s8+$0xFFFFFF10]  }
0x15a: {  	v8 =	vld [tilespmem:s7+$0xFFFFFF30]  }
0x15b: {  	v9 =	vld [tilespmem:s8+$0xFFFFFF30]  }
0x15c: {  	v11 =	vld [tilespmem:s7+$0xFFFFFF50]  }
0x15d: {  	v10 =	vld [tilespmem:s7+$0xFFFFFF10]  }
0x15e: {  	v12 =	vld [tilespmem:s8+$0xFFFFFF20]  }
0x15f: {  	v13 =	vld [tilespmem:s7+$0xFFFFFF40]  }
0x160: {  	v14 =	vld [tilespmem:s7+$0xFFFFFF00]  }
0x161: {  	v15 =	vld [tilespmem:s8+$0xFFFFFF00]  }
0x162: {  	v16 =	vld [tilespmem:s7+$0xFFFFFF20];
	v9 =	vmul.f32 v9, v10  }
0x163: {  	s1 =	sshra.s32 s1, $0x2;
	v10 =	vld [tilespmem:s7+$0xFFFFFEE0]  }
0x164: {  	v17 =	vld [tilespmem:s1+$0x2F0]  }
0x165: {  	v18 =	vld [tilespmem:s7+$0xFFFFFEF0];
	v12 =	vmul.f32 v12, v14  }
0x166: {  	v14 =	vld [tilespmem:s7+$0xC0]  }
0x167: {  	v19 =	vld [tilespmem:s8+$0xA0]  }
0x168: {  	v15 =	vmul.f32 v15, v10;
	v10 =	vld [tilespmem:s7+$0xF0]  }
0x169: {  	v16 =	vmul.f32 v16, v17;
	v20 =	vmul.f32 v11, v17;
	v21 =	vld [tilespmem:s7+$0xB0]  }
0x16a: {  	v13 =	vmul.f32 v13, v17;
	v7 =	vmul.f32 v7, v18;
	v11 =	vld [tilespmem:s8+$0x90]  }
0x16b: {  	v15 =	vadd.f32 v15, v16;
	v16 =	vmul.f32 v8, v17;
	v17 =	vadd.f32 v9, v20;
	v9 =	vld [tilespmem:s7+$0xE0]  }
0x16c: {  	v18 =	vadd.f32 v12, v13;
	v8 =	vmul.f32 v6, v14;
	v13 =	vld [tilespmem:s7+$0xA0]  }
0x16d: {  	v6 =	vperm.xlane v15, v1;
	v14 =	vadd.f32 v7, v16;
	v16 =	vperm.xlane v17, v1;
	v20 =	vld [tilespmem:s8+$0x80]  }
0x16e: {  	v22 =	vperm.xlane v18, v1;
	v12 =	vld [tilespmem:s7+$0xD0];
	v7 =	vmul.f32 v19, v21  }
0x16f: {  	v15 =	vadd.f32 v15, v6;
	v19 =	vperm.xlane v14, v1;
	v16 =	vadd.f32 v17, v16;
	v17 =	vld [tilespmem:s7+$0x90]  }
0x170: {  	v18 =	vadd.f32 v18, v22;
	v6 =	vld [tilespmem:s7+$0x80]  }
0x171: {  	v14 =	vadd.f32 v14, v19;
	v19 =	vld [tilespmem:s8+$0x30]  }
0x172: {  	v16 =	vsel vm0, v18, v16;
	v18 =	vld [tilespmem:s7+$0x70]  }
0x173: {  	v14 =	vsel vm0, v15, v14;
	v15 =	vperm.xlane v16, v2;
	v21 =	vld [tilespmem:s7+$0x30]  }
0x174: {  	v22 =	vperm.xlane v14, v2;
	v23 =	vld [tilespmem:s8+$0x20];
	v17 =	vmul.f32 v20, v17  }
0x175: {  	v15 =	vadd.f32 v16, v15;
	v16 =	vld [tilespmem:s7+$0x60]  }
0x176: {  	v14 =	vadd.f32 v22, v14;
	v20 =	vld [tilespmem:s8+$0xFFFFFFA0]  }
0x177: {  	v22 =	vld [tilespmem:s7+$0xFFFFFF90]  }
0x178: {  	v14 =	vsel vm1, v14, v15;
	v15 =	vld [tilespmem:s7+$0xFFFFFFB0];
	v19 =	vmul.f32 v19, v21  }
0x179: {  	v21 =	vperm.xlane v14, v3;
	v24 =	vld [tilespmem:s8+$0xFFFFFFB0]  }
0x17a: {  	v25 =	vld [tilespmem:s7+$0xFFFFFFA0]  }
0x17b: {  	v14 =	vadd.f32 v14, v21;
	v21 =	vld [tilespmem:s7+$0xFFFFFFD0]  }
0x17c: {  	v26 =	vld [tilespmem:s7+$0xFFFFFF60]  }
0x17d: {  	v27 =	vperm.xlane v14, v4;
	v28 =	vld [tilespmem:s8+$0xFFFFFF90]  }
0x17e: {  	v29 =	vld [tilespmem:s7+$0xFFFFFFC0]  }
0x17f: {  	v14 =	vadd.f32 v14, v27;
	v27 =	vld [tilespmem:s7+$0xFFFFFFE0];
	v24 =	vmul.f32 v24, v25  }
0x180: {  	v25 =	vld [tilespmem:s1+$0x300]  }
0x181: {  	v14 =	vadd.f32 v14, v26;
	v26 =	vld [tilespmem:s7+$0xFFFFFF80]  }
0x182: {  	v30 =	vld [tilespmem:s7+$0xFFFFFF70]  }
0x183: {  	v14 =	vmul.f32 $1.442695020e+00, v14;
	v31 =	vld [tilespmem:s8+$0xFFFFFF80]  }
0x184: {  	v20 =	vmul.f32 v20, v22;
	v22 =	vld [tilespmem:s7+$0x20]  }
0x185: {  	v27 =	vmul.f32 v27, v25;
	v32 =	vld [tilespmem:s8+$0x10];
	(erf) = vpow2.f32 v14  }
0x186: {  	v14 =	vmul.f32 v28, v26;
	v26 =	vmul.f32 v29, v25;
	v28 =	vld [tilespmem:s7+$0x50]  }
0x187: {  	v15 =	vmul.f32 v15, v25;
	v21 =	vmul.f32 v21, v25;
	v25 =	vld [tilespmem:s7+$0x10]  }
0x188: {  	v24 =	vadd.f32 v24, v27;
	v29 =	vmul.f32 v31, v30;
	v14 =	vadd.f32 v14, v26;
	v26 =	vld [tilespmem:s8+$0x0]  }
0x189: {  	v20 =	vadd.f32 v20, v21;
	v21 =	vld [tilespmem:s7+$0x40];
	v22 =	vmul.f32 v23, v22  }
0x18a: {  	v27 =	vperm.xlane v24, v1;
	v15 =	vadd.f32 v29, v15;
	v23 =	vperm.xlane v14, v1;
	v29 =	vld [tilespmem:s7+$0x0]  }
0x18b: {  	v30 =	vperm.xlane v20, v1;
	v31 =	vld [tilespmem:s7+$0xFFFFFFF0]  }
0x18c: {  	v33 =	vperm.xlane v15, v1;
	v14 =	vadd.f32 v14, v23;
	v23 =	vadd.f32 v24, v27;
	v24 =	vld [tilespmem:s7+$0x100]  }
0x18d: {  	v20 =	vadd.f32 v20, v30;
	v25 =	vmul.f32 v32, v25;
	v27 =	vld [tilespmem:s1+$0x320]  }
0x18e: {  	v15 =	vadd.f32 v15, v33;
	v30 =	vld [tilespmem:s1+$0x310];
	v32 =	vpop (erf)  }
0x18f: {  	v20 =	vsel vm0, v20, v23;
	v23 =	vmul.f32 v26, v29;
	[tilespmem:s9+$0xFFFFFFA0] =	vst v32  }
0x190: {  	v14 =	vsel vm0, v15, v14;
	v15 =	vperm.xlane v20, v2;
	v26 =	vld [tilespmem:s8+$0xFFFFFF40]  }
0x191: {  	v11 =	vmul.f32 v11, v13;
	v29 =	vperm.xlane v14, v2  }
0x192: {  	v13 =	vadd.f32 v20, v15;
	v15 =	vmul.f32 v24, v27;
	v20 =	vbroadcast v32, $0x0  }
0x193: {  	v10 =	vmul.f32 v10, v27;
	v14 =	vadd.f32 v29, v14;
	v21 =	vmul.f32 v21, v30  }
0x194: {  	v12 =	vmul.f32 v12, v27;
	v18 =	vmul.f32 v18, v30  }
0x195: {  	v13 =	vsel vm1, v14, v13;
	v14 =	vmul.f32 v28, v30;
	v20 =	vmul.f32 v26, v20  }
0x196: {  	v16 =	vmul.f32 v16, v30;
	v18 =	vadd.f32 v19, v18;
	v24 =	vperm.xlane v13, v3  }
0x197: {  	v9 =	vmul.f32 v9, v27;
	v12 =	vadd.f32 v17, v12;
	v14 =	vadd.f32 v25, v14;
	[tilespmem:s9+$0xFFFFFF60] =	vst v20  }
0x198: {  	v17 =	vadd.f32 v23, v21;
	v19 =	vperm.xlane v18, v1;
	v13 =	vadd.f32 v13, v24;
	v20 =	vld [tilespmem:s8+$0xFFFFFF50]  }
0x199: {  	v9 =	vadd.f32 v11, v9;
	v8 =	vadd.f32 v8, v15;
	v21 =	vperm.xlane v14, v1  }
0x19a: {  	v15 =	vadd.f32 v22, v16;
	v16 =	vbroadcast v32, $0x8;
	v11 =	vperm.xlane v13, v4  }
0x19b: {  	v22 =	vperm.xlane v8, v1;
	v18 =	vadd.f32 v18, v19;
	v19 =	vperm.xlane v9, v1  }
0x19c: {  	v7 =	vadd.f32 v7, v10;
	v11 =	vadd.f32 v13, v11;
	v13 =	vperm.xlane v17, v1  }
0x19d: {  	v10 =	vadd.f32 v14, v21;
	v14 =	vperm.xlane v15, v1;
	v16 =	vmul.f32 v20, v16  }
0x19e: {  	v11 =	vadd.f32 v11, v31;
	v13 =	vadd.f32 v17, v13;
	v17 =	vperm.xlane v12, v1  }
0x19f: {  	v9 =	vadd.f32 v9, v19;
	v14 =	vadd.f32 v15, v14;
	v15 =	vperm.xlane v7, v1;
	[tilespmem:s9+$0xFFFFFF70] =	vst v16  }
0x1a0: {  	v11 =	vmul.f32 $1.442695020e+00, v11;
	v10 =	vsel vm0, v13, v10;
	v13 =	vld [tilespmem:s8+$0xFFFFFF60]  }
0x1a1: {  	v14 =	vsel vm0, v14, v18;
	v7 =	vadd.f32 v7, v15;
	v12 =	vadd.f32 v12, v17  }
0x1a2: {  	v15 =	vbroadcast v32, $0x4;
	(erf) = vpow2.f32 v11  }
0x1a3: {  	v8 =	vadd.f32 v8, v22;
	v16 =	vperm.xlane v14, v2;
	v11 =	vperm.xlane v10, v2  }
0x1a4: {  	v9 =	vsel vm0, v12, v9  }
0x1a5: {  	v7 =	vsel vm0, v7, v8;
	v12 =	vadd.f32 v14, v16;
	v8 =	vmul.f32 v13, v15  }
0x1a6: {  	v10 =	vadd.f32 v11, v10;
	v11 =	vperm.xlane v9, v2;
	v13 =	vperm.xlane v7, v2  }
0x1a7: {  	[tilespmem:s9+$0xFFFFFF80] =	vst v8  }
0x1a8: {  	v9 =	vadd.f32 v11, v9;
	v8 =	vsel vm1, v10, v12;
	v7 =	vadd.f32 v7, v13;
	v10 =	vld [tilespmem:s8+$0xFFFFFF70]  }
0x1a9: {  	v11 =	vperm.xlane v8, v3  }
0x1aa: {  	v7 =	vsel vm1, v9, v7;
	v9 =	vbroadcast v32, $0xC  }
0x1ab: {  	v8 =	vadd.f32 v8, v11;
	v11 =	vperm.xlane v7, v3;
	v12 =	vpop (erf)  }
0x1ac: {  	[tilespmem:s9+$0xFFFFFFF0] =	vst v12  }
0x1ad: {  	v13 =	vperm.xlane v8, v4;
	v7 =	vadd.f32 v7, v11;
	v9 =	vmul.f32 v10, v9;
	_ =	sdelay $0x1  }
0x1ae: {  	v8 =	vadd.f32 v8, v13;
	v10 =	vperm.xlane v7, v4;
	[tilespmem:s9+$0xFFFFFF90] =	vst v9  }
0x1af: {  	v9 =	vld [tilespmem:s8+$0xFFFFFFC0]  }
0x1b0: {  	v6 =	vadd.f32 v8, v6;
	v7 =	vadd.f32 v7, v10;
	_ =	sdelay $0x1  }
0x1b1: {  	v6 =	vmul.f32 $1.442695020e+00, v6;
	v5 =	vadd.f32 v7, v5;
	v7 =	vbroadcast v12, $0x0;
	_ =	sdelay $0x1  }
0x1b2: {  	v5 =	vmul.f32 $1.442695020e+00, v5;
	v7 =	vmul.f32 v9, v7;
	_ =	sdelay $0x1  }
0x1b3: {  	[tilespmem:s9+$0xFFFFFFB0] =	vst v7  }
0x1b4: {  	v7 =	vld [tilespmem:s8+$0xFFFFFFD0];
	_ =	sdelay $0x2  }
0x1b5: {  	v8 =	vbroadcast v12, $0x8;
	_ =	sdelay $0x1  }
0x1b6: {  	v7 =	vmul.f32 v7, v8;
	_ =	sdelay $0x1  }
0x1b7: {  	[tilespmem:s9+$0xFFFFFFC0] =	vst v7;
	(erf) = vpow2.f32 v6  }
0x1b8: {  	v6 =	vld [tilespmem:s8+$0xFFFFFFE0];
	_ =	sdelay $0x2  }
0x1b9: {  	v7 =	vbroadcast v12, $0x4;
	_ =	sdelay $0x1  }
0x1ba: {  	v6 =	vmul.f32 v6, v7;
	_ =	sdelay $0x1  }
0x1bb: {  	[tilespmem:s9+$0xFFFFFFD0] =	vst v6  }
0x1bc: {  	v6 =	vld [tilespmem:s8+$0xFFFFFFF0];
	v7 =	vpop (erf)  }
0x1bd: {  	[tilespmem:s9+$0x40] =	vst v7;
	_ =	sdelay $0x1  }
0x1be: {  	v8 =	vbroadcast v12, $0xC;
	_ =	sdelay $0x1  }
0x1bf: {  	v6 =	vmul.f32 v6, v8;
	_ =	sdelay $0x1  }
0x1c0: {  	[tilespmem:s9+$0xFFFFFFE0] =	vst v6  }
0x1c1: {  	v6 =	vld [tilespmem:s8+$0x40];
	_ =	sdelay $0x2  }
0x1c2: {  	v8 =	vbroadcast v7, $0x0;
	_ =	sdelay $0x1  }
0x1c3: {  	v6 =	vmul.f32 v6, v8;
	_ =	sdelay $0x1  }
0x1c4: {  	[tilespmem:s9+$0x0] =	vst v6  }
0x1c5: {  	v6 =	vld [tilespmem:s8+$0x50];
	_ =	sdelay $0x2  }
0x1c6: {  	v8 =	vbroadcast v7, $0x8;
	_ =	sdelay $0x1  }
0x1c7: {  	v6 =	vmul.f32 v6, v8;
	_ =	sdelay $0x1  }
0x1c8: {  	[tilespmem:s9+$0x10] =	vst v6;
	(erf) = vpow2.f32 v5  }
0x1c9: {  	v5 =	vld [tilespmem:s8+$0x60];
	_ =	sdelay $0x2  }
0x1ca: {  	v6 =	vbroadcast v7, $0x4;
	_ =	sdelay $0x1  }
0x1cb: {  	v5 =	vmul.f32 v5, v6;
	_ =	sdelay $0x1  }
0x1cc: {  	[tilespmem:s9+$0x20] =	vst v5  }
0x1cd: {  	v5 =	vld [tilespmem:s8+$0x70];
	v6 =	vpop (erf)  }
0x1ce: {  	[tilespmem:s9+$0x90] =	vst v6;
	_ =	sdelay $0x1  }
0x1cf: {  	v7 =	vbroadcast v7, $0xC;
	_ =	sdelay $0x1  }
0x1d0: {  	v5 =	vmul.f32 v5, v7;
	_ =	sdelay $0x1  }
0x1d1: {  	[tilespmem:s9+$0x30] =	vst v5  }
0x1d2: {  	v5 =	vld [tilespmem:s8+$0xC0];
	_ =	sdelay $0x2  }
0x1d3: {  	v7 =	vbroadcast v6, $0x0;
	_ =	sdelay $0x1  }
0x1d4: {  	v5 =	vmul.f32 v5, v7;
	_ =	sdelay $0x1  }
0x1d5: {  	[tilespmem:s9+$0x50] =	vst v5  }
0x1d6: {  	v5 =	vld [tilespmem:s8+$0xD0];
	_ =	sdelay $0x2  }
0x1d7: {  	v7 =	vbroadcast v6, $0x8;
	_ =	sdelay $0x1  }
0x1d8: {  	v5 =	vmul.f32 v5, v7;
	_ =	sdelay $0x1  }
0x1d9: {  	[tilespmem:s9+$0x60] =	vst v5  }
0x1da: {  	v5 =	vld [tilespmem:s8+$0xE0];
	_ =	sdelay $0x2  }
0x1db: {  	v7 =	vbroadcast v6, $0x4;
	_ =	sdelay $0x1  }
0x1dc: {  	v5 =	vmul.f32 v5, v7;
	_ =	sdelay $0x1  }
.Ltmp0:
0x1dd: {  	[tilespmem:s9+$0x70] =	vst v5;
	(pc) =	sbr.rel @p1 .LBB2_3-.Ltmp0, $2  }
0x1de: {  	v5 =	vld [tilespmem:s8+$0xF0];
	_ =	sdelay $0x2  }
0x1df: {  	v6 =	vbroadcast v6, $0xC  }
0x1e0: {  	_ = 	snop  }
0x1e1: {  	v5 =	vmul.f32 v5, v6;
	_ =	sdelay $0x1  }
0x1e2: {  	s9 =	simm.s32 $0x140;
	[tilespmem:s0+$0x80] =	vst v5  }
0x1e3: {  	[spmem:s12] =	stream.indirect.scatter.add.f32 [tilespmem:s25], [sflag:$0xC], $0x50, s9, s2, $0xb8;
	[tilespmem:$0x19820] =	vst v63  }
0x1e4: {  	_ =	swait.ge [sflag:s26], $0x1900  }
0x1e5: {  	[sflag:s26] =	ssyncset.done $0x0  }
0x1e6: {  	s0 =	simm.s32 @!p0 $0x7;
	[sflag:s26] =	ssyncadd.s32 $0xFFFFE700  }
0x1e7: {  	_ =	swait.ge @!p0 [sflag:s0], $0x50  }
0x1e8: {  	[sflag:s0] =	ssyncset.done @!p0 $0x0  }
0x1e9: {  	[sflag:s0] =	ssyncadd.s32 @!p0 $0xFFFFFFB0;
	s0 =	simm.s32 @!p0 $0x9  }
0x1ea: {  	_ =	swait.ge @!p0 [sflag:s0], $0x50  }
0x1eb: {  	[sflag:s0] =	ssyncset.done @!p0 $0x0  }
0x1ec: {  	[sflag:s0] =	ssyncadd.s32 @!p0 $0xFFFFFFB0  }
0x1ed: {  	v5 =	vld @!p0 [tilespmem:$0xA0]  }
0x1ee: {  	v6 =	vld @!p0 [tilespmem:$0x0];
	_ =	sdelay $0x1  }
0x1ef: {  	v7 =	vld @!p0 [tilespmem:$0xB0]  }
0x1f0: {  	v8 =	vld @!p0 [tilespmem:$0x10]  }
0x1f1: {  	[tilespmem:$0x140] =	vst @!p0 v5;
	v5 =	vadd.s32 @!p0 v0, v5  }
0x1f2: {  	[tilespmem:$0x1E0] =	vst @!p0 v5;
	v5 =	vadd.s32 @!p0 v0, v6;
	v6 =	vld @!p0 [tilespmem:$0xC0]  }
0x1f3: {  	[tilespmem:$0x280] =	vst @!p0 v5;
	v5 =	vld @!p0 [tilespmem:$0x20]  }
0x1f4: {  	[tilespmem:$0x150] =	vst @!p0 v7;
	v7 =	vadd.s32 @!p0 v0, v7  }
0x1f5: {  	[tilespmem:$0x1F0] =	vst @!p0 v7;
	v7 =	vadd.s32 @!p0 v0, v8;
	v8 =	vld @!p0 [tilespmem:$0xD0]  }
0x1f6: {  	[tilespmem:$0x290] =	vst @!p0 v7;
	v7 =	vld @!p0 [tilespmem:$0x30]  }
0x1f7: {  	[tilespmem:$0x160] =	vst @!p0 v6;
	v6 =	vadd.s32 @!p0 v0, v6  }
0x1f8: {  	[tilespmem:$0x200] =	vst @!p0 v6;
	v5 =	vadd.s32 @!p0 v0, v5;
	v6 =	vld @!p0 [tilespmem:$0xE0]  }
0x1f9: {  	[tilespmem:$0x2A0] =	vst @!p0 v5;
	v5 =	vld @!p0 [tilespmem:$0x40]  }
0x1fa: {  	[tilespmem:$0x170] =	vst @!p0 v8;
	v8 =	vadd.s32 @!p0 v0, v8  }
0x1fb: {  	[tilespmem:$0x210] =	vst @!p0 v8;
	v7 =	vadd.s32 @!p0 v0, v7  }
0x1fc: {  	[tilespmem:$0x2B0] =	vst @!p0 v7  }
0x1fd: {  	[tilespmem:$0x180] =	vst @!p0 v6;
	v6 =	vadd.s32 @!p0 v0, v6  }
0x1fe: {  	[tilespmem:$0x220] =	vst @!p0 v6;
	v5 =	vadd.s32 @!p0 v0, v5  }
0x1ff: {  	s1 =	simm.s32 @!p0 $0x1E0;
	s7 =	simm.s32 @!p0 $0xD20;
	s0 =	simm.s32 @!p0 $0x50;
	[tilespmem:$0x2C0] =	vst @!p0 v5  }
0x200: {  	[tilespmem:s7], [sflag:$0x1] =	stream.indirect.gather @!p0 [hbm4b:s15+s0], $0x90, s1, s0, $0xb8;
	[tilespmem:$0x19820] =	vst v63  }
0x201: {  	s1 =	simm.s32 @!p0 $0x280;
	s7 =	simm.s32 @!p0 $0x6720  }
0x202: {  	[tilespmem:s7], [sflag:$0x3] =	stream.indirect.gather @!p0 [hbm4b:s16+s0], $0x80, s1, s0, $0xb8;
	[tilespmem:$0x19820] =	vst v63  }
0x203: {  	s1 =	sshll.u32 @!p0 s6, $0x1  }
0x204: {  	s6 =	simm.s32 @!p0 $0x0;
	s7 =	simm.s32 @!p0 $0x320;
	s1 =	sadd.s32 @!p0 s19, s1  }
0x205: {  	[tilespmem:s7], [sflag:$0x5] =	stream.linear.gather @!p0 [hbm4b:s1+s6], $0x500, $0x38;
	[tilespmem:$0x19820] =	vst v63  }
0x206: {  	s1 =	sadd.s32 @!p0 s5, s30  }
0x207: {  	s1 =	sshrl.u32 @!p0 s1, $0x3  }
0x208: {  	s7 =	simm.s32 @!p0 $0xF0;
	s5 =	sadd.s32 @!p0 s10, s1  }
0x209: {  	[tilespmem:s7], [sflag:$0x8] =	stream.linear.gather @!p0 [hbm4b:s5+s6], $0x50, $0x38;
	[tilespmem:$0x19820] =	vst v63  }
0x20a: {  	s1 =	sadd.s32 @!p0 s17, s1  }
0x20b: {  	[tilespmem:s0], [sflag:$0xA] =	stream.linear.gather @!p0 [hbm4b:s1+s6], $0x50, $0x38;
	[tilespmem:$0x19820] =	vst v63  }
0x20c: {  	_ =	swait.ge [sflag:s28], $0x2D00  }
0x20d: {  	[sflag:s28] =	ssyncset.done $0x0  }
0x20e: {  	[sflag:s28] =	ssyncadd.s32 $0xFFFFD300  }
0x20f: {  	_ =	swait.ge [sflag:s29], $0x2800  }
0x210: {  	[sflag:s29] =	ssyncset.done $0x0  }
0x211: {  	[sflag:s29] =	ssyncadd.s32 $0xFFFFD800  }
0x212: {  	_ =	swait.ge [sflag:s11], $0x500  }
0x213: {  	[sflag:s11] =	ssyncset.done $0x0  }
0x214: {  	s5 =	simm.s32 $0x3B40;
	[sflag:s11] =	ssyncadd.s32 $0xFFFFFB00  }
0x215: {  	s6 =	simm.s32 $0x9020;
	v5 =	vld [tilespmem:s5+$0x110]  }
0x216: {  	v6 =	vld [tilespmem:s6+$0xB0]  }
0x217: {  	v11 =	vld [tilespmem:s6+$0xFFFFFF10]  }
0x218: {  	v12 =	vld [tilespmem:s5+$0xFFFFFF30]  }
0x219: {  	v7 =	vld [tilespmem:s6+$0xFFFFFF30]  }
0x21a: {  	v13 =	vld [tilespmem:s5+$0xFFFFFF50]  }
0x21b: {  	v10 =	vld [tilespmem:s5+$0xFFFFFF10]  }
0x21c: {  	v14 =	vld [tilespmem:s6+$0xFFFFFF20]  }
0x21d: {  	v16 =	vld [tilespmem:s5+$0xFFFFFF00]  }
0x21e: {  	v17 =	vld [tilespmem:s6+$0xFFFFFF00]  }
0x21f: {  	v18 =	vld [tilespmem:s5+$0xFFFFFF20]  }
0x220: {  	s24 =	simm.s32 $0x30;
	v19 =	vld [tilespmem:s5+$0xFFFFFEE0]  }
0x221: {  	v20 =	vld [tilespmem:s24+$0x7F0]  }
0x222: {  	v21 =	vld [tilespmem:s5+$0xFFFFFEF0]  }
0x223: {  	v15 =	vld [tilespmem:s5+$0xFFFFFF40]  }
0x224: {  	v8 =	vld [tilespmem:s5+$0xC0]  }
0x225: {  	v9 =	vld [tilespmem:s6+$0xA0];
	v22 =	vmul.f32 v7, v10;
	v14 =	vmul.f32 v14, v16  }
0x226: {  	v25 =	vld [tilespmem:s6+$0x20];
	v55 =	vmul.f32 v17, v19;
	v56 =	vmul.f32 v18, v20  }
0x227: {  	v26 =	vld [tilespmem:s5+$0x60];
	v13 =	vmul.f32 v13, v20;
	v57 =	vmul.f32 v11, v21  }
0x228: {  	v63 =	vld [tilespmem:s6+$0xFFFFFFA0];
	v15 =	vmul.f32 v15, v20;
	v58 =	vmul.f32 v12, v20  }
0x229: {  	v40 =	vld [tilespmem:s5+$0xFFFFFF90];
	v17 =	vadd.f32 v55, v56;
	v59 =	vadd.f32 v22, v13  }
0x22a: {  	v41 =	vld [tilespmem:s5+$0xFFFFFFB0];
	v60 =	vadd.f32 v14, v15;
	v18 =	vadd.f32 v57, v58  }
0x22b: {  	v28 =	vld [tilespmem:s6+$0xFFFFFFB0];
	v61 =	vperm.xlane v17, v1;
	v22 =	vperm.xlane v59, v1  }
0x22c: {  	v29 =	vld [tilespmem:s5+$0xFFFFFFA0];
	v23 =	vperm.xlane v60, v1;
	v24 =	vperm.xlane v18, v1  }
0x22d: {  	v42 =	vld [tilespmem:s5+$0xFFFFFFD0];
	v19 =	vadd.f32 v17, v61;
	v20 =	vadd.f32 v59, v22  }
0x22e: {  	v30 =	vld [tilespmem:s5+$0xFFFFFF60];
	v21 =	vadd.f32 v60, v23;
	v18 =	vadd.f32 v18, v24  }
0x22f: {  	v32 =	vld [tilespmem:s6+$0xFFFFFF90]  }
0x230: {  	v33 =	vld [tilespmem:s5+$0xFFFFFFC0];
	v20 =	vsel vm0, v21, v20;
	v18 =	vsel vm0, v19, v18  }
0x231: {  	v43 =	vld [tilespmem:s5+$0xFFFFFFE0];
	v21 =	vperm.xlane v20, v2;
	v62 =	vperm.xlane v18, v2  }
0x232: {  	v34 =	vld [tilespmem:s24+$0x800]  }
0x233: {  	v44 =	vld [tilespmem:s5+$0xFFFFFF80];
	v20 =	vadd.f32 v20, v21;
	v18 =	vadd.f32 v62, v18  }
0x234: {  	v35 =	vld [tilespmem:s5+$0xFFFFFF70]  }
0x235: {  	v36 =	vld [tilespmem:s6+$0xFFFFFF80];
	v18 =	vsel vm1, v18, v20  }
0x236: {  	v37 =	vld [tilespmem:s5+$0x20];
	v27 =	vperm.xlane v18, v3  }
0x237: {  	v38 =	vld [tilespmem:s6+$0x10]  }
0x238: {  	v46 =	vld [tilespmem:s6+$0x0];
	v18 =	vadd.f32 v18, v27  }
0x239: {  	v48 =	vld [tilespmem:s5+$0x40]  }
0x23a: {  	v50 =	vld [tilespmem:s5+$0x0];
	v31 =	vperm.xlane v18, v4  }
0x23b: {  	v51 =	vld [tilespmem:s5+$0xFFFFFFF0]  }
0x23c: {  	v7 =	vld [tilespmem:s5+$0xF0];
	v18 =	vadd.f32 v18, v31  }
0x23d: {  	v10 =	vld [tilespmem:s5+$0xB0]  }
0x23e: {  	v11 =	vld [tilespmem:s6+$0x90];
	v18 =	vadd.f32 v18, v30  }
0x23f: {  	v12 =	vld [tilespmem:s5+$0xE0]  }
0x240: {  	v16 =	vld [tilespmem:s5+$0x90];
	v18 =	vmul.f32 $1.442695020e+00, v18  }
0x241: {  	v13 =	vld [tilespmem:s5+$0xA0]  }
0x242: {  	v14 =	vld [tilespmem:s6+$0x80];
	(erf) = vpow2.f32 v18  }
0x243: {  	v15 =	vld [tilespmem:s5+$0xD0]  }
0x244: {  	v28 =	vmul.f32 v28, v29;
	v45 =	vmul.f32 v43, v34;
	v55 =	vld [tilespmem:s24+$0x820]  }
0x245: {  	v47 =	vmul.f32 v33, v34;
	v49 =	vmul.f32 v36, v35;
	v17 =	vld [tilespmem:s5+$0x80]  }
0x246: {  	v22 =	vld [tilespmem:s6+$0x30];
	v21 =	vmul.f32 v63, v40;
	v27 =	vmul.f32 v42, v34  }
0x247: {  	v23 =	vld [tilespmem:s5+$0x70];
	v20 =	vmul.f32 v41, v34;
	v30 =	vmul.f32 v32, v44  }
0x248: {  	v28 =	vadd.f32 v28, v45;
	v24 =	vld [tilespmem:s5+$0x10];
	v21 =	vadd.f32 v21, v27  }
0x249: {  	v19 =	vld [tilespmem:s5+$0x30];
	v20 =	vadd.f32 v49, v20;
	v52 =	vadd.f32 v30, v47  }
0x24a: {  	v53 =	vperm.xlane v28, v1;
	v41 =	vld [tilespmem:s24+$0x810];
	v54 =	vperm.xlane v21, v1  }
0x24b: {  	s7 =	simm.s32 $0xB7C0;
	v40 =	vperm.xlane v20, v1;
	v30 =	vld [tilespmem:s5+$0x100];
	v39 =	vperm.xlane v52, v1;
	v42 =	vpop (erf)  }
0x24c: {  	v28 =	vadd.f32 v28, v53;
	v21 =	vadd.f32 v21, v54;
	v18 =	vld [tilespmem:s5+$0x50];
	[tilespmem:s7+$0xFFFFFFA0] =	vst v42  }
0x24d: {  	v20 =	vadd.f32 v20, v40;
	v29 =	vadd.f32 v52, v39;
	v56 =	vld [tilespmem:s6+$0xFFFFFF40]  }
0x24e: {  	v21 =	vsel vm0, v21, v28  }
0x24f: {  	v28 =	vperm.xlane v21, v2;
	v20 =	vsel vm0, v20, v29  }
0x250: {  	v29 =	vperm.xlane v20, v2;
	v57 =	vbroadcast v42, $0x0;
	_ =	sdelay $0x1  }
0x251: {  	v21 =	vadd.f32 v21, v28;
	v20 =	vadd.f32 v29, v20;
	v58 =	vmul.f32 v56, v57;
	_ =	sdelay $0x1  }
0x252: {  	v20 =	vsel vm1, v20, v21;
	[tilespmem:s7+$0xFFFFFF60] =	vst v58  }
0x253: {  	v21 =	vperm.xlane v20, v3;
	v28 =	vld [tilespmem:s6+$0xFFFFFF50];
	_ =	sdelay $0x1  }
0x254: {  	v20 =	vadd.f32 v20, v21  }
0x255: {  	v59 =	vbroadcast v42, $0x8  }
0x256: {  	v60 =	vperm.xlane v20, v4  }
0x257: {  	v21 =	vmul.f32 v28, v59  }
0x258: {  	v20 =	vadd.f32 v20, v60  }
0x259: {  	[tilespmem:s7+$0xFFFFFF70] =	vst v21  }
0x25a: {  	v20 =	vadd.f32 v20, v51;
	v21 =	vld [tilespmem:s6+$0xFFFFFF60];
	_ =	sdelay $0x1  }
0x25b: {  	v20 =	vmul.f32 $1.442695020e+00, v20  }
0x25c: {  	v61 =	vbroadcast v42, $0x4  }
0x25d: {  	(erf) = vpow2.f32 v20  }
0x25e: {  	v62 =	vmul.f32 v21, v61;
	_ =	sdelay $0x1  }
0x25f: {  	v63 =	vmul.f32 v25, v37;
	v19 =	vmul.f32 v22, v19;
	[tilespmem:s7+$0xFFFFFF80] =	vst v62  }
0x260: {  	v33 =	vmul.f32 v48, v41;
	v32 =	vmul.f32 v46, v50;
	v29 =	vld [tilespmem:s6+$0xFFFFFF70]  }
0x261: {  	v23 =	vmul.f32 v23, v41;
	v26 =	vmul.f32 v26, v41  }
0x262: {  	v34 =	vadd.f32 v32, v33;
	v18 =	vmul.f32 v18, v41;
	v28 =	vmul.f32 v38, v24  }
0x263: {  	v19 =	vadd.f32 v19, v23;
	v35 =	vbroadcast v42, $0xC  }
0x264: {  	v25 =	vperm.xlane v34, v1;
	v18 =	vadd.f32 v28, v18;
	v21 =	vadd.f32 v63, v26  }
0x265: {  	v39 =	vperm.xlane v19, v1;
	v38 =	vpop (erf);
	v22 =	vmul.f32 v29, v35  }
0x266: {  	v37 =	vperm.xlane v18, v1;
	v40 =	vperm.xlane v21, v1;
	[tilespmem:s7+$0xFFFFFFF0] =	vst v38  }
0x267: {  	v19 =	vadd.f32 v19, v39;
	v20 =	vadd.f32 v34, v25;
	[tilespmem:s7+$0xFFFFFF90] =	vst v22  }
0x268: {  	v18 =	vadd.f32 v18, v37;
	v21 =	vadd.f32 v21, v40;
	v22 =	vld [tilespmem:s6+$0xFFFFFFC0];
	_ =	sdelay $0x1  }
0x269: {  	v18 =	vsel vm0, v20, v18;
	v41 =	vbroadcast v38, $0x0;
	v19 =	vsel vm0, v21, v19  }
0x26a: {  	v20 =	vperm.xlane v18, v2;
	v21 =	vperm.xlane v19, v2;
	_ =	sdelay $0x1  }
0x26b: {  	v18 =	vadd.f32 v20, v18;
	v19 =	vadd.f32 v19, v21;
	v42 =	vmul.f32 v22, v41;
	_ =	sdelay $0x1  }
0x26c: {  	v18 =	vsel vm1, v18, v19;
	[tilespmem:s7+$0xFFFFFFB0] =	vst v42  }
0x26d: {  	v19 =	vperm.xlane v18, v3;
	v20 =	vld [tilespmem:s6+$0xFFFFFFD0];
	_ =	sdelay $0x1  }
0x26e: {  	v18 =	vadd.f32 v18, v19  }
0x26f: {  	v43 =	vbroadcast v38, $0x8  }
0x270: {  	v44 =	vperm.xlane v18, v4  }
0x271: {  	v19 =	vmul.f32 v20, v43  }
0x272: {  	v18 =	vadd.f32 v18, v44  }
0x273: {  	[tilespmem:s7+$0xFFFFFFC0] =	vst v19  }
0x274: {  	v17 =	vadd.f32 v18, v17;
	v45 =	vld [tilespmem:s6+$0xFFFFFFE0];
	_ =	sdelay $0x1  }
0x275: {  	v17 =	vmul.f32 $1.442695020e+00, v17  }
0x276: {  	v46 =	vbroadcast v38, $0x4  }
0x277: {  	(erf) = vpow2.f32 v17  }
0x278: {  	v47 =	vmul.f32 v45, v46;
	_ =	sdelay $0x1  }
0x279: {  	v6 =	vmul.f32 v6, v8;
	v8 =	vmul.f32 v9, v10;
	[tilespmem:s7+$0xFFFFFFD0] =	vst v47  }
0x27a: {  	v49 =	vmul.f32 v12, v55;
	v48 =	vmul.f32 v11, v13;
	v50 =	vld [tilespmem:s6+$0xFFFFFFF0]  }
0x27b: {  	v52 =	vmul.f32 v15, v55;
	v51 =	vmul.f32 v14, v16  }
0x27c: {  	v7 =	vmul.f32 v7, v55;
	v9 =	vadd.f32 v48, v49;
	v53 =	vmul.f32 v30, v55  }
0x27d: {  	v54 =	vadd.f32 v51, v52;
	v55 =	vbroadcast v38, $0xC  }
0x27e: {  	v7 =	vadd.f32 v8, v7;
	v6 =	vadd.f32 v6, v53;
	v56 =	vperm.xlane v9, v1  }
0x27f: {  	v8 =	vperm.xlane v54, v1;
	v57 =	vpop (erf);
	v11 =	vmul.f32 v50, v55  }
0x280: {  	v58 =	vperm.xlane v6, v1;
	v59 =	vperm.xlane v7, v1;
	[tilespmem:s7+$0x40] =	vst v57  }
0x281: {  	v9 =	vadd.f32 v9, v56;
	v8 =	vadd.f32 v54, v8;
	[tilespmem:s7+$0xFFFFFFE0] =	vst v11  }
0x282: {  	v6 =	vadd.f32 v6, v58;
	v7 =	vadd.f32 v7, v59;
	v60 =	vld [tilespmem:s6+$0x40]  }
0x283: {  	v8 =	vsel vm0, v8, v9  }
0x284: {  	v6 =	vsel vm0, v7, v6;
	v7 =	vperm.xlane v8, v2  }
0x285: {  	v61 =	vperm.xlane v6, v2;
	v62 =	vbroadcast v57, $0x0;
	_ =	sdelay $0x1  }
0x286: {  	v7 =	vadd.f32 v7, v8;
	v6 =	vadd.f32 v6, v61;
	v8 =	vmul.f32 v60, v62;
	_ =	sdelay $0x1  }
0x287: {  	v6 =	vsel vm1, v7, v6;
	[tilespmem:s7+$0x0] =	vst v8  }
0x288: {  	v7 =	vperm.xlane v6, v3;
	v8 =	vld [tilespmem:s6+$0x50];
	_ =	sdelay $0x1  }
0x289: {  	v6 =	vadd.f32 v6, v7  }
0x28a: {  	v7 =	vbroadcast v57, $0x8  }
0x28b: {  	v63 =	vperm.xlane v6, v4  }
0x28c: {  	v7 =	vmul.f32 v8, v7  }
0x28d: {  	v6 =	vadd.f32 v6, v63  }
0x28e: {  	[tilespmem:s7+$0x10] =	vst v7  }
0x28f: {  	v5 =	vadd.f32 v6, v5;
	v6 =	vld [tilespmem:s6+$0x60];
	_ =	sdelay $0x1  }
0x290: {  	v5 =	vmul.f32 $1.442695020e+00, v5  }
0x291: {  	v7 =	vbroadcast v57, $0x4  }
0x292: {  	(erf) = vpow2.f32 v5  }
0x293: {  	v5 =	vmul.f32 v6, v7;
	_ =	sdelay $0x1  }
0x294: {  	[tilespmem:s7+$0x20] =	vst v5  }
0x295: {  	v5 =	vld [tilespmem:s6+$0x70];
	_ =	sdelay $0x2  }
0x296: {  	v6 =	vbroadcast v57, $0xC;
	_ =	sdelay $0x1  }
0x297: {  	v7 =	vpop (erf);
	v5 =	vmul.f32 v5, v6  }
0x298: {  	[tilespmem:s7+$0x90] =	vst v7  }
0x299: {  	[tilespmem:s7+$0x30] =	vst v5  }
0x29a: {  	v5 =	vld [tilespmem:s6+$0xC0];
	_ =	sdelay $0x2  }
0x29b: {  	v6 =	vbroadcast v7, $0x0;
	_ =	sdelay $0x1  }
0x29c: {  	v5 =	vmul.f32 v5, v6;
	_ =	sdelay $0x1  }
0x29d: {  	[tilespmem:s7+$0x50] =	vst v5  }
0x29e: {  	v5 =	vld [tilespmem:s6+$0xD0];
	_ =	sdelay $0x2  }
0x29f: {  	v6 =	vbroadcast v7, $0x8;
	_ =	sdelay $0x1  }
0x2a0: {  	v5 =	vmul.f32 v5, v6;
	_ =	sdelay $0x1  }
0x2a1: {  	[tilespmem:s7+$0x60] =	vst v5  }
0x2a2: {  	v5 =	vld [tilespmem:s6+$0xE0];
	_ =	sdelay $0x2  }
0x2a3: {  	v6 =	vbroadcast v7, $0x4;
	_ =	sdelay $0x1  }
0x2a4: {  	v5 =	vmul.f32 v5, v6;
	_ =	sdelay $0x1  }
0x2a5: {  	[tilespmem:s7+$0x70] =	vst v5  }
0x2a6: {  	v5 =	vld [tilespmem:s6+$0xF0];
	_ =	sdelay $0x2  }
0x2a7: {  	s8 =	simm.s32 $0x1C0;
	s0 =	simm.s32 $0xB7C0;
	v6 =	vbroadcast v7, $0xC  }
.LBB2_5:
0x2a8: {  	_ = 	snop  }
0x2a9: {  	s7 =	sadd.s32 $0x140, s7;
	s5 =	sadd.s32 $0x240, s5;
	s6 =	sadd.s32 $0x200, s6;
	v5 =	vmul.f32 v5, v6  }
0x2aa: {  	p0 =	sne.s32 s8, $0x13C0;
	s1 =	smov.u32 s8;
	s8 =	sadd.s32 $0x100, s8  }
0x2ab: {  	[tilespmem:s0+$0x80] =	vst v5;
	s0 =	smov.u32 s7  }
0x2ac: {  	v5 =	vld [tilespmem:s5+$0x110]  }
0x2ad: {  	v6 =	vld [tilespmem:s6+$0xB0]  }
0x2ae: {  	v7 =	vld [tilespmem:s6+$0xFFFFFF10]  }
0x2af: {  	v8 =	vld [tilespmem:s5+$0xFFFFFF30]  }
0x2b0: {  	v9 =	vld [tilespmem:s6+$0xFFFFFF30]  }
0x2b1: {  	v11 =	vld [tilespmem:s5+$0xFFFFFF50]  }
0x2b2: {  	v10 =	vld [tilespmem:s5+$0xFFFFFF10]  }
0x2b3: {  	v12 =	vld [tilespmem:s6+$0xFFFFFF20]  }
0x2b4: {  	v13 =	vld [tilespmem:s5+$0xFFFFFF40]  }
0x2b5: {  	v14 =	vld [tilespmem:s5+$0xFFFFFF00]  }
0x2b6: {  	v15 =	vld [tilespmem:s6+$0xFFFFFF00]  }
0x2b7: {  	v16 =	vld [tilespmem:s5+$0xFFFFFF20];
	v9 =	vmul.f32 v9, v10  }
0x2b8: {  	s1 =	sshra.s32 s1, $0x2;
	v10 =	vld [tilespmem:s5+$0xFFFFFEE0]  }
0x2b9: {  	v17 =	vld [tilespmem:s1+$0x7F0]  }
0x2ba: {  	v18 =	vld [tilespmem:s5+$0xFFFFFEF0];
	v12 =	vmul.f32 v12, v14  }
0x2bb: {  	v14 =	vld [tilespmem:s5+$0xC0]  }
0x2bc: {  	v19 =	vld [tilespmem:s6+$0xA0]  }
0x2bd: {  	v15 =	vmul.f32 v15, v10;
	v10 =	vld [tilespmem:s5+$0xF0]  }
0x2be: {  	v16 =	vmul.f32 v16, v17;
	v20 =	vmul.f32 v11, v17;
	v21 =	vld [tilespmem:s5+$0xB0]  }
0x2bf: {  	v13 =	vmul.f32 v13, v17;
	v7 =	vmul.f32 v7, v18;
	v11 =	vld [tilespmem:s6+$0x90]  }
0x2c0: {  	v15 =	vadd.f32 v15, v16;
	v16 =	vmul.f32 v8, v17;
	v17 =	vadd.f32 v9, v20;
	v9 =	vld [tilespmem:s5+$0xE0]  }
0x2c1: {  	v18 =	vadd.f32 v12, v13;
	v8 =	vmul.f32 v6, v14;
	v13 =	vld [tilespmem:s5+$0xA0]  }
0x2c2: {  	v6 =	vperm.xlane v15, v1;
	v14 =	vadd.f32 v7, v16;
	v16 =	vperm.xlane v17, v1;
	v20 =	vld [tilespmem:s6+$0x80]  }
0x2c3: {  	v22 =	vperm.xlane v18, v1;
	v12 =	vld [tilespmem:s5+$0xD0];
	v7 =	vmul.f32 v19, v21  }
0x2c4: {  	v15 =	vadd.f32 v15, v6;
	v19 =	vperm.xlane v14, v1;
	v16 =	vadd.f32 v17, v16;
	v17 =	vld [tilespmem:s5+$0x90]  }
0x2c5: {  	v18 =	vadd.f32 v18, v22;
	v6 =	vld [tilespmem:s5+$0x80]  }
0x2c6: {  	v14 =	vadd.f32 v14, v19;
	v19 =	vld [tilespmem:s6+$0x30]  }
0x2c7: {  	v16 =	vsel vm0, v18, v16;
	v18 =	vld [tilespmem:s5+$0x70]  }
0x2c8: {  	v14 =	vsel vm0, v15, v14;
	v15 =	vperm.xlane v16, v2;
	v21 =	vld [tilespmem:s5+$0x30]  }
0x2c9: {  	v22 =	vperm.xlane v14, v2;
	v23 =	vld [tilespmem:s6+$0x20];
	v17 =	vmul.f32 v20, v17  }
0x2ca: {  	v15 =	vadd.f32 v16, v15;
	v16 =	vld [tilespmem:s5+$0x60]  }
0x2cb: {  	v14 =	vadd.f32 v22, v14;
	v20 =	vld [tilespmem:s6+$0xFFFFFFA0]  }
0x2cc: {  	v22 =	vld [tilespmem:s5+$0xFFFFFF90]  }
0x2cd: {  	v14 =	vsel vm1, v14, v15;
	v15 =	vld [tilespmem:s5+$0xFFFFFFB0];
	v19 =	vmul.f32 v19, v21  }
0x2ce: {  	v21 =	vperm.xlane v14, v3;
	v24 =	vld [tilespmem:s6+$0xFFFFFFB0]  }
0x2cf: {  	v25 =	vld [tilespmem:s5+$0xFFFFFFA0]  }
0x2d0: {  	v14 =	vadd.f32 v14, v21;
	v21 =	vld [tilespmem:s5+$0xFFFFFFD0]  }
0x2d1: {  	v26 =	vld [tilespmem:s5+$0xFFFFFF60]  }
0x2d2: {  	v27 =	vperm.xlane v14, v4;
	v28 =	vld [tilespmem:s6+$0xFFFFFF90]  }
0x2d3: {  	v29 =	vld [tilespmem:s5+$0xFFFFFFC0]  }
0x2d4: {  	v14 =	vadd.f32 v14, v27;
	v27 =	vld [tilespmem:s5+$0xFFFFFFE0];
	v24 =	vmul.f32 v24, v25  }
0x2d5: {  	v25 =	vld [tilespmem:s1+$0x800]  }
0x2d6: {  	v14 =	vadd.f32 v14, v26;
	v26 =	vld [tilespmem:s5+$0xFFFFFF80]  }
0x2d7: {  	v30 =	vld [tilespmem:s5+$0xFFFFFF70]  }
0x2d8: {  	v14 =	vmul.f32 $1.442695020e+00, v14;
	v31 =	vld [tilespmem:s6+$0xFFFFFF80]  }
0x2d9: {  	v20 =	vmul.f32 v20, v22;
	v22 =	vld [tilespmem:s5+$0x20]  }
0x2da: {  	v27 =	vmul.f32 v27, v25;
	v32 =	vld [tilespmem:s6+$0x10];
	(erf) = vpow2.f32 v14  }
0x2db: {  	v14 =	vmul.f32 v28, v26;
	v26 =	vmul.f32 v29, v25;
	v28 =	vld [tilespmem:s5+$0x50]  }
0x2dc: {  	v15 =	vmul.f32 v15, v25;
	v21 =	vmul.f32 v21, v25;
	v25 =	vld [tilespmem:s5+$0x10]  }
0x2dd: {  	v24 =	vadd.f32 v24, v27;
	v29 =	vmul.f32 v31, v30;
	v14 =	vadd.f32 v14, v26;
	v26 =	vld [tilespmem:s6+$0x0]  }
0x2de: {  	v20 =	vadd.f32 v20, v21;
	v21 =	vld [tilespmem:s5+$0x40];
	v22 =	vmul.f32 v23, v22  }
0x2df: {  	v27 =	vperm.xlane v24, v1;
	v15 =	vadd.f32 v29, v15;
	v23 =	vperm.xlane v14, v1;
	v29 =	vld [tilespmem:s5+$0x0]  }
0x2e0: {  	v30 =	vperm.xlane v20, v1;
	v31 =	vld [tilespmem:s5+$0xFFFFFFF0]  }
0x2e1: {  	v33 =	vperm.xlane v15, v1;
	v14 =	vadd.f32 v14, v23;
	v23 =	vadd.f32 v24, v27;
	v24 =	vld [tilespmem:s5+$0x100]  }
0x2e2: {  	v20 =	vadd.f32 v20, v30;
	v25 =	vmul.f32 v32, v25;
	v27 =	vld [tilespmem:s1+$0x820]  }
0x2e3: {  	v15 =	vadd.f32 v15, v33;
	v30 =	vld [tilespmem:s1+$0x810];
	v32 =	vpop (erf)  }
0x2e4: {  	v20 =	vsel vm0, v20, v23;
	v23 =	vmul.f32 v26, v29;
	[tilespmem:s7+$0xFFFFFFA0] =	vst v32  }
0x2e5: {  	v14 =	vsel vm0, v15, v14;
	v15 =	vperm.xlane v20, v2;
	v26 =	vld [tilespmem:s6+$0xFFFFFF40]  }
0x2e6: {  	v11 =	vmul.f32 v11, v13;
	v29 =	vperm.xlane v14, v2  }
0x2e7: {  	v13 =	vadd.f32 v20, v15;
	v15 =	vmul.f32 v24, v27;
	v20 =	vbroadcast v32, $0x0  }
0x2e8: {  	v10 =	vmul.f32 v10, v27;
	v14 =	vadd.f32 v29, v14;
	v21 =	vmul.f32 v21, v30  }
0x2e9: {  	v12 =	vmul.f32 v12, v27;
	v18 =	vmul.f32 v18, v30  }
0x2ea: {  	v13 =	vsel vm1, v14, v13;
	v14 =	vmul.f32 v28, v30;
	v20 =	vmul.f32 v26, v20  }
0x2eb: {  	v16 =	vmul.f32 v16, v30;
	v18 =	vadd.f32 v19, v18;
	v24 =	vperm.xlane v13, v3  }
0x2ec: {  	v9 =	vmul.f32 v9, v27;
	v12 =	vadd.f32 v17, v12;
	v14 =	vadd.f32 v25, v14;
	[tilespmem:s7+$0xFFFFFF60] =	vst v20  }
0x2ed: {  	v17 =	vadd.f32 v23, v21;
	v19 =	vperm.xlane v18, v1;
	v13 =	vadd.f32 v13, v24;
	v20 =	vld [tilespmem:s6+$0xFFFFFF50]  }
0x2ee: {  	v9 =	vadd.f32 v11, v9;
	v8 =	vadd.f32 v8, v15;
	v21 =	vperm.xlane v14, v1  }
0x2ef: {  	v15 =	vadd.f32 v22, v16;
	v16 =	vbroadcast v32, $0x8;
	v11 =	vperm.xlane v13, v4  }
0x2f0: {  	v22 =	vperm.xlane v8, v1;
	v18 =	vadd.f32 v18, v19;
	v19 =	vperm.xlane v9, v1  }
0x2f1: {  	v7 =	vadd.f32 v7, v10;
	v11 =	vadd.f32 v13, v11;
	v13 =	vperm.xlane v17, v1  }
0x2f2: {  	v10 =	vadd.f32 v14, v21;
	v14 =	vperm.xlane v15, v1;
	v16 =	vmul.f32 v20, v16  }
0x2f3: {  	v11 =	vadd.f32 v11, v31;
	v13 =	vadd.f32 v17, v13;
	v17 =	vperm.xlane v12, v1  }
0x2f4: {  	v9 =	vadd.f32 v9, v19;
	v14 =	vadd.f32 v15, v14;
	v15 =	vperm.xlane v7, v1;
	[tilespmem:s7+$0xFFFFFF70] =	vst v16  }
0x2f5: {  	v11 =	vmul.f32 $1.442695020e+00, v11;
	v10 =	vsel vm0, v13, v10;
	v13 =	vld [tilespmem:s6+$0xFFFFFF60]  }
0x2f6: {  	v14 =	vsel vm0, v14, v18;
	v7 =	vadd.f32 v7, v15;
	v12 =	vadd.f32 v12, v17  }
0x2f7: {  	v15 =	vbroadcast v32, $0x4;
	(erf) = vpow2.f32 v11  }
0x2f8: {  	v8 =	vadd.f32 v8, v22;
	v16 =	vperm.xlane v14, v2;
	v11 =	vperm.xlane v10, v2  }
0x2f9: {  	v9 =	vsel vm0, v12, v9  }
0x2fa: {  	v7 =	vsel vm0, v7, v8;
	v12 =	vadd.f32 v14, v16;
	v8 =	vmul.f32 v13, v15  }
0x2fb: {  	v10 =	vadd.f32 v11, v10;
	v11 =	vperm.xlane v9, v2;
	v13 =	vperm.xlane v7, v2  }
0x2fc: {  	[tilespmem:s7+$0xFFFFFF80] =	vst v8  }
0x2fd: {  	v9 =	vadd.f32 v11, v9;
	v8 =	vsel vm1, v10, v12;
	v7 =	vadd.f32 v7, v13;
	v10 =	vld [tilespmem:s6+$0xFFFFFF70]  }
0x2fe: {  	v11 =	vperm.xlane v8, v3  }
0x2ff: {  	v7 =	vsel vm1, v9, v7;
	v9 =	vbroadcast v32, $0xC  }
0x300: {  	v8 =	vadd.f32 v8, v11;
	v11 =	vperm.xlane v7, v3;
	v12 =	vpop (erf)  }
0x301: {  	[tilespmem:s7+$0xFFFFFFF0] =	vst v12  }
0x302: {  	v13 =	vperm.xlane v8, v4;
	v7 =	vadd.f32 v7, v11;
	v9 =	vmul.f32 v10, v9;
	_ =	sdelay $0x1  }
0x303: {  	v8 =	vadd.f32 v8, v13;
	v10 =	vperm.xlane v7, v4;
	[tilespmem:s7+$0xFFFFFF90] =	vst v9  }
0x304: {  	v9 =	vld [tilespmem:s6+$0xFFFFFFC0]  }
0x305: {  	v6 =	vadd.f32 v8, v6;
	v7 =	vadd.f32 v7, v10;
	_ =	sdelay $0x1  }
0x306: {  	v6 =	vmul.f32 $1.442695020e+00, v6;
	v5 =	vadd.f32 v7, v5;
	v7 =	vbroadcast v12, $0x0;
	_ =	sdelay $0x1  }
0x307: {  	v5 =	vmul.f32 $1.442695020e+00, v5;
	v7 =	vmul.f32 v9, v7;
	_ =	sdelay $0x1  }
0x308: {  	[tilespmem:s7+$0xFFFFFFB0] =	vst v7  }
0x309: {  	v7 =	vld [tilespmem:s6+$0xFFFFFFD0];
	_ =	sdelay $0x2  }
0x30a: {  	v8 =	vbroadcast v12, $0x8;
	_ =	sdelay $0x1  }
0x30b: {  	v7 =	vmul.f32 v7, v8;
	_ =	sdelay $0x1  }
0x30c: {  	[tilespmem:s7+$0xFFFFFFC0] =	vst v7;
	(erf) = vpow2.f32 v6  }
0x30d: {  	v6 =	vld [tilespmem:s6+$0xFFFFFFE0];
	_ =	sdelay $0x2  }
0x30e: {  	v7 =	vbroadcast v12, $0x4;
	_ =	sdelay $0x1  }
0x30f: {  	v6 =	vmul.f32 v6, v7;
	_ =	sdelay $0x1  }
0x310: {  	[tilespmem:s7+$0xFFFFFFD0] =	vst v6  }
0x311: {  	v6 =	vld [tilespmem:s6+$0xFFFFFFF0];
	v7 =	vpop (erf)  }
0x312: {  	[tilespmem:s7+$0x40] =	vst v7;
	_ =	sdelay $0x1  }
0x313: {  	v8 =	vbroadcast v12, $0xC;
	_ =	sdelay $0x1  }
0x314: {  	v6 =	vmul.f32 v6, v8;
	_ =	sdelay $0x1  }
0x315: {  	[tilespmem:s7+$0xFFFFFFE0] =	vst v6  }
0x316: {  	v6 =	vld [tilespmem:s6+$0x40];
	_ =	sdelay $0x2  }
0x317: {  	v8 =	vbroadcast v7, $0x0;
	_ =	sdelay $0x1  }
0x318: {  	v6 =	vmul.f32 v6, v8;
	_ =	sdelay $0x1  }
0x319: {  	[tilespmem:s7+$0x0] =	vst v6  }
0x31a: {  	v6 =	vld [tilespmem:s6+$0x50];
	_ =	sdelay $0x2  }
0x31b: {  	v8 =	vbroadcast v7, $0x8;
	_ =	sdelay $0x1  }
0x31c: {  	v6 =	vmul.f32 v6, v8;
	_ =	sdelay $0x1  }
0x31d: {  	[tilespmem:s7+$0x10] =	vst v6;
	(erf) = vpow2.f32 v5  }
0x31e: {  	v5 =	vld [tilespmem:s6+$0x60];
	_ =	sdelay $0x2  }
0x31f: {  	v6 =	vbroadcast v7, $0x4;
	_ =	sdelay $0x1  }
0x320: {  	v5 =	vmul.f32 v5, v6;
	_ =	sdelay $0x1  }
0x321: {  	[tilespmem:s7+$0x20] =	vst v5  }
0x322: {  	v5 =	vld [tilespmem:s6+$0x70];
	v6 =	vpop (erf)  }
0x323: {  	[tilespmem:s7+$0x90] =	vst v6;
	_ =	sdelay $0x1  }
0x324: {  	v7 =	vbroadcast v7, $0xC;
	_ =	sdelay $0x1  }
0x325: {  	v5 =	vmul.f32 v5, v7;
	_ =	sdelay $0x1  }
0x326: {  	[tilespmem:s7+$0x30] =	vst v5  }
0x327: {  	v5 =	vld [tilespmem:s6+$0xC0];
	_ =	sdelay $0x2  }
0x328: {  	v7 =	vbroadcast v6, $0x0;
	_ =	sdelay $0x1  }
0x329: {  	v5 =	vmul.f32 v5, v7;
	_ =	sdelay $0x1  }
0x32a: {  	[tilespmem:s7+$0x50] =	vst v5  }
0x32b: {  	v5 =	vld [tilespmem:s6+$0xD0];
	_ =	sdelay $0x2  }
0x32c: {  	v7 =	vbroadcast v6, $0x8;
	_ =	sdelay $0x1  }
0x32d: {  	v5 =	vmul.f32 v5, v7;
	_ =	sdelay $0x1  }
0x32e: {  	[tilespmem:s7+$0x60] =	vst v5  }
0x32f: {  	v5 =	vld [tilespmem:s6+$0xE0];
	_ =	sdelay $0x2  }
0x330: {  	v7 =	vbroadcast v6, $0x4;
	_ =	sdelay $0x1  }
0x331: {  	v5 =	vmul.f32 v5, v7;
	_ =	sdelay $0x1  }
.Ltmp1:
0x332: {  	[tilespmem:s7+$0x70] =	vst v5;
	(pc) =	sbr.rel @p0 .LBB2_5-.Ltmp1, $2  }
0x333: {  	v5 =	vld [tilespmem:s6+$0xF0];
	_ =	sdelay $0x2  }
0x334: {  	v6 =	vbroadcast v6, $0xC  }
0x335: {  	_ = 	snop  }
0x336: {  	s20 =	sadd.s32 $0x1, s20;
	v5 =	vmul.f32 v5, v6  }
0x337: {  	p0 =	sne.s32 s20, $0x7D  }
.Ltmp2:
0x338: {  	s24 =	simm.s32 $0x190;
	[tilespmem:s0+$0x80] =	vst v5;
	(pc) =	sbr.rel @p0 .LBB2_2-.Ltmp2, $4  }
0x339: {  	[spmem:s12] =	stream.indirect.scatter.add.f32 [tilespmem:s25], [sflag:$0xB], $0x50, s24, s2, $0xb8;
	[tilespmem:$0x19820] =	vst v63  }
0x33a: {  	_ =	swait.ge [sflag:s31], $0x1900  }
0x33b: {  	[sflag:s31] =	ssyncset.done $0x0  }
0x33c: {  	[sflag:s31] =	ssyncadd.s32 $0xFFFFE700  }
0x33d: {  	[bflag:$0x0] =	sbarrier.arrive $0xFFFF  }
0x33e: {  	s0 =	rddreg [dreg:$0x4]  }
0x33f: {  	s1 =	rddreg [dreg:$0x1f]  }
0x340: {  	[hbm:s0], [sflag:s21] =	dma.local [spmem:s1], $0x280  }
0x341: {  	_ =	swait.ge [sflag:s31], $0x280  }
0x342: {  	s9 =	sld [smem:$0x7F5]  }
0x343: {  	[sflag:s31] =	ssyncset.done $0x0  }
0x344: {  	s8 =	rddreg [dreg:$0x5];
	[sflag:s31] =	ssyncadd.s32 $0xFFFFFD80  }
0x345: {  	[hbm:s8], [sflag:s21] =	dma.local [spmem:s9], $0x280  }
0x346: {  	_ =	swait.ge [sflag:s31], $0x280  }
0x347: {  	s24 =	sld [smem:$0x7F6]  }
0x348: {  	[sflag:s31] =	ssyncset.done $0x0  }
0x349: {  	s20 =	rddreg [dreg:$0x6];
	[sflag:s31] =	ssyncadd.s32 $0xFFFFFD80  }
0x34a: {  	[hbm:s20], [sflag:s21] =	dma.local [spmem:s24], $0x280  }
0x34b: {  	_ =	swait.ge [sflag:s31], $0x280  }
0x34c: {  	s5 =	sld [smem:$0x7F7]  }
0x34d: {  	[sflag:s31] =	ssyncset.done $0x0  }
0x34e: {  	s1 =	rddreg [dreg:$0x7];
	[sflag:s31] =	ssyncadd.s32 $0xFFFFFD80  }
0x34f: {  	[hbm:s1], [sflag:s21] =	dma.local [spmem:s5], $0x280  }
0x350: {  	_ =	swait.ge [sflag:s31], $0x280  }
0x351: {  	s7 =	sld [smem:$0x7F8]  }
0x352: {  	[sflag:s31] =	ssyncset.done $0x0  }
0x353: {  	s6 =	rddreg [dreg:$0x8];
	[sflag:s31] =	ssyncadd.s32 $0xFFFFFD80  }
0x354: {  	[hbm:s6], [sflag:s21] =	dma.local [spmem:s7], $0x280  }
0x355: {  	_ =	swait.ge [sflag:s31], $0x280  }
0x356: {  	s9 =	sld [smem:$0x7F9]  }
0x357: {  	[sflag:s31] =	ssyncset.done $0x0  }
0x358: {  	s8 =	rddreg [dreg:$0x9];
	[sflag:s31] =	ssyncadd.s32 $0xFFFFFD80  }
0x359: {  	[hbm:s8], [sflag:s21] =	dma.local [spmem:s9], $0x280  }
0x35a: {  	_ =	swait.ge [sflag:s31], $0x280  }
0x35b: {  	s24 =	sld [smem:$0x7FA]  }
0x35c: {  	[sflag:s31] =	ssyncset.done $0x0  }
0x35d: {  	s20 =	rddreg [dreg:$0xa];
	[sflag:s31] =	ssyncadd.s32 $0xFFFFFD80  }
0x35e: {  	[hbm:s20], [sflag:s21] =	dma.local [spmem:s24], $0x280  }
0x35f: {  	_ =	swait.ge [sflag:s31], $0x280  }
0x360: {  	s5 =	sld [smem:$0x7FB]  }
0x361: {  	[sflag:s31] =	ssyncset.done $0x0  }
0x362: {  	s1 =	rddreg [dreg:$0xb];
	[sflag:s31] =	ssyncadd.s32 $0xFFFFFD80  }
0x363: {  	[hbm:s1], [sflag:s21] =	dma.local [spmem:s5], $0x280  }
0x364: {  	_ =	swait.ge [sflag:s31], $0x280  }
0x365: {  	s7 =	sld [smem:$0x7FC]  }
0x366: {  	[sflag:s31] =	ssyncset.done $0x0  }
0x367: {  	s6 =	rddreg [dreg:$0xc];
	[sflag:s31] =	ssyncadd.s32 $0xFFFFFD80  }
0x368: {  	[hbm:s6], [sflag:s21] =	dma.local [spmem:s7], $0x280  }
0x369: {  	_ =	swait.ge [sflag:s31], $0x280  }
0x36a: {  	s9 =	sld [smem:$0x7FD]  }
0x36b: {  	[sflag:s31] =	ssyncset.done $0x0  }
0x36c: {  	s8 =	rddreg [dreg:$0xd];
	[sflag:s31] =	ssyncadd.s32 $0xFFFFFD80  }
0x36d: {  	[hbm:s8], [sflag:s21] =	dma.local [spmem:s9], $0x280  }
0x36e: {  	_ =	swait.ge [sflag:s31], $0x280  }
0x36f: {  	s20 =	sld [smem:$0x7F4];
	_ =	sdelay $0x2  }
0x370: {  	s24 =	rddreg [dreg:$0x14];
	s1 =	sadd.s32 $0x1, s20  }
0x371: {  	p0 =	sne.s32 s1, s24  }
.Ltmp3:
0x372: {  	_ = 	snop;
	(pc) =	sbr.rel @p0 .LBB2_1-.Ltmp3, $3  }
0x373: {  	_ =	sdelay $0x1  }
0x374: {  	[sflag:s31] =	ssyncset.done $0x0  }
0x375: {  	[sflag:s31] =	ssyncadd.s32 $0xFFFFFD80  }
0x376: {  	_ =	sfence.sel $0x180000  }
0x377: {  	[bflag:$0x0] =	sbarrier.arrive $0xFFFF  }
0x378: {  	_ =	strace $0x90000047  }
0x379: {  	s0 =	stileid.u32;
	[bflag:$0x2] =	sbarrier.arrive $0xFFFF  }
0x37a: {  	p0 =	sne.s32 s0, $0x0;
	s0 =	rddreg [dreg:$0x3]  }
0x37b: {  	s0 =	sadd.s32 @!p0 $0x100000, s0  }
0x37c: {  	[sflag:s0] =	ssyncadd.tile.s32 @!p0 $0x1;
	_ =	shalt  }
.Lfunc_end2:
_tile_overlayer_lowered:
.L_overlay_start_2:
0x37d: {  	(tag) =	ssettag $0x2  }
0x37e: {  	s0 =	rddreg [dreg:$0x0];
	s2 =	stileid.u32  }
0x37f: {  	s1 =	rddreg [dreg:$0x1];
	p0 =	sne.s32 s2, $0x0  }
0x380: {  	s3 =	rddreg [dreg:$0x2];
	[bflag:$0x3] =	sbarrier.arrive $0xFFFF;
	s2 =	simm.s32 @!p0 $0x1C0B  }
0x381: {  	[timem:s3], [sflag:s2] =	dma.local @!p0 [hbm:s0], s1  }
0x382: {  	s0 =	simm.s32 @!p0 $0xB  }
0x383: {  	_ =	swait.ge @!p0 [sflag:s0], s1  }
0x384: {  	s1 =	ssub.s32 @!p0 $0x0, s1;
	[sflag:s0] =	ssyncset.done @!p0 $0x0  }
0x385: {  	[sflag:s0] =	ssyncadd.s32 @!p0 s1  }
0x386: {  	[bflag:$0x3] =	sbarrier.arrive $0xFFFF  }
0x387: {  	_ =	shalt  }

</sc_bundles>
